<compile_context>
chip_gen: v7x
topology: tpu7x:2x2x1
jax: 0.10.2.dev20260603
libtpu: 0.0.44.dev20260713+nightly
codegen_flags: <defaults>
</compile_context>

<pallas_src>
import functools

import jax
import jax.numpy as jnp
from jax import lax
from jax.experimental import pallas as pl
from jax.experimental.pallas import tpu as pltpu
from jax.experimental.pallas import tpu_sc as plsc

N = 10000
E = 160000
D_IN = 256
D_HID = 128
DH2 = D_HID // 2
N_CLS = 2

NC = 2
NS = 16
CH = 128
NB = 5
K2_KCH = 80
K2_EPT = K2_KCH * CH
K4_KCH = 40
R = 10240
ZR = 128
RPS = R // NS
ZB = RPS // CH
BR = 2000


def _mm1_body(x_ref, wl_ref, wr_ref, y_ref, r1_ref):
    xb = x_ref[...]
    y_ref[...] = jnp.dot(xb, wl_ref[...], preferred_element_type=jnp.float32)
    r1_ref[...] = jnp.dot(xb, wr_ref[...], preferred_element_type=jnp.float32)


def _k3_body(aggp_ref, cc_ref, r1_ref, b1_ref, w2b_ref, p_ref, kr_ref, u_ref):
    av2 = aggp_ref[...].reshape(R // 8, 8 * D_HID)
    rv2 = r1_ref[...].reshape(R // 8, 8 * D_HID)
    cnt8 = jnp.dot(cc_ref[0] + cc_ref[1], p_ref[...],
                   preferred_element_type=jnp.float32)
    inv8 = 1.0 / jnp.maximum(cnt8, 1.0)
    inv2 = jnp.dot(inv8, kr_ref[...],
                   preferred_element_type=jnp.float32)
    h2 = jnp.maximum(av2 * inv2 + rv2 + b1_ref[...], 0.0)
    u_ref[...] = jnp.dot(h2, w2b_ref[...], preferred_element_type=jnp.float32)


def _k5_body(a2p_ref, cntp_ref, u_ref, sh_ref, b2_ref, o_ref):
    a = a2p_ref[0] + a2p_ref[1]
    cnt = cntp_ref[0] + cntp_ref[1]
    inv = 1.0 / jnp.maximum(cnt, 1.0)
    r2 = jnp.dot(u_ref[...], sh_ref[...], preferred_element_type=jnp.float32)
    o_ref[...] = a * inv + r2 + b2_ref[...]


_MESH = plsc.VectorSubcoreMesh(core_axis_name="c", subcore_axis_name="s")


def _pipelined_edge_loop(table_h, src_v, dst_v, bufs, sgs, sss, acc_s, kch,
                         extra=None, off=1):
    def gsrc(j):
        return table_h.at[src_v.at[j]]

    for b in range(NB):
        pltpu.make_async_copy(gsrc(b), bufs[b], sgs[b]).start()

    def ebody(jj, carry):
        for b in range(NB):
            j = jj * NB + b
            pb = (b - off) % NB
            pltpu.make_async_copy(gsrc(j), bufs[b], sgs[b]).wait()
            pltpu.make_async_copy(bufs[b], acc_s.at[dst_v.at[j]], sss[b]).start(add=True)
            if extra is not None:
                extra(j)
            nj = j - off + NB

            @pl.when(jnp.logical_and(j >= off, nj < kch))
            def _():
                pltpu.make_async_copy(bufs[pb], acc_s.at[dst_v.at[j]], sss[pb]).wait()
                pltpu.make_async_copy(gsrc(nj), bufs[pb], sgs[pb]).start()

        return carry

    lax.fori_loop(0, kch // NB, ebody, 0)
    for b in range(NB):
        pltpu.make_async_copy(bufs[b], acc_s.at[dst_v.at[0]], sss[b]).wait()


def _sc_counts(dst_h, ones_h, z16_h, cntp_h, dst_v, ones_v, stage16, cnt_s, sc):
    c = lax.axis_index("c")
    s = lax.axis_index("s")
    pltpu.sync_copy(z16_h, stage16)
    pltpu.sync_copy(ones_h, ones_v)
    pltpu.sync_copy(dst_h.at[c, s], dst_v)
    base = s * RPS

    def zs(i, carry):
        pltpu.make_async_copy(stage16, cnt_s.at[pl.ds(base + i * ZR, ZR)], sc).start()
        return carry

    lax.fori_loop(0, RPS // ZR, zs, 0)

    def zw(i, carry):
        pltpu.make_async_copy(stage16, cnt_s.at[pl.ds(base, ZR)], sc).wait()
        return carry

    lax.fori_loop(0, RPS // ZR, zw, 0)
    plsc.subcore_barrier()

    def cs(j, carry):
        pltpu.make_async_copy(ones_v, cnt_s.at[dst_v.at[j]], sc).start(add=True)
        return carry

    lax.fori_loop(0, K4_KCH, cs, 0)

    def cw(j, carry):
        pltpu.make_async_copy(ones_v, cnt_s.at[dst_v.at[0]], sc).wait()
        return carry

    lax.fori_loop(0, K4_KCH, cw, 0)
    plsc.subcore_barrier()

    def dbody(i, carry):
        rows = pl.ds(base + i * ZR, ZR)
        pltpu.sync_copy(cnt_s.at[rows], stage16)
        pltpu.sync_copy(stage16, cntp_h.at[c, rows])
        return carry

    lax.fori_loop(0, RPS // ZR, dbody, 0)


_k0_call = functools.partial(
    pl.kernel,
    _sc_counts,
    out_type=jax.ShapeDtypeStruct((NC, R, 16), jnp.float32),
    mesh=_MESH,
    compiler_params=pltpu.CompilerParams(use_tc_tiling_on_sc=False),
    scratch_types=[
        pltpu.VMEM((K4_KCH, CH), jnp.int32),
        pltpu.VMEM((CH, 16), jnp.float32),
        pltpu.VMEM((ZR, 16), jnp.float32),
        pltpu.VMEM_SHARED((R, 16), jnp.float32),
        pltpu.SemaphoreType.DMA,
    ],
)()


def _sc_scatter1(ys_h, src_h, dst_h, zf_h, aggp_h,
                 src_v, dst_v, b0, b1, b2, b3, b4, acc_s,
                 sg0, sg1, sg2, sg3, sg4, ss0, ss1, ss2, ss3, ss4):
    bufs = (b0, b1, b2, b3, b4)
    sgs = (sg0, sg1, sg2, sg3, sg4)
    sss = (ss0, ss1, ss2, ss3, ss4)
    c = lax.axis_index("c")
    s = lax.axis_index("s")
    pltpu.sync_copy(zf_h, b0)
    pltpu.sync_copy(src_h.at[c, s], src_v)
    pltpu.sync_copy(dst_h.at[s], dst_v)
    base = s * RPS

    def zs(i, carry):
        pltpu.make_async_copy(b0, acc_s.at[pl.ds(base + i * CH, CH)], ss0).start()
        return carry

    lax.fori_loop(0, ZB, zs, 0)

    def zw(i, carry):
        pltpu.make_async_copy(b0, acc_s.at[pl.ds(base, CH)], ss0).wait()
        return carry

    lax.fori_loop(0, ZB, zw, 0)
    plsc.subcore_barrier()

    _pipelined_edge_loop(ys_h, src_v, dst_v, bufs, sgs, sss, acc_s, K2_KCH, off=2)
    plsc.subcore_barrier()

    def dbody(i, carry):
        rows = pl.ds(base + i * CH, CH)
        pltpu.sync_copy(acc_s.at[rows], b0)
        pltpu.sync_copy(b0, aggp_h.at[rows, pl.ds(c * DH2, DH2)])
        return carry

    lax.fori_loop(0, ZB, dbody, 0)


def _sc_scatter2(u_h, src_h, dst_h, z16_h, a2p_h,
                 src_v, dst_v, b0, b1, b2, b3, b4, stage16, acc_s,
                 sg0, sg1, sg2, sg3, sg4, ss0, ss1, ss2, ss3, ss4):
    bufs = (b0, b1, b2, b3, b4)
    sgs = (sg0, sg1, sg2, sg3, sg4)
    sss = (ss0, ss1, ss2, ss3, ss4)
    c = lax.axis_index("c")
    s = lax.axis_index("s")
    pltpu.sync_copy(z16_h, stage16)
    pltpu.sync_copy(src_h.at[c, s], src_v)
    pltpu.sync_copy(dst_h.at[c, s], dst_v)
    base = s * RPS

    def zs(i, carry):
        pltpu.make_async_copy(stage16, acc_s.at[pl.ds(base + i * ZR, ZR)], ss0).start()
        return carry

    lax.fori_loop(0, RPS // ZR, zs, 0)

    def zw(i, carry):
        pltpu.make_async_copy(stage16, acc_s.at[pl.ds(base, ZR)], ss0).wait()
        return carry

    lax.fori_loop(0, RPS // ZR, zw, 0)
    plsc.subcore_barrier()

    _pipelined_edge_loop(u_h, src_v, dst_v, bufs, sgs, sss, acc_s, K4_KCH, off=2)
    plsc.subcore_barrier()

    def dbody(i, carry):
        rows = pl.ds(base + i * ZR, ZR)
        pltpu.sync_copy(acc_s.at[rows], stage16)
        pltpu.sync_copy(stage16, a2p_h.at[c, rows])
        return carry

    lax.fori_loop(0, RPS // ZR, dbody, 0)


_k2_call = functools.partial(
    pl.kernel,
    _sc_scatter1,
    out_type=jax.ShapeDtypeStruct((R, D_HID), jnp.float32),
    mesh=_MESH,
    compiler_params=pltpu.CompilerParams(use_tc_tiling_on_sc=False),
    scratch_types=[
        pltpu.VMEM((K2_KCH, CH), jnp.int32),
        pltpu.VMEM((K2_KCH, CH), jnp.int32),
        pltpu.VMEM((CH, DH2), jnp.float32),
        pltpu.VMEM((CH, DH2), jnp.float32),
        pltpu.VMEM((CH, DH2), jnp.float32),
        pltpu.VMEM((CH, DH2), jnp.float32),
        pltpu.VMEM((CH, DH2), jnp.float32),
        pltpu.VMEM_SHARED((R, DH2), jnp.float32),
    ] + [pltpu.SemaphoreType.DMA] * 10,
)()

_k4_call = functools.partial(
    pl.kernel,
    _sc_scatter2,
    out_type=jax.ShapeDtypeStruct((NC, R, 16), jnp.float32),
    mesh=_MESH,
    compiler_params=pltpu.CompilerParams(use_tc_tiling_on_sc=False),
    scratch_types=[
        pltpu.VMEM((K4_KCH, CH), jnp.int32),
        pltpu.VMEM((K4_KCH, CH), jnp.int32),
        pltpu.VMEM((CH, 16), jnp.float32),
        pltpu.VMEM((CH, 16), jnp.float32),
        pltpu.VMEM((CH, 16), jnp.float32),
        pltpu.VMEM((CH, 16), jnp.float32),
        pltpu.VMEM((CH, 16), jnp.float32),
        pltpu.VMEM((ZR, 16), jnp.float32),
        pltpu.VMEM_SHARED((R, 16), jnp.float32),
    ] + [pltpu.SemaphoreType.DMA] * 10,
)()


def kernel(x, edge_index, W1_l, W1_r, b1, W2_l, W2_r, b2):
    src = edge_index[0].astype(jnp.int32)
    dst = edge_index[1].astype(jnp.int32)

    npad = NS * K2_EPT - E
    arp = jnp.arange(npad, dtype=jnp.int32)
    pad_src = (arp * 37) % N
    pad_dst = N + (arp % (R - N))
    srcp = jnp.concatenate([src, pad_src])
    dstp = jnp.concatenate([dst, pad_dst])
    s2 = srcp.reshape(NS, K2_KCH, CH)
    src2 = jnp.stack([s2 * 2, s2 * 2 + 1])
    dst2 = dstp.reshape(NS, K2_KCH, CH)
    src4 = srcp.reshape(NC, NS, K4_KCH, CH)
    dst4 = dstp.reshape(NC, NS, K4_KCH, CH)

    ones16 = jnp.ones((CH, 16), jnp.float32)
    zf = jnp.zeros((CH, DH2), jnp.float32)
    z16 = jnp.zeros((ZR, 16), jnp.float32)
    w2 = jnp.zeros((D_HID, 16), jnp.float32)
    w2 = w2.at[:, 0:2].set(W2_l).at[:, 2:4].set(W2_r)

    ystk, r1 = pl.pallas_call(
        _mm1_body,
        grid=(N // BR,),
        in_specs=[
            pl.BlockSpec((BR, D_IN), lambda i: (i, 0)),
            pl.BlockSpec((D_IN, D_HID), lambda i: (0, 0)),
            pl.BlockSpec((D_IN, D_HID), lambda i: (0, 0)),
        ],
        out_specs=[
            pl.BlockSpec((BR, D_HID), lambda i: (i, 0)),
            pl.BlockSpec((BR, D_HID), lambda i: (i, 0)),
        ],
        out_shape=[
            jax.ShapeDtypeStruct((N, D_HID), jnp.float32),
            jax.ShapeDtypeStruct((R, D_HID), jnp.float32),
        ],
    )(x, W1_l, W1_r)
    ys = ystk.reshape(NC * N, DH2)

    cntp = _k0_call(dst4, ones16, z16)
    aggp = _k2_call(ys, src2, dst2, zf)

    w2b = jnp.kron(jnp.eye(8, dtype=jnp.float32), w2)
    kr = jnp.kron(jnp.eye(8, dtype=jnp.float32),
                  jnp.ones((1, D_HID), jnp.float32))
    pm = (jnp.arange(128)[:, None]
          == jnp.arange(8)[None, :] * 16).astype(jnp.float32)
    cc2 = cntp.reshape(NC, R // 8, 128)
    b18 = jnp.tile(b1.reshape(1, D_HID), (1, 8))
    u_c = pl.pallas_call(
        _k3_body,
        grid=(1,),
        in_specs=[
            pl.BlockSpec((R, D_HID), lambda i: (0, 0)),
            pl.BlockSpec((NC, R // 8, 128), lambda i: (0, 0, 0)),
            pl.BlockSpec((R, D_HID), lambda i: (0, 0)),
            pl.BlockSpec((1, 8 * D_HID), lambda i: (0, 0)),
            pl.BlockSpec((8 * D_HID, 128), lambda i: (0, 0)),
            pl.BlockSpec((128, 8), lambda i: (0, 0)),
            pl.BlockSpec((8, 8 * D_HID), lambda i: (0, 0)),
        ],
        out_specs=pl.BlockSpec((R // 8, 128), lambda i: (0, 0)),
        out_shape=jax.ShapeDtypeStruct((R // 8, 128), jnp.float32),
    )(aggp, cc2, r1, b18, w2b, pm, kr)
    u = u_c.reshape(R, 16)

    a2p = _k4_call(u, src4, dst4, z16)

    a2c = a2p.reshape(NC, R // 8, 128)
    uc = u_c
    lane = jnp.arange(128)
    sh = ((lane[:, None] == lane[None, :] + 2)
          & ((lane[None, :] % 16) < N_CLS)).astype(jnp.float32)
    b2r = jnp.where((lane % 16) < N_CLS, b2[lane % 16 % N_CLS], 0.0)

    res = pl.pallas_call(
        _k5_body,
        grid=(1,),
        in_specs=[
            pl.BlockSpec((NC, R // 8, 128), lambda i: (0, 0, 0)),
            pl.BlockSpec((NC, R // 8, 128), lambda i: (0, 0, 0)),
            pl.BlockSpec((R // 8, 128), lambda i: (0, 0)),
            pl.BlockSpec((128, 128), lambda i: (0, 0)),
            pl.BlockSpec((1, 128), lambda i: (0, 0)),
        ],
        out_specs=pl.BlockSpec((R // 8, 128), lambda i: (0, 0)),
        out_shape=jax.ShapeDtypeStruct((R // 8, 128), jnp.float32),
    )(a2c, cc2, uc, sh, b2r.reshape(1, 128))

    return res.reshape(R, 16)[:N, :N_CLS]

# --- scband reference (transcript-rebuilt; emitter-appended) ---
"""Pipeline reference for scband-graph-sage-5643587027021 (READ-ONLY COPY).

The authoritative reference and input builder live on the scoring server;
editing this copy changes nothing except your own understanding.
"""

import jax, jax.numpy as jnp
import numpy as np

N_NODES = 10000
N_EDGES = 160000
D_IN = 256
D_HID = 128
N_CLS = 2


def _glorot(key, shape):
    fan_in, fan_out = shape[0], shape[1]
    limit = float(np.sqrt(6.0 / (fan_in + fan_out)))
    return jax.random.uniform(key, shape, jnp.float32, -limit, limit)


def setup_inputs(seed: int = 0) -> dict:
    key = jax.random.key(seed)
    ks = jax.random.split(key, 8)
    x = jax.random.normal(ks[0], (N_NODES, D_IN), dtype=jnp.float32)
    edge_index = jax.random.randint(ks[1], (2, N_EDGES), 0, N_NODES, dtype=jnp.int64)
    W1_l = _glorot(ks[2], (D_IN, D_HID))
    W1_r = _glorot(ks[3], (D_IN, D_HID))
    b1 = jnp.zeros((D_HID,), jnp.float32)
    W2_l = _glorot(ks[4], (D_HID, N_CLS))
    W2_r = _glorot(ks[5], (D_HID, N_CLS))
    b2 = jnp.zeros((N_CLS,), jnp.float32)
    return {"x": x, "edge_index": edge_index, "W1_l": W1_l, "W1_r": W1_r, "b1": b1,
            "W2_l": W2_l, "W2_r": W2_r, "b2": b2}


def _sage_conv(x, src, dst, W_l, b_l, W_r, n_nodes):
    # mean aggregation of neighbor (source) features at destination nodes
    msg = jnp.take(x, src, axis=0)
    agg = jax.ops.segment_sum(msg, dst, num_segments=n_nodes)
    cnt = jax.ops.segment_sum(jnp.ones((src.shape[0],), x.dtype), dst, num_segments=n_nodes)
    agg = agg / jnp.maximum(cnt, 1.0)[:, None]
    # PyG SAGEConv: lin_l(aggregated) + lin_r(self)
    return agg @ W_l + b_l + x @ W_r


def reference(x, edge_index, W1_l, W1_r, b1, W2_l, W2_r, b2):
    src = edge_index[0]
    dst = edge_index[1]
    h = _sage_conv(x, src, dst, W1_l, b1, W1_r, N_NODES)
    h = jax.nn.relu(h)
    # dropout is identity in eval mode
    out = _sage_conv(h, src, dst, W2_l, b2, W2_r, N_NODES)
    return out

if __name__ == "__main__":
    import jax
    _d = setup_inputs()
    print(jax.jit(kernel)(*tuple(_d.values())))

</pallas_src>

<mosaic_0001>
#map = affine_map<(d0, d1) -> (0, 0, 0, 0)>
#map1 = affine_map<(d0, d1) -> (0, 0)>
#map2 = affine_map<(d0, d1) -> (0, 0, 0)>
module attributes {stable_mosaic.version = 14 : i64} {
  func.func @_sc_counts(%arg0: i32, %arg1: i32, %arg2: memref<2x16x40x128xi32, #tpu.memory_space<hbm>>, %arg3: memref<128x16xf32, #tpu.memory_space<hbm>>, %arg4: memref<128x16xf32, #tpu.memory_space<hbm>>, %arg5: memref<2x10240x16xf32, #tpu.memory_space<hbm>>, %arg6: memref<40x128xi32, #tpu.memory_space<vmem>>, %arg7: memref<128x16xf32, #tpu.memory_space<vmem>>, %arg8: memref<128x16xf32, #tpu.memory_space<vmem>>, %arg9: memref<10240x16xf32, #tpu.memory_space<vmem_shared>>, %arg10: memref<!tpu.dma_semaphore, #tpu.memory_space<semaphore_mem>>) attributes {dimension_semantics = [#tpu.dimension_semantics<core_parallel>, #tpu.dimension_semantics<subcore_parallel>], iteration_bounds = array<i64: 2, 16>, scalar_prefetch = 0 : i64, scratch_operands = 5 : i64, tpu.core_type = #tpu.core_type<sc_vector_subcore>, window_params = [{transform_indices = #map}, {transform_indices = #map1}, {transform_indices = #map1}, {transform_indices = #map2}]} {
    "tpu.region"() ({
      %run_scoped3A = tpu.sem_alloc : memref<!tpu.dma_semaphore, #tpu.memory_space<semaphore_mem>>
      tpu.enqueue_dma source(%arg4 : memref<128x16xf32, #tpu.memory_space<hbm>>) target(%arg8 : memref<128x16xf32, #tpu.memory_space<vmem>>) target_semaphore(%run_scoped3A : memref<!tpu.dma_semaphore, #tpu.memory_space<semaphore_mem>>)
      tpu.wait_dma2 semaphore(%run_scoped3A : memref<!tpu.dma_semaphore, #tpu.memory_space<semaphore_mem>>) src(%arg4 : memref<128x16xf32, #tpu.memory_space<hbm>>) dst(%arg8 : memref<128x16xf32, #tpu.memory_space<vmem>>)
      tpu.yield
    }) : () -> ()
    "tpu.region"() ({
      %run_scoped3A = tpu.sem_alloc : memref<!tpu.dma_semaphore, #tpu.memory_space<semaphore_mem>>
      tpu.enqueue_dma source(%arg3 : memref<128x16xf32, #tpu.memory_space<hbm>>) target(%arg7 : memref<128x16xf32, #tpu.memory_space<vmem>>) target_semaphore(%run_scoped3A : memref<!tpu.dma_semaphore, #tpu.memory_space<semaphore_mem>>)
      tpu.wait_dma2 semaphore(%run_scoped3A : memref<!tpu.dma_semaphore, #tpu.memory_space<semaphore_mem>>) src(%arg3 : memref<128x16xf32, #tpu.memory_space<hbm>>) dst(%arg7 : memref<128x16xf32, #tpu.memory_space<vmem>>)
      tpu.yield
    }) : () -> ()
    "tpu.region"() ({
      %run_scoped3A = tpu.sem_alloc : memref<!tpu.dma_semaphore, #tpu.memory_space<semaphore_mem>>
      %dma_start3A = arith.constant 0 : i32
      %dma_start3A_31 = arith.constant 0 : i32
      %dma_start3A_32 = tpu.memref_slice %arg2[%arg0, %arg1, %dma_start3A, %dma_start3A_31] : memref<2x16x40x128xi32, #tpu.memory_space<hbm>> -> memref<1x1x40x128xi32, #tpu.memory_space<hbm>>
      %dma_start3A_33 = tpu.memref_squeeze %dma_start3A_32 : memref<1x1x40x128xi32, #tpu.memory_space<hbm>> -> memref<40x128xi32, #tpu.memory_space<hbm>>
      %dma_start3A_34 = arith.constant 0 : i32
      %dma_start3A_35 = arith.constant 0 : i32
      %dma_start3A_36 = tpu.memref_slice %arg2[%arg0, %arg1, %dma_start3A_34, %dma_start3A_35] : memref<2x16x40x128xi32, #tpu.memory_space<hbm>> -> memref<1x1x40x128xi32, #tpu.memory_space<hbm>>
      %dma_start3A_37 = tpu.memref_squeeze %dma_start3A_36 : memref<1x1x40x128xi32, #tpu.memory_space<hbm>> -> memref<40x128xi32, #tpu.memory_space<hbm>>
      tpu.enqueue_dma source(%dma_start3A_37 : memref<40x128xi32, #tpu.memory_space<hbm>>) target(%arg6 : memref<40x128xi32, #tpu.memory_space<vmem>>) target_semaphore(%run_scoped3A : memref<!tpu.dma_semaphore, #tpu.memory_space<semaphore_mem>>)
      %dma_wait3A = arith.constant 0 : i32
      %dma_wait3A_38 = arith.constant 0 : i32
      %dma_wait3A_39 = tpu.memref_slice %arg2[%arg0, %arg1, %dma_wait3A, %dma_wait3A_38] : memref<2x16x40x128xi32, #tpu.memory_space<hbm>> -> memref<1x1x40x128xi32, #tpu.memory_space<hbm>>
      %dma_wait3A_40 = tpu.memref_squeeze %dma_wait3A_39 : memref<1x1x40x128xi32, #tpu.memory_space<hbm>> -> memref<40x128xi32, #tpu.memory_space<hbm>>
      %dma_wait3A_41 = arith.constant 0 : i32
      %dma_wait3A_42 = arith.constant 0 : i32
      %dma_wait3A_43 = tpu.memref_slice %arg2[%arg0, %arg1, %dma_wait3A_41, %dma_wait3A_42] : memref<2x16x40x128xi32, #tpu.memory_space<hbm>> -> memref<1x1x40x128xi32, #tpu.memory_space<hbm>>
      %dma_wait3A_44 = tpu.memref_squeeze %dma_wait3A_43 : memref<1x1x40x128xi32, #tpu.memory_space<hbm>> -> memref<40x128xi32, #tpu.memory_space<hbm>>
      tpu.wait_dma2 semaphore(%run_scoped3A : memref<!tpu.dma_semaphore, #tpu.memory_space<semaphore_mem>>) src(%dma_wait3A_44 : memref<40x128xi32, #tpu.memory_space<hbm>>) dst(%arg6 : memref<40x128xi32, #tpu.memory_space<vmem>>)
      tpu.yield
    }) : () -> ()
    %mul3A = arith.constant 640 : i32
    %mul3A_0 = arith.muli %arg1, %mul3A : i32
    %scan3A = arith.constant 0 : i32
    %scan3A_1 = arith.constant 0 : i32
    %scan3A_2 = arith.constant 5 : i32
    %scan3A_3 = arith.addi %scan3A_1, %scan3A_2 : i32
    %scan3A_4 = arith.constant 1 : i32
    scf.for %scan3A_31 = %scan3A_1 to %scan3A_3 step %scan3A_4  : i32 {
      %mul3A_32 = arith.constant 128 : i32
      %mul3A_33 = arith.muli %scan3A_31, %mul3A_32 : i32
      %add3A = arith.addi %mul3A_0, %mul3A_33 : i32
      %dma_start3A = arith.constant 0 : i32
      %dma_start3A_34 = tpu.memref_slice %arg9[%add3A, %dma_start3A] : memref<10240x16xf32, #tpu.memory_space<vmem_shared>> -> memref<128x16xf32, #tpu.memory_space<vmem_shared>>
      %dma_start3A_35 = arith.constant 0 : i32
      %dma_start3A_36 = tpu.memref_slice %arg9[%add3A, %dma_start3A_35] : memref<10240x16xf32, #tpu.memory_space<vmem_shared>> -> memref<128x16xf32, #tpu.memory_space<vmem_shared>>
      tpu.enqueue_dma source(%arg8 : memref<128x16xf32, #tpu.memory_space<vmem>>) target(%dma_start3A_36 : memref<128x16xf32, #tpu.memory_space<vmem_shared>>) target_semaphore(%arg10 : memref<!tpu.dma_semaphore, #tpu.memory_space<semaphore_mem>>)
    }
    %scan3A_5 = arith.constant 5 : i32
    %scan3A_6 = arith.constant 0 : i32
    %scan3A_7 = arith.constant 0 : i32
    %scan3A_8 = arith.constant 5 : i32
    %scan3A_9 = arith.addi %scan3A_7, %scan3A_8 : i32
    %scan3A_10 = arith.constant 1 : i32
    scf.for %scan3A_31 = %scan3A_7 to %scan3A_9 step %scan3A_10  : i32 {
      %dma_wait3A = arith.constant 0 : i32
      %dma_wait3A_32 = tpu.memref_slice %arg9[%mul3A_0, %dma_wait3A] : memref<10240x16xf32, #tpu.memory_space<vmem_shared>> -> memref<128x16xf32, #tpu.memory_space<vmem_shared>>
      %dma_wait3A_33 = arith.constant 0 : i32
      %dma_wait3A_34 = tpu.memref_slice %arg9[%mul3A_0, %dma_wait3A_33] : memref<10240x16xf32, #tpu.memory_space<vmem_shared>> -> memref<128x16xf32, #tpu.memory_space<vmem_shared>>
      tpu.wait_dma2 semaphore(%arg10 : memref<!tpu.dma_semaphore, #tpu.memory_space<semaphore_mem>>) src(%arg8 : memref<128x16xf32, #tpu.memory_space<vmem>>) dst(%dma_wait3A_34 : memref<128x16xf32, #tpu.memory_space<vmem_shared>>)
    }
    %scan3A_11 = arith.constant 5 : i32
    %barrier3A = arith.constant 0 : index
    tpu.barrier barrier_id(%barrier3A)
    %scan3A_12 = arith.constant 0 : i32
    %scan3A_13 = arith.constant 0 : i32
    %scan3A_14 = arith.constant 40 : i32
    %scan3A_15 = arith.addi %scan3A_13, %scan3A_14 : i32
    %scan3A_16 = arith.constant 1 : i32
    scf.for %scan3A_31 = %scan3A_13 to %scan3A_15 step %scan3A_16  : i32 {
      %dma_start3A = arith.constant 0 : i32
      %dma_start3A_32 = tpu.memref_slice %arg6[%scan3A_31, %dma_start3A] : memref<40x128xi32, #tpu.memory_space<vmem>> -> memref<1x128xi32, #tpu.memory_space<vmem>>
      %dma_start3A_33 = tpu.memref_squeeze %dma_start3A_32 : memref<1x128xi32, #tpu.memory_space<vmem>> -> memref<128xi32, #tpu.memory_space<vmem>>
      %dma_start3A_34 = arith.constant 0 : i32
      %dma_start3A_35 = arith.constant 0 : i32
      %dma_start3A_36 = tpu.memref_slice %arg9[%dma_start3A_34, %dma_start3A_35] : memref<10240x16xf32, #tpu.memory_space<vmem_shared>> -> memref<10240x16xf32, #tpu.memory_space<vmem_shared>>
      tpu.enqueue_indirect_dma source(%arg7 : memref<128x16xf32, #tpu.memory_space<vmem>>) target(%dma_start3A_36 : memref<10240x16xf32, #tpu.memory_space<vmem_shared>>) offsets(%dma_start3A_33 : memref<128xi32, #tpu.memory_space<vmem>>) semaphore(%arg10 : memref<!tpu.dma_semaphore, #tpu.memory_space<semaphore_mem>>) {add = true}
    }
    %scan3A_17 = arith.constant 40 : i32
    %scan3A_18 = arith.constant 0 : i32
    %scan3A_19 = arith.constant 0 : i32
    %scan3A_20 = arith.constant 40 : i32
    %scan3A_21 = arith.addi %scan3A_19, %scan3A_20 : i32
    %scan3A_22 = arith.constant 1 : i32
    scf.for %scan3A_31 = %scan3A_19 to %scan3A_21 step %scan3A_22  : i32 {
      %dma_wait3A = arith.constant 0 : i32
      %dma_wait3A_32 = arith.constant 0 : i32
      %dma_wait3A_33 = tpu.memref_slice %arg6[%dma_wait3A, %dma_wait3A_32] : memref<40x128xi32, #tpu.memory_space<vmem>> -> memref<1x128xi32, #tpu.memory_space<vmem>>
      %dma_wait3A_34 = tpu.memref_squeeze %dma_wait3A_33 : memref<1x128xi32, #tpu.memory_space<vmem>> -> memref<128xi32, #tpu.memory_space<vmem>>
      %dma_wait3A_35 = arith.constant 0 : i32
      %dma_wait3A_36 = arith.constant 0 : i32
      %dma_wait3A_37 = tpu.memref_slice %arg9[%dma_wait3A_35, %dma_wait3A_36] : memref<10240x16xf32, #tpu.memory_space<vmem_shared>> -> memref<10240x16xf32, #tpu.memory_space<vmem_shared>>
      tpu.wait_indirect_dma semaphore(%arg10 : memref<!tpu.dma_semaphore, #tpu.memory_space<semaphore_mem>>) src(%arg7 : memref<128x16xf32, #tpu.memory_space<vmem>>) dst(%dma_wait3A_37 : memref<10240x16xf32, #tpu.memory_space<vmem_shared>>)
    }
    %scan3A_23 = arith.constant 40 : i32
    %barrier3A_24 = arith.constant 0 : index
    tpu.barrier barrier_id(%barrier3A_24)
    %scan3A_25 = arith.constant 0 : i32
    %scan3A_26 = arith.constant 0 : i32
    %scan3A_27 = arith.constant 5 : i32
    %scan3A_28 = arith.addi %scan3A_26, %scan3A_27 : i32
    %scan3A_29 = arith.constant 1 : i32
    scf.for %scan3A_31 = %scan3A_26 to %scan3A_28 step %scan3A_29  : i32 {
      %mul3A_32 = arith.constant 128 : i32
      %mul3A_33 = arith.muli %scan3A_31, %mul3A_32 : i32
      %add3A = arith.addi %mul3A_0, %mul3A_33 : i32
      "tpu.region"() ({
        %run_scoped3A = tpu.sem_alloc : memref<!tpu.dma_semaphore, #tpu.memory_space<semaphore_mem>>
        %dma_start3A = arith.constant 0 : i32
        %dma_start3A_34 = tpu.memref_slice %arg9[%add3A, %dma_start3A] : memref<10240x16xf32, #tpu.memory_space<vmem_shared>> -> memref<128x16xf32, #tpu.memory_space<vmem_shared>>
        %dma_start3A_35 = arith.constant 0 : i32
        %dma_start3A_36 = tpu.memref_slice %arg9[%add3A, %dma_start3A_35] : memref<10240x16xf32, #tpu.memory_space<vmem_shared>> -> memref<128x16xf32, #tpu.memory_space<vmem_shared>>
        tpu.enqueue_dma source(%dma_start3A_36 : memref<128x16xf32, #tpu.memory_space<vmem_shared>>) target(%arg8 : memref<128x16xf32, #tpu.memory_space<vmem>>) target_semaphore(%run_scoped3A : memref<!tpu.dma_semaphore, #tpu.memory_space<semaphore_mem>>)
        %dma_wait3A = arith.constant 0 : i32
        %dma_wait3A_37 = tpu.memref_slice %arg9[%add3A, %dma_wait3A] : memref<10240x16xf32, #tpu.memory_space<vmem_shared>> -> memref<128x16xf32, #tpu.memory_space<vmem_shared>>
        %dma_wait3A_38 = arith.constant 0 : i32
        %dma_wait3A_39 = tpu.memref_slice %arg9[%add3A, %dma_wait3A_38] : memref<10240x16xf32, #tpu.memory_space<vmem_shared>> -> memref<128x16xf32, #tpu.memory_space<vmem_shared>>
        tpu.wait_dma2 semaphore(%run_scoped3A : memref<!tpu.dma_semaphore, #tpu.memory_space<semaphore_mem>>) src(%dma_wait3A_39 : memref<128x16xf32, #tpu.memory_space<vmem_shared>>) dst(%arg8 : memref<128x16xf32, #tpu.memory_space<vmem>>)
        tpu.yield
      }) : () -> ()
      "tpu.region"() ({
        %run_scoped3A = tpu.sem_alloc : memref<!tpu.dma_semaphore, #tpu.memory_space<semaphore_mem>>
        %dma_start3A = arith.constant 0 : i32
        %dma_start3A_34 = tpu.memref_slice %arg5[%arg0, %add3A, %dma_start3A] : memref<2x10240x16xf32, #tpu.memory_space<hbm>> -> memref<1x128x16xf32, #tpu.memory_space<hbm>>
        %dma_start3A_35 = tpu.memref_squeeze %dma_start3A_34 : memref<1x128x16xf32, #tpu.memory_space<hbm>> -> memref<128x16xf32, #tpu.memory_space<hbm>>
        %dma_start3A_36 = arith.constant 0 : i32
        %dma_start3A_37 = tpu.memref_slice %arg5[%arg0, %add3A, %dma_start3A_36] : memref<2x10240x16xf32, #tpu.memory_space<hbm>> -> memref<1x128x16xf32, #tpu.memory_space<hbm>>
        %dma_start3A_38 = tpu.memref_squeeze %dma_start3A_37 : memref<1x128x16xf32, #tpu.memory_space<hbm>> -> memref<128x16xf32, #tpu.memory_space<hbm>>
        tpu.enqueue_dma source(%arg8 : memref<128x16xf32, #tpu.memory_space<vmem>>) target(%dma_start3A_38 : memref<128x16xf32, #tpu.memory_space<hbm>>) target_semaphore(%run_scoped3A : memref<!tpu.dma_semaphore, #tpu.memory_space<semaphore_mem>>)
        %dma_wait3A = arith.constant 0 : i32
        %dma_wait3A_39 = tpu.memref_slice %arg5[%arg0, %add3A, %dma_wait3A] : memref<2x10240x16xf32, #tpu.memory_space<hbm>> -> memref<1x128x16xf32, #tpu.memory_space<hbm>>
        %dma_wait3A_40 = tpu.memref_squeeze %dma_wait3A_39 : memref<1x128x16xf32, #tpu.memory_space<hbm>> -> memref<128x16xf32, #tpu.memory_space<hbm>>
        %dma_wait3A_41 = arith.constant 0 : i32
        %dma_wait3A_42 = tpu.memref_slice %arg5[%arg0, %add3A, %dma_wait3A_41] : memref<2x10240x16xf32, #tpu.memory_space<hbm>> -> memref<1x128x16xf32, #tpu.memory_space<hbm>>
        %dma_wait3A_43 = tpu.memref_squeeze %dma_wait3A_42 : memref<1x128x16xf32, #tpu.memory_space<hbm>> -> memref<128x16xf32, #tpu.memory_space<hbm>>
        tpu.wait_dma2 semaphore(%run_scoped3A : memref<!tpu.dma_semaphore, #tpu.memory_space<semaphore_mem>>) src(%arg8 : memref<128x16xf32, #tpu.memory_space<vmem>>) dst(%dma_wait3A_43 : memref<128x16xf32, #tpu.memory_space<hbm>>)
        tpu.yield
      }) : () -> ()
    }
    %scan3A_30 = arith.constant 5 : i32
    return
  }
}

#map = affine_map<(d0, d1) -> (0, 0)>
#map1 = affine_map<(d0, d1) -> (0, 0, 0, 0)>
#map2 = affine_map<(d0, d1) -> (0, 0, 0)>
module attributes {stable_mosaic.version = 14 : i64} {
  func.func @_sc_scatter1(%arg0: i32, %arg1: i32, %arg2: memref<20000x64xf32, #tpu.memory_space<hbm>>, %arg3: memref<2x16x80x128xi32, #tpu.memory_space<hbm>>, %arg4: memref<16x80x128xi32, #tpu.memory_space<hbm>>, %arg5: memref<128x64xf32, #tpu.memory_space<hbm>>, %arg6: memref<10240x128xf32, #tpu.memory_space<hbm>>, %arg7: memref<80x128xi32, #tpu.memory_space<vmem>>, %arg8: memref<80x128xi32, #tpu.memory_space<vmem>>, %arg9: memref<128x64xf32, #tpu.memory_space<vmem>>, %arg10: memref<128x64xf32, #tpu.memory_space<vmem>>, %arg11: memref<128x64xf32, #tpu.memory_space<vmem>>, %arg12: memref<128x64xf32, #tpu.memory_space<vmem>>, %arg13: memref<128x64xf32, #tpu.memory_space<vmem>>, %arg14: memref<10240x64xf32, #tpu.memory_space<vmem_shared>>, %arg15: memref<!tpu.dma_semaphore, #tpu.memory_space<semaphore_mem>>, %arg16: memref<!tpu.dma_semaphore, #tpu.memory_space<semaphore_mem>>, %arg17: memref<!tpu.dma_semaphore, #tpu.memory_space<semaphore_mem>>, %arg18: memref<!tpu.dma_semaphore, #tpu.memory_space<semaphore_mem>>, %arg19: memref<!tpu.dma_semaphore, #tpu.memory_space<semaphore_mem>>, %arg20: memref<!tpu.dma_semaphore, #tpu.memory_space<semaphore_mem>>, %arg21: memref<!tpu.dma_semaphore, #tpu.memory_space<semaphore_mem>>, %arg22: memref<!tpu.dma_semaphore, #tpu.memory_space<semaphore_mem>>, %arg23: memref<!tpu.dma_semaphore, #tpu.memory_space<semaphore_mem>>, %arg24: memref<!tpu.dma_semaphore, #tpu.memory_space<semaphore_mem>>) attributes {dimension_semantics = [#tpu.dimension_semantics<core_parallel>, #tpu.dimension_semantics<subcore_parallel>], iteration_bounds = array<i64: 2, 16>, scalar_prefetch = 0 : i64, scratch_operands = 18 : i64, tpu.core_type = #tpu.core_type<sc_vector_subcore>, window_params = [{transform_indices = #map}, {transform_indices = #map1}, {transform_indices = #map2}, {transform_indices = #map}, {transform_indices = #map}]} {
    "tpu.region"() ({
      %run_scoped3A = tpu.sem_alloc : memref<!tpu.dma_semaphore, #tpu.memory_space<semaphore_mem>>
      tpu.enqueue_dma source(%arg5 : memref<128x64xf32, #tpu.memory_space<hbm>>) target(%arg9 : memref<128x64xf32, #tpu.memory_space<vmem>>) target_semaphore(%run_scoped3A : memref<!tpu.dma_semaphore, #tpu.memory_space<semaphore_mem>>)
      tpu.wait_dma2 semaphore(%run_scoped3A : memref<!tpu.dma_semaphore, #tpu.memory_space<semaphore_mem>>) src(%arg5 : memref<128x64xf32, #tpu.memory_space<hbm>>) dst(%arg9 : memref<128x64xf32, #tpu.memory_space<vmem>>)
      tpu.yield
    }) : () -> ()
    "tpu.region"() ({
      %run_scoped3A = tpu.sem_alloc : memref<!tpu.dma_semaphore, #tpu.memory_space<semaphore_mem>>
      %dma_start3A_93 = arith.constant 0 : i32
      %dma_start3A_94 = arith.constant 0 : i32
      %dma_start3A_95 = tpu.memref_slice %arg3[%arg0, %arg1, %dma_start3A_93, %dma_start3A_94] : memref<2x16x80x128xi32, #tpu.memory_space<hbm>> -> memref<1x1x80x128xi32, #tpu.memory_space<hbm>>
      %dma_start3A_96 = tpu.memref_squeeze %dma_start3A_95 : memref<1x1x80x128xi32, #tpu.memory_space<hbm>> -> memref<80x128xi32, #tpu.memory_space<hbm>>
      %dma_start3A_97 = arith.constant 0 : i32
      %dma_start3A_98 = arith.constant 0 : i32
      %dma_start3A_99 = tpu.memref_slice %arg3[%arg0, %arg1, %dma_start3A_97, %dma_start3A_98] : memref<2x16x80x128xi32, #tpu.memory_space<hbm>> -> memref<1x1x80x128xi32, #tpu.memory_space<hbm>>
      %dma_start3A_100 = tpu.memref_squeeze %dma_start3A_99 : memref<1x1x80x128xi32, #tpu.memory_space<hbm>> -> memref<80x128xi32, #tpu.memory_space<hbm>>
      tpu.enqueue_dma source(%dma_start3A_100 : memref<80x128xi32, #tpu.memory_space<hbm>>) target(%arg7 : memref<80x128xi32, #tpu.memory_space<vmem>>) target_semaphore(%run_scoped3A : memref<!tpu.dma_semaphore, #tpu.memory_space<semaphore_mem>>)
      %dma_wait3A_101 = arith.constant 0 : i32
      %dma_wait3A_102 = arith.constant 0 : i32
      %dma_wait3A_103 = tpu.memref_slice %arg3[%arg0, %arg1, %dma_wait3A_101, %dma_wait3A_102] : memref<2x16x80x128xi32, #tpu.memory_space<hbm>> -> memref<1x1x80x128xi32, #tpu.memory_space<hbm>>
      %dma_wait3A_104 = tpu.memref_squeeze %dma_wait3A_103 : memref<1x1x80x128xi32, #tpu.memory_space<hbm>> -> memref<80x128xi32, #tpu.memory_space<hbm>>
      %dma_wait3A_105 = arith.constant 0 : i32
      %dma_wait3A_106 = arith.constant 0 : i32
      %dma_wait3A_107 = tpu.memref_slice %arg3[%arg0, %arg1, %dma_wait3A_105, %dma_wait3A_106] : memref<2x16x80x128xi32, #tpu.memory_space<hbm>> -> memref<1x1x80x128xi32, #tpu.memory_space<hbm>>
      %dma_wait3A_108 = tpu.memref_squeeze %dma_wait3A_107 : memref<1x1x80x128xi32, #tpu.memory_space<hbm>> -> memref<80x128xi32, #tpu.memory_space<hbm>>
      tpu.wait_dma2 semaphore(%run_scoped3A : memref<!tpu.dma_semaphore, #tpu.memory_space<semaphore_mem>>) src(%dma_wait3A_108 : memref<80x128xi32, #tpu.memory_space<hbm>>) dst(%arg7 : memref<80x128xi32, #tpu.memory_space<vmem>>)
      tpu.yield
    }) : () -> ()
    "tpu.region"() ({
      %run_scoped3A = tpu.sem_alloc : memref<!tpu.dma_semaphore, #tpu.memory_space<semaphore_mem>>
      %dma_start3A_93 = arith.constant 0 : i32
      %dma_start3A_94 = arith.constant 0 : i32
      %dma_start3A_95 = tpu.memref_slice %arg4[%arg1, %dma_start3A_93, %dma_start3A_94] : memref<16x80x128xi32, #tpu.memory_space<hbm>> -> memref<1x80x128xi32, #tpu.memory_space<hbm>>
      %dma_start3A_96 = tpu.memref_squeeze %dma_start3A_95 : memref<1x80x128xi32, #tpu.memory_space<hbm>> -> memref<80x128xi32, #tpu.memory_space<hbm>>
      %dma_start3A_97 = arith.constant 0 : i32
      %dma_start3A_98 = arith.constant 0 : i32
      %dma_start3A_99 = tpu.memref_slice %arg4[%arg1, %dma_start3A_97, %dma_start3A_98] : memref<16x80x128xi32, #tpu.memory_space<hbm>> -> memref<1x80x128xi32, #tpu.memory_space<hbm>>
      %dma_start3A_100 = tpu.memref_squeeze %dma_start3A_99 : memref<1x80x128xi32, #tpu.memory_space<hbm>> -> memref<80x128xi32, #tpu.memory_space<hbm>>
      tpu.enqueue_dma source(%dma_start3A_100 : memref<80x128xi32, #tpu.memory_space<hbm>>) target(%arg8 : memref<80x128xi32, #tpu.memory_space<vmem>>) target_semaphore(%run_scoped3A : memref<!tpu.dma_semaphore, #tpu.memory_space<semaphore_mem>>)
      %dma_wait3A_101 = arith.constant 0 : i32
      %dma_wait3A_102 = arith.constant 0 : i32
      %dma_wait3A_103 = tpu.memref_slice %arg4[%arg1, %dma_wait3A_101, %dma_wait3A_102] : memref<16x80x128xi32, #tpu.memory_space<hbm>> -> memref<1x80x128xi32, #tpu.memory_space<hbm>>
      %dma_wait3A_104 = tpu.memref_squeeze %dma_wait3A_103 : memref<1x80x128xi32, #tpu.memory_space<hbm>> -> memref<80x128xi32, #tpu.memory_space<hbm>>
      %dma_wait3A_105 = arith.constant 0 : i32
      %dma_wait3A_106 = arith.constant 0 : i32
      %dma_wait3A_107 = tpu.memref_slice %arg4[%arg1, %dma_wait3A_105, %dma_wait3A_106] : memref<16x80x128xi32, #tpu.memory_space<hbm>> -> memref<1x80x128xi32, #tpu.memory_space<hbm>>
      %dma_wait3A_108 = tpu.memref_squeeze %dma_wait3A_107 : memref<1x80x128xi32, #tpu.memory_space<hbm>> -> memref<80x128xi32, #tpu.memory_space<hbm>>
      tpu.wait_dma2 semaphore(%run_scoped3A : memref<!tpu.dma_semaphore, #tpu.memory_space<semaphore_mem>>) src(%dma_wait3A_108 : memref<80x128xi32, #tpu.memory_space<hbm>>) dst(%arg8 : memref<80x128xi32, #tpu.memory_space<vmem>>)
      tpu.yield
    }) : () -> ()
    %mul3A = arith.constant 640 : i32
    %mul3A_0 = arith.muli %arg1, %mul3A : i32
    %scan3A = arith.constant 0 : i32
    %scan3A_1 = arith.constant 0 : i32
    %scan3A_2 = arith.constant 5 : i32
    %scan3A_3 = arith.addi %scan3A_1, %scan3A_2 : i32
    %scan3A_4 = arith.constant 1 : i32
    scf.for %scan3A_93 = %scan3A_1 to %scan3A_3 step %scan3A_4  : i32 {
      %mul3A_94 = arith.constant 128 : i32
      %mul3A_95 = arith.muli %scan3A_93, %mul3A_94 : i32
      %add3A = arith.addi %mul3A_0, %mul3A_95 : i32
      %dma_start3A_96 = arith.constant 0 : i32
      %dma_start3A_97 = tpu.memref_slice %arg14[%add3A, %dma_start3A_96] : memref<10240x64xf32, #tpu.memory_space<vmem_shared>> -> memref<128x64xf32, #tpu.memory_space<vmem_shared>>
      %dma_start3A_98 = arith.constant 0 : i32
      %dma_start3A_99 = tpu.memref_slice %arg14[%add3A, %dma_start3A_98] : memref<10240x64xf32, #tpu.memory_space<vmem_shared>> -> memref<128x64xf32, #tpu.memory_space<vmem_shared>>
      tpu.enqueue_dma source(%arg9 : memref<128x64xf32, #tpu.memory_space<vmem>>) target(%dma_start3A_99 : memref<128x64xf32, #tpu.memory_space<vmem_shared>>) target_semaphore(%arg20 : memref<!tpu.dma_semaphore, #tpu.memory_space<semaphore_mem>>)
    }
    %scan3A_5 = arith.constant 5 : i32
    %scan3A_6 = arith.constant 0 : i32
    %scan3A_7 = arith.constant 0 : i32
    %scan3A_8 = arith.constant 5 : i32
    %scan3A_9 = arith.addi %scan3A_7, %scan3A_8 : i32
    %scan3A_10 = arith.constant 1 : i32
    scf.for %scan3A_93 = %scan3A_7 to %scan3A_9 step %scan3A_10  : i32 {
      %dma_wait3A_94 = arith.constant 0 : i32
      %dma_wait3A_95 = tpu.memref_slice %arg14[%mul3A_0, %dma_wait3A_94] : memref<10240x64xf32, #tpu.memory_space<vmem_shared>> -> memref<128x64xf32, #tpu.memory_space<vmem_shared>>
      %dma_wait3A_96 = arith.constant 0 : i32
      %dma_wait3A_97 = tpu.memref_slice %arg14[%mul3A_0, %dma_wait3A_96] : memref<10240x64xf32, #tpu.memory_space<vmem_shared>> -> memref<128x64xf32, #tpu.memory_space<vmem_shared>>
      tpu.wait_dma2 semaphore(%arg20 : memref<!tpu.dma_semaphore, #tpu.memory_space<semaphore_mem>>) src(%arg9 : memref<128x64xf32, #tpu.memory_space<vmem>>) dst(%dma_wait3A_97 : memref<128x64xf32, #tpu.memory_space<vmem_shared>>)
    }
    %scan3A_11 = arith.constant 5 : i32
    %barrier3A = arith.constant 0 : index
    tpu.barrier barrier_id(%barrier3A)
    %dma_start3A = arith.constant 0 : i32
    %dma_start3A_12 = arith.constant 0 : i32
    %dma_start3A_13 = tpu.memref_slice %arg7[%dma_start3A, %dma_start3A_12] : memref<80x128xi32, #tpu.memory_space<vmem>> -> memref<1x128xi32, #tpu.memory_space<vmem>>
    %dma_start3A_14 = tpu.memref_squeeze %dma_start3A_13 : memref<1x128xi32, #tpu.memory_space<vmem>> -> memref<128xi32, #tpu.memory_space<vmem>>
    %dma_start3A_15 = arith.constant 0 : i32
    %dma_start3A_16 = arith.constant 0 : i32
    %dma_start3A_17 = tpu.memref_slice %arg2[%dma_start3A_15, %dma_start3A_16] : memref<20000x64xf32, #tpu.memory_space<hbm>> -> memref<20000x64xf32, #tpu.memory_space<hbm>>
    tpu.enqueue_indirect_dma source(%dma_start3A_17 : memref<20000x64xf32, #tpu.memory_space<hbm>>) target(%arg9 : memref<128x64xf32, #tpu.memory_space<vmem>>) offsets(%dma_start3A_14 : memref<128xi32, #tpu.memory_space<vmem>>) semaphore(%arg15 : memref<!tpu.dma_semaphore, #tpu.memory_space<semaphore_mem>>)
    %dma_start3A_18 = arith.constant 1 : i32
    %dma_start3A_19 = arith.constant 0 : i32
    %dma_start3A_20 = tpu.memref_slice %arg7[%dma_start3A_18, %dma_start3A_19] : memref<80x128xi32, #tpu.memory_space<vmem>> -> memref<1x128xi32, #tpu.memory_space<vmem>>
    %dma_start3A_21 = tpu.memref_squeeze %dma_start3A_20 : memref<1x128xi32, #tpu.memory_space<vmem>> -> memref<128xi32, #tpu.memory_space<vmem>>
    %dma_start3A_22 = arith.constant 0 : i32
    %dma_start3A_23 = arith.constant 0 : i32
    %dma_start3A_24 = tpu.memref_slice %arg2[%dma_start3A_22, %dma_start3A_23] : memref<20000x64xf32, #tpu.memory_space<hbm>> -> memref<20000x64xf32, #tpu.memory_space<hbm>>
    tpu.enqueue_indirect_dma source(%dma_start3A_24 : memref<20000x64xf32, #tpu.memory_space<hbm>>) target(%arg10 : memref<128x64xf32, #tpu.memory_space<vmem>>) offsets(%dma_start3A_21 : memref<128xi32, #tpu.memory_space<vmem>>) semaphore(%arg16 : memref<!tpu.dma_semaphore, #tpu.memory_space<semaphore_mem>>)
    %dma_start3A_25 = arith.constant 2 : i32
    %dma_start3A_26 = arith.constant 0 : i32
    %dma_start3A_27 = tpu.memref_slice %arg7[%dma_start3A_25, %dma_start3A_26] : memref<80x128xi32, #tpu.memory_space<vmem>> -> memref<1x128xi32, #tpu.memory_space<vmem>>
    %dma_start3A_28 = tpu.memref_squeeze %dma_start3A_27 : memref<1x128xi32, #tpu.memory_space<vmem>> -> memref<128xi32, #tpu.memory_space<vmem>>
    %dma_start3A_29 = arith.constant 0 : i32
    %dma_start3A_30 = arith.constant 0 : i32
    %dma_start3A_31 = tpu.memref_slice %arg2[%dma_start3A_29, %dma_start3A_30] : memref<20000x64xf32, #tpu.memory_space<hbm>> -> memref<20000x64xf32, #tpu.memory_space<hbm>>
    tpu.enqueue_indirect_dma source(%dma_start3A_31 : memref<20000x64xf32, #tpu.memory_space<hbm>>) target(%arg11 : memref<128x64xf32, #tpu.memory_space<vmem>>) offsets(%dma_start3A_28 : memref<128xi32, #tpu.memory_space<vmem>>) semaphore(%arg17 : memref<!tpu.dma_semaphore, #tpu.memory_space<semaphore_mem>>)
    %dma_start3A_32 = arith.constant 3 : i32
    %dma_start3A_33 = arith.constant 0 : i32
    %dma_start3A_34 = tpu.memref_slice %arg7[%dma_start3A_32, %dma_start3A_33] : memref<80x128xi32, #tpu.memory_space<vmem>> -> memref<1x128xi32, #tpu.memory_space<vmem>>
    %dma_start3A_35 = tpu.memref_squeeze %dma_start3A_34 : memref<1x128xi32, #tpu.memory_space<vmem>> -> memref<128xi32, #tpu.memory_space<vmem>>
    %dma_start3A_36 = arith.constant 0 : i32
    %dma_start3A_37 = arith.constant 0 : i32
    %dma_start3A_38 = tpu.memref_slice %arg2[%dma_start3A_36, %dma_start3A_37] : memref<20000x64xf32, #tpu.memory_space<hbm>> -> memref<20000x64xf32, #tpu.memory_space<hbm>>
    tpu.enqueue_indirect_dma source(%dma_start3A_38 : memref<20000x64xf32, #tpu.memory_space<hbm>>) target(%arg12 : memref<128x64xf32, #tpu.memory_space<vmem>>) offsets(%dma_start3A_35 : memref<128xi32, #tpu.memory_space<vmem>>) semaphore(%arg18 : memref<!tpu.dma_semaphore, #tpu.memory_space<semaphore_mem>>)
    %dma_start3A_39 = arith.constant 4 : i32
    %dma_start3A_40 = arith.constant 0 : i32
    %dma_start3A_41 = tpu.memref_slice %arg7[%dma_start3A_39, %dma_start3A_40] : memref<80x128xi32, #tpu.memory_space<vmem>> -> memref<1x128xi32, #tpu.memory_space<vmem>>
    %dma_start3A_42 = tpu.memref_squeeze %dma_start3A_41 : memref<1x128xi32, #tpu.memory_space<vmem>> -> memref<128xi32, #tpu.memory_space<vmem>>
    %dma_start3A_43 = arith.constant 0 : i32
    %dma_start3A_44 = arith.constant 0 : i32
    %dma_start3A_45 = tpu.memref_slice %arg2[%dma_start3A_43, %dma_start3A_44] : memref<20000x64xf32, #tpu.memory_space<hbm>> -> memref<20000x64xf32, #tpu.memory_space<hbm>>
    tpu.enqueue_indirect_dma source(%dma_start3A_45 : memref<20000x64xf32, #tpu.memory_space<hbm>>) target(%arg13 : memref<128x64xf32, #tpu.memory_space<vmem>>) offsets(%dma_start3A_42 : memref<128xi32, #tpu.memory_space<vmem>>) semaphore(%arg19 : memref<!tpu.dma_semaphore, #tpu.memory_space<semaphore_mem>>)
    %scan3A_46 = arith.constant 0 : i32
    %scan3A_47 = arith.constant 0 : i32
    %scan3A_48 = arith.constant 16 : i32
    %scan3A_49 = arith.addi %scan3A_47, %scan3A_48 : i32
    %scan3A_50 = arith.constant 1 : i32
    scf.for %scan3A_93 = %scan3A_47 to %scan3A_49 step %scan3A_50  : i32 {
      %mul3A_94 = arith.constant 5 : i32
      %mul3A_95 = arith.muli %scan3A_93, %mul3A_94 : i32
      %add3A = arith.constant 0 : i32
      %add3A_96 = arith.addi %mul3A_95, %add3A : i32
      %dma_wait3A_97 = arith.constant 0 : i32
      %dma_wait3A_98 = tpu.memref_slice %arg7[%add3A_96, %dma_wait3A_97] : memref<80x128xi32, #tpu.memory_space<vmem>> -> memref<1x128xi32, #tpu.memory_space<vmem>>
      %dma_wait3A_99 = tpu.memref_squeeze %dma_wait3A_98 : memref<1x128xi32, #tpu.memory_space<vmem>> -> memref<128xi32, #tpu.memory_space<vmem>>
      %dma_wait3A_100 = arith.constant 0 : i32
      %dma_wait3A_101 = arith.constant 0 : i32
      %dma_wait3A_102 = tpu.memref_slice %arg2[%dma_wait3A_100, %dma_wait3A_101] : memref<20000x64xf32, #tpu.memory_space<hbm>> -> memref<20000x64xf32, #tpu.memory_space<hbm>>
      tpu.wait_indirect_dma semaphore(%arg15 : memref<!tpu.dma_semaphore, #tpu.memory_space<semaphore_mem>>) src(%dma_wait3A_102 : memref<20000x64xf32, #tpu.memory_space<hbm>>) dst(%arg9 : memref<128x64xf32, #tpu.memory_space<vmem>>)
      %dma_start3A_103 = arith.constant 0 : i32
      %dma_start3A_104 = tpu.memref_slice %arg8[%add3A_96, %dma_start3A_103] : memref<80x128xi32, #tpu.memory_space<vmem>> -> memref<1x128xi32, #tpu.memory_space<vmem>>
      %dma_start3A_105 = tpu.memref_squeeze %dma_start3A_104 : memref<1x128xi32, #tpu.memory_space<vmem>> -> memref<128xi32, #tpu.memory_space<vmem>>
      %dma_start3A_106 = arith.constant 0 : i32
      %dma_start3A_107 = arith.constant 0 : i32
      %dma_start3A_108 = tpu.memref_slice %arg14[%dma_start3A_106, %dma_start3A_107] : memref<10240x64xf32, #tpu.memory_space<vmem_shared>> -> memref<10240x64xf32, #tpu.memory_space<vmem_shared>>
      tpu.enqueue_indirect_dma source(%arg9 : memref<128x64xf32, #tpu.memory_space<vmem>>) target(%dma_start3A_108 : memref<10240x64xf32, #tpu.memory_space<vmem_shared>>) offsets(%dma_start3A_105 : memref<128xi32, #tpu.memory_space<vmem>>) semaphore(%arg20 : memref<!tpu.dma_semaphore, #tpu.memory_space<semaphore_mem>>) {add = true}
      %sub3A = arith.constant 2 : i32
      %sub3A_109 = arith.subi %add3A_96, %sub3A : i32
      %add3A_110 = arith.constant 5 : i32
      %add3A_111 = arith.addi %sub3A_109, %add3A_110 : i32
      %ge3A = arith.constant 2 : i32
      %ge3A_112 = arith.cmpi sge, %add3A_96, %ge3A : i32
      %lt3A = arith.constant 80 : i32
      %lt3A_113 = arith.cmpi slt, %add3A_111, %lt3A : i32
      %and3A = arith.andi %ge3A_112, %lt3A_113 : i1
      %convert_element_type3A = arith.extui %and3A : i1 to i32
      %cond3A = arith.constant 0 : i32
      %cond3A_114 = arith.cmpi ne, %convert_element_type3A, %cond3A : i32
      scf.if %cond3A_114 {
        %dma_wait3A_227 = arith.constant 0 : i32
        %dma_wait3A_228 = tpu.memref_slice %arg8[%add3A_96, %dma_wait3A_227] : memref<80x128xi32, #tpu.memory_space<vmem>> -> memref<1x128xi32, #tpu.memory_space<vmem>>
        %dma_wait3A_229 = tpu.memref_squeeze %dma_wait3A_228 : memref<1x128xi32, #tpu.memory_space<vmem>> -> memref<128xi32, #tpu.memory_space<vmem>>
        %dma_wait3A_230 = arith.constant 0 : i32
        %dma_wait3A_231 = arith.constant 0 : i32
        %dma_wait3A_232 = tpu.memref_slice %arg14[%dma_wait3A_230, %dma_wait3A_231] : memref<10240x64xf32, #tpu.memory_space<vmem_shared>> -> memref<10240x64xf32, #tpu.memory_space<vmem_shared>>
        tpu.wait_indirect_dma semaphore(%arg23 : memref<!tpu.dma_semaphore, #tpu.memory_space<semaphore_mem>>) src(%arg12 : memref<128x64xf32, #tpu.memory_space<vmem>>) dst(%dma_wait3A_232 : memref<10240x64xf32, #tpu.memory_space<vmem_shared>>)
        %dma_start3A_233 = arith.constant 0 : i32
        %dma_start3A_234 = tpu.memref_slice %arg7[%add3A_111, %dma_start3A_233] : memref<80x128xi32, #tpu.memory_space<vmem>> -> memref<1x128xi32, #tpu.memory_space<vmem>>
        %dma_start3A_235 = tpu.memref_squeeze %dma_start3A_234 : memref<1x128xi32, #tpu.memory_space<vmem>> -> memref<128xi32, #tpu.memory_space<vmem>>
        %dma_start3A_236 = arith.constant 0 : i32
        %dma_start3A_237 = arith.constant 0 : i32
        %dma_start3A_238 = tpu.memref_slice %arg2[%dma_start3A_236, %dma_start3A_237] : memref<20000x64xf32, #tpu.memory_space<hbm>> -> memref<20000x64xf32, #tpu.memory_space<hbm>>
        tpu.enqueue_indirect_dma source(%dma_start3A_238 : memref<20000x64xf32, #tpu.memory_space<hbm>>) target(%arg12 : memref<128x64xf32, #tpu.memory_space<vmem>>) offsets(%dma_start3A_235 : memref<128xi32, #tpu.memory_space<vmem>>) semaphore(%arg18 : memref<!tpu.dma_semaphore, #tpu.memory_space<semaphore_mem>>)
      } else {
      }
      %mul3A_115 = arith.constant 5 : i32
      %mul3A_116 = arith.muli %scan3A_93, %mul3A_115 : i32
      %add3A_117 = arith.constant 1 : i32
      %add3A_118 = arith.addi %mul3A_116, %add3A_117 : i32
      %dma_wait3A_119 = arith.constant 0 : i32
      %dma_wait3A_120 = tpu.memref_slice %arg7[%add3A_118, %dma_wait3A_119] : memref<80x128xi32, #tpu.memory_space<vmem>> -> memref<1x128xi32, #tpu.memory_space<vmem>>
      %dma_wait3A_121 = tpu.memref_squeeze %dma_wait3A_120 : memref<1x128xi32, #tpu.memory_space<vmem>> -> memref<128xi32, #tpu.memory_space<vmem>>
      %dma_wait3A_122 = arith.constant 0 : i32
      %dma_wait3A_123 = arith.constant 0 : i32
      %dma_wait3A_124 = tpu.memref_slice %arg2[%dma_wait3A_122, %dma_wait3A_123] : memref<20000x64xf32, #tpu.memory_space<hbm>> -> memref<20000x64xf32, #tpu.memory_space<hbm>>
      tpu.wait_indirect_dma semaphore(%arg16 : memref<!tpu.dma_semaphore, #tpu.memory_space<semaphore_mem>>) src(%dma_wait3A_124 : memref<20000x64xf32, #tpu.memory_space<hbm>>) dst(%arg10 : memref<128x64xf32, #tpu.memory_space<vmem>>)
      %dma_start3A_125 = arith.constant 0 : i32
      %dma_start3A_126 = tpu.memref_slice %arg8[%add3A_118, %dma_start3A_125] : memref<80x128xi32, #tpu.memory_space<vmem>> -> memref<1x128xi32, #tpu.memory_space<vmem>>
      %dma_start3A_127 = tpu.memref_squeeze %dma_start3A_126 : memref<1x128xi32, #tpu.memory_space<vmem>> -> memref<128xi32, #tpu.memory_space<vmem>>
      %dma_start3A_128 = arith.constant 0 : i32
      %dma_start3A_129 = arith.constant 0 : i32
      %dma_start3A_130 = tpu.memref_slice %arg14[%dma_start3A_128, %dma_start3A_129] : memref<10240x64xf32, #tpu.memory_space<vmem_shared>> -> memref<10240x64xf32, #tpu.memory_space<vmem_shared>>
      tpu.enqueue_indirect_dma source(%arg10 : memref<128x64xf32, #tpu.memory_space<vmem>>) target(%dma_start3A_130 : memref<10240x64xf32, #tpu.memory_space<vmem_shared>>) offsets(%dma_start3A_127 : memref<128xi32, #tpu.memory_space<vmem>>) semaphore(%arg21 : memref<!tpu.dma_semaphore, #tpu.memory_space<semaphore_mem>>) {add = true}
      %sub3A_131 = arith.constant 2 : i32
      %sub3A_132 = arith.subi %add3A_118, %sub3A_131 : i32
      %add3A_133 = arith.constant 5 : i32
      %add3A_134 = arith.addi %sub3A_132, %add3A_133 : i32
      %ge3A_135 = arith.constant 2 : i32
      %ge3A_136 = arith.cmpi sge, %add3A_118, %ge3A_135 : i32
      %lt3A_137 = arith.constant 80 : i32
      %lt3A_138 = arith.cmpi slt, %add3A_134, %lt3A_137 : i32
      %and3A_139 = arith.andi %ge3A_136, %lt3A_138 : i1
      %convert_element_type3A_140 = arith.extui %and3A_139 : i1 to i32
      %cond3A_141 = arith.constant 0 : i32
      %cond3A_142 = arith.cmpi ne, %convert_element_type3A_140, %cond3A_141 : i32
      scf.if %cond3A_142 {
        %dma_wait3A_227 = arith.constant 0 : i32
        %dma_wait3A_228 = tpu.memref_slice %arg8[%add3A_118, %dma_wait3A_227] : memref<80x128xi32, #tpu.memory_space<vmem>> -> memref<1x128xi32, #tpu.memory_space<vmem>>
        %dma_wait3A_229 = tpu.memref_squeeze %dma_wait3A_228 : memref<1x128xi32, #tpu.memory_space<vmem>> -> memref<128xi32, #tpu.memory_space<vmem>>
        %dma_wait3A_230 = arith.constant 0 : i32
        %dma_wait3A_231 = arith.constant 0 : i32
        %dma_wait3A_232 = tpu.memref_slice %arg14[%dma_wait3A_230, %dma_wait3A_231] : memref<10240x64xf32, #tpu.memory_space<vmem_shared>> -> memref<10240x64xf32, #tpu.memory_space<vmem_shared>>
        tpu.wait_indirect_dma semaphore(%arg24 : memref<!tpu.dma_semaphore, #tpu.memory_space<semaphore_mem>>) src(%arg13 : memref<128x64xf32, #tpu.memory_space<vmem>>) dst(%dma_wait3A_232 : memref<10240x64xf32, #tpu.memory_space<vmem_shared>>)
        %dma_start3A_233 = arith.constant 0 : i32
        %dma_start3A_234 = tpu.memref_slice %arg7[%add3A_134, %dma_start3A_233] : memref<80x128xi32, #tpu.memory_space<vmem>> -> memref<1x128xi32, #tpu.memory_space<vmem>>
        %dma_start3A_235 = tpu.memref_squeeze %dma_start3A_234 : memref<1x128xi32, #tpu.memory_space<vmem>> -> memref<128xi32, #tpu.memory_space<vmem>>
        %dma_start3A_236 = arith.constant 0 : i32
        %dma_start3A_237 = arith.constant 0 : i32
        %dma_start3A_238 = tpu.memref_slice %arg2[%dma_start3A_236, %dma_start3A_237] : memref<20000x64xf32, #tpu.memory_space<hbm>> -> memref<20000x64xf32, #tpu.memory_space<hbm>>
        tpu.enqueue_indirect_dma source(%dma_start3A_238 : memref<20000x64xf32, #tpu.memory_space<hbm>>) target(%arg13 : memref<128x64xf32, #tpu.memory_space<vmem>>) offsets(%dma_start3A_235 : memref<128xi32, #tpu.memory_space<vmem>>) semaphore(%arg19 : memref<!tpu.dma_semaphore, #tpu.memory_space<semaphore_mem>>)
      } else {
      }
      %mul3A_143 = arith.constant 5 : i32
      %mul3A_144 = arith.muli %scan3A_93, %mul3A_143 : i32
      %add3A_145 = arith.constant 2 : i32
      %add3A_146 = arith.addi %mul3A_144, %add3A_145 : i32
      %dma_wait3A_147 = arith.constant 0 : i32
      %dma_wait3A_148 = tpu.memref_slice %arg7[%add3A_146, %dma_wait3A_147] : memref<80x128xi32, #tpu.memory_space<vmem>> -> memref<1x128xi32, #tpu.memory_space<vmem>>
      %dma_wait3A_149 = tpu.memref_squeeze %dma_wait3A_148 : memref<1x128xi32, #tpu.memory_space<vmem>> -> memref<128xi32, #tpu.memory_space<vmem>>
      %dma_wait3A_150 = arith.constant 0 : i32
      %dma_wait3A_151 = arith.constant 0 : i32
      %dma_wait3A_152 = tpu.memref_slice %arg2[%dma_wait3A_150, %dma_wait3A_151] : memref<20000x64xf32, #tpu.memory_space<hbm>> -> memref<20000x64xf32, #tpu.memory_space<hbm>>
      tpu.wait_indirect_dma semaphore(%arg17 : memref<!tpu.dma_semaphore, #tpu.memory_space<semaphore_mem>>) src(%dma_wait3A_152 : memref<20000x64xf32, #tpu.memory_space<hbm>>) dst(%arg11 : memref<128x64xf32, #tpu.memory_space<vmem>>)
      %dma_start3A_153 = arith.constant 0 : i32
      %dma_start3A_154 = tpu.memref_slice %arg8[%add3A_146, %dma_start3A_153] : memref<80x128xi32, #tpu.memory_space<vmem>> -> memref<1x128xi32, #tpu.memory_space<vmem>>
      %dma_start3A_155 = tpu.memref_squeeze %dma_start3A_154 : memref<1x128xi32, #tpu.memory_space<vmem>> -> memref<128xi32, #tpu.memory_space<vmem>>
      %dma_start3A_156 = arith.constant 0 : i32
      %dma_start3A_157 = arith.constant 0 : i32
      %dma_start3A_158 = tpu.memref_slice %arg14[%dma_start3A_156, %dma_start3A_157] : memref<10240x64xf32, #tpu.memory_space<vmem_shared>> -> memref<10240x64xf32, #tpu.memory_space<vmem_shared>>
      tpu.enqueue_indirect_dma source(%arg11 : memref<128x64xf32, #tpu.memory_space<vmem>>) target(%dma_start3A_158 : memref<10240x64xf32, #tpu.memory_space<vmem_shared>>) offsets(%dma_start3A_155 : memref<128xi32, #tpu.memory_space<vmem>>) semaphore(%arg22 : memref<!tpu.dma_semaphore, #tpu.memory_space<semaphore_mem>>) {add = true}
      %sub3A_159 = arith.constant 2 : i32
      %sub3A_160 = arith.subi %add3A_146, %sub3A_159 : i32
      %add3A_161 = arith.constant 5 : i32
      %add3A_162 = arith.addi %sub3A_160, %add3A_161 : i32
      %ge3A_163 = arith.constant 2 : i32
      %ge3A_164 = arith.cmpi sge, %add3A_146, %ge3A_163 : i32
      %lt3A_165 = arith.constant 80 : i32
      %lt3A_166 = arith.cmpi slt, %add3A_162, %lt3A_165 : i32
      %and3A_167 = arith.andi %ge3A_164, %lt3A_166 : i1
      %convert_element_type3A_168 = arith.extui %and3A_167 : i1 to i32
      %cond3A_169 = arith.constant 0 : i32
      %cond3A_170 = arith.cmpi ne, %convert_element_type3A_168, %cond3A_169 : i32
      scf.if %cond3A_170 {
        %dma_wait3A_227 = arith.constant 0 : i32
        %dma_wait3A_228 = tpu.memref_slice %arg8[%add3A_146, %dma_wait3A_227] : memref<80x128xi32, #tpu.memory_space<vmem>> -> memref<1x128xi32, #tpu.memory_space<vmem>>
        %dma_wait3A_229 = tpu.memref_squeeze %dma_wait3A_228 : memref<1x128xi32, #tpu.memory_space<vmem>> -> memref<128xi32, #tpu.memory_space<vmem>>
        %dma_wait3A_230 = arith.constant 0 : i32
        %dma_wait3A_231 = arith.constant 0 : i32
        %dma_wait3A_232 = tpu.memref_slice %arg14[%dma_wait3A_230, %dma_wait3A_231] : memref<10240x64xf32, #tpu.memory_space<vmem_shared>> -> memref<10240x64xf32, #tpu.memory_space<vmem_shared>>
        tpu.wait_indirect_dma semaphore(%arg20 : memref<!tpu.dma_semaphore, #tpu.memory_space<semaphore_mem>>) src(%arg9 : memref<128x64xf32, #tpu.memory_space<vmem>>) dst(%dma_wait3A_232 : memref<10240x64xf32, #tpu.memory_space<vmem_shared>>)
        %dma_start3A_233 = arith.constant 0 : i32
        %dma_start3A_234 = tpu.memref_slice %arg7[%add3A_162, %dma_start3A_233] : memref<80x128xi32, #tpu.memory_space<vmem>> -> memref<1x128xi32, #tpu.memory_space<vmem>>
        %dma_start3A_235 = tpu.memref_squeeze %dma_start3A_234 : memref<1x128xi32, #tpu.memory_space<vmem>> -> memref<128xi32, #tpu.memory_space<vmem>>
        %dma_start3A_236 = arith.constant 0 : i32
        %dma_start3A_237 = arith.constant 0 : i32
        %dma_start3A_238 = tpu.memref_slice %arg2[%dma_start3A_236, %dma_start3A_237] : memref<20000x64xf32, #tpu.memory_space<hbm>> -> memref<20000x64xf32, #tpu.memory_space<hbm>>
        tpu.enqueue_indirect_dma source(%dma_start3A_238 : memref<20000x64xf32, #tpu.memory_space<hbm>>) target(%arg9 : memref<128x64xf32, #tpu.memory_space<vmem>>) offsets(%dma_start3A_235 : memref<128xi32, #tpu.memory_space<vmem>>) semaphore(%arg15 : memref<!tpu.dma_semaphore, #tpu.memory_space<semaphore_mem>>)
      } else {
      }
      %mul3A_171 = arith.constant 5 : i32
      %mul3A_172 = arith.muli %scan3A_93, %mul3A_171 : i32
      %add3A_173 = arith.constant 3 : i32
      %add3A_174 = arith.addi %mul3A_172, %add3A_173 : i32
      %dma_wait3A_175 = arith.constant 0 : i32
      %dma_wait3A_176 = tpu.memref_slice %arg7[%add3A_174, %dma_wait3A_175] : memref<80x128xi32, #tpu.memory_space<vmem>> -> memref<1x128xi32, #tpu.memory_space<vmem>>
      %dma_wait3A_177 = tpu.memref_squeeze %dma_wait3A_176 : memref<1x128xi32, #tpu.memory_space<vmem>> -> memref<128xi32, #tpu.memory_space<vmem>>
      %dma_wait3A_178 = arith.constant 0 : i32
      %dma_wait3A_179 = arith.constant 0 : i32
      %dma_wait3A_180 = tpu.memref_slice %arg2[%dma_wait3A_178, %dma_wait3A_179] : memref<20000x64xf32, #tpu.memory_space<hbm>> -> memref<20000x64xf32, #tpu.memory_space<hbm>>
      tpu.wait_indirect_dma semaphore(%arg18 : memref<!tpu.dma_semaphore, #tpu.memory_space<semaphore_mem>>) src(%dma_wait3A_180 : memref<20000x64xf32, #tpu.memory_space<hbm>>) dst(%arg12 : memref<128x64xf32, #tpu.memory_space<vmem>>)
      %dma_start3A_181 = arith.constant 0 : i32
      %dma_start3A_182 = tpu.memref_slice %arg8[%add3A_174, %dma_start3A_181] : memref<80x128xi32, #tpu.memory_space<vmem>> -> memref<1x128xi32, #tpu.memory_space<vmem>>
      %dma_start3A_183 = tpu.memref_squeeze %dma_start3A_182 : memref<1x128xi32, #tpu.memory_space<vmem>> -> memref<128xi32, #tpu.memory_space<vmem>>
      %dma_start3A_184 = arith.constant 0 : i32
      %dma_start3A_185 = arith.constant 0 : i32
      %dma_start3A_186 = tpu.memref_slice %arg14[%dma_start3A_184, %dma_start3A_185] : memref<10240x64xf32, #tpu.memory_space<vmem_shared>> -> memref<10240x64xf32, #tpu.memory_space<vmem_shared>>
      tpu.enqueue_indirect_dma source(%arg12 : memref<128x64xf32, #tpu.memory_space<vmem>>) target(%dma_start3A_186 : memref<10240x64xf32, #tpu.memory_space<vmem_shared>>) offsets(%dma_start3A_183 : memref<128xi32, #tpu.memory_space<vmem>>) semaphore(%arg23 : memref<!tpu.dma_semaphore, #tpu.memory_space<semaphore_mem>>) {add = true}
      %sub3A_187 = arith.constant 2 : i32
      %sub3A_188 = arith.subi %add3A_174, %sub3A_187 : i32
      %add3A_189 = arith.constant 5 : i32
      %add3A_190 = arith.addi %sub3A_188, %add3A_189 : i32
      %ge3A_191 = arith.constant 2 : i32
      %ge3A_192 = arith.cmpi sge, %add3A_174, %ge3A_191 : i32
      %lt3A_193 = arith.constant 80 : i32
      %lt3A_194 = arith.cmpi slt, %add3A_190, %lt3A_193 : i32
      %and3A_195 = arith.andi %ge3A_192, %lt3A_194 : i1
      %convert_element_type3A_196 = arith.extui %and3A_195 : i1 to i32
      %cond3A_197 = arith.constant 0 : i32
      %cond3A_198 = arith.cmpi ne, %convert_element_type3A_196, %cond3A_197 : i32
      scf.if %cond3A_198 {
        %dma_wait3A_227 = arith.constant 0 : i32
        %dma_wait3A_228 = tpu.memref_slice %arg8[%add3A_174, %dma_wait3A_227] : memref<80x128xi32, #tpu.memory_space<vmem>> -> memref<1x128xi32, #tpu.memory_space<vmem>>
        %dma_wait3A_229 = tpu.memref_squeeze %dma_wait3A_228 : memref<1x128xi32, #tpu.memory_space<vmem>> -> memref<128xi32, #tpu.memory_space<vmem>>
        %dma_wait3A_230 = arith.constant 0 : i32
        %dma_wait3A_231 = arith.constant 0 : i32
        %dma_wait3A_232 = tpu.memref_slice %arg14[%dma_wait3A_230, %dma_wait3A_231] : memref<10240x64xf32, #tpu.memory_space<vmem_shared>> -> memref<10240x64xf32, #tpu.memory_space<vmem_shared>>
        tpu.wait_indirect_dma semaphore(%arg21 : memref<!tpu.dma_semaphore, #tpu.memory_space<semaphore_mem>>) src(%arg10 : memref<128x64xf32, #tpu.memory_space<vmem>>) dst(%dma_wait3A_232 : memref<10240x64xf32, #tpu.memory_space<vmem_shared>>)
        %dma_start3A_233 = arith.constant 0 : i32
        %dma_start3A_234 = tpu.memref_slice %arg7[%add3A_190, %dma_start3A_233] : memref<80x128xi32, #tpu.memory_space<vmem>> -> memref<1x128xi32, #tpu.memory_space<vmem>>
        %dma_start3A_235 = tpu.memref_squeeze %dma_start3A_234 : memref<1x128xi32, #tpu.memory_space<vmem>> -> memref<128xi32, #tpu.memory_space<vmem>>
        %dma_start3A_236 = arith.constant 0 : i32
        %dma_start3A_237 = arith.constant 0 : i32
        %dma_start3A_238 = tpu.memref_slice %arg2[%dma_start3A_236, %dma_start3A_237] : memref<20000x64xf32, #tpu.memory_space<hbm>> -> memref<20000x64xf32, #tpu.memory_space<hbm>>
        tpu.enqueue_indirect_dma source(%dma_start3A_238 : memref<20000x64xf32, #tpu.memory_space<hbm>>) target(%arg10 : memref<128x64xf32, #tpu.memory_space<vmem>>) offsets(%dma_start3A_235 : memref<128xi32, #tpu.memory_space<vmem>>) semaphore(%arg16 : memref<!tpu.dma_semaphore, #tpu.memory_space<semaphore_mem>>)
      } else {
      }
      %mul3A_199 = arith.constant 5 : i32
      %mul3A_200 = arith.muli %scan3A_93, %mul3A_199 : i32
      %add3A_201 = arith.constant 4 : i32
      %add3A_202 = arith.addi %mul3A_200, %add3A_201 : i32
      %dma_wait3A_203 = arith.constant 0 : i32
      %dma_wait3A_204 = tpu.memref_slice %arg7[%add3A_202, %dma_wait3A_203] : memref<80x128xi32, #tpu.memory_space<vmem>> -> memref<1x128xi32, #tpu.memory_space<vmem>>
      %dma_wait3A_205 = tpu.memref_squeeze %dma_wait3A_204 : memref<1x128xi32, #tpu.memory_space<vmem>> -> memref<128xi32, #tpu.memory_space<vmem>>
      %dma_wait3A_206 = arith.constant 0 : i32
      %dma_wait3A_207 = arith.constant 0 : i32
      %dma_wait3A_208 = tpu.memref_slice %arg2[%dma_wait3A_206, %dma_wait3A_207] : memref<20000x64xf32, #tpu.memory_space<hbm>> -> memref<20000x64xf32, #tpu.memory_space<hbm>>
      tpu.wait_indirect_dma semaphore(%arg19 : memref<!tpu.dma_semaphore, #tpu.memory_space<semaphore_mem>>) src(%dma_wait3A_208 : memref<20000x64xf32, #tpu.memory_space<hbm>>) dst(%arg13 : memref<128x64xf32, #tpu.memory_space<vmem>>)
      %dma_start3A_209 = arith.constant 0 : i32
      %dma_start3A_210 = tpu.memref_slice %arg8[%add3A_202, %dma_start3A_209] : memref<80x128xi32, #tpu.memory_space<vmem>> -> memref<1x128xi32, #tpu.memory_space<vmem>>
      %dma_start3A_211 = tpu.memref_squeeze %dma_start3A_210 : memref<1x128xi32, #tpu.memory_space<vmem>> -> memref<128xi32, #tpu.memory_space<vmem>>
      %dma_start3A_212 = arith.constant 0 : i32
      %dma_start3A_213 = arith.constant 0 : i32
      %dma_start3A_214 = tpu.memref_slice %arg14[%dma_start3A_212, %dma_start3A_213] : memref<10240x64xf32, #tpu.memory_space<vmem_shared>> -> memref<10240x64xf32, #tpu.memory_space<vmem_shared>>
      tpu.enqueue_indirect_dma source(%arg13 : memref<128x64xf32, #tpu.memory_space<vmem>>) target(%dma_start3A_214 : memref<10240x64xf32, #tpu.memory_space<vmem_shared>>) offsets(%dma_start3A_211 : memref<128xi32, #tpu.memory_space<vmem>>) semaphore(%arg24 : memref<!tpu.dma_semaphore, #tpu.memory_space<semaphore_mem>>) {add = true}
      %sub3A_215 = arith.constant 2 : i32
      %sub3A_216 = arith.subi %add3A_202, %sub3A_215 : i32
      %add3A_217 = arith.constant 5 : i32
      %add3A_218 = arith.addi %sub3A_216, %add3A_217 : i32
      %ge3A_219 = arith.constant 2 : i32
      %ge3A_220 = arith.cmpi sge, %add3A_202, %ge3A_219 : i32
      %lt3A_221 = arith.constant 80 : i32
      %lt3A_222 = arith.cmpi slt, %add3A_218, %lt3A_221 : i32
      %and3A_223 = arith.andi %ge3A_220, %lt3A_222 : i1
      %convert_element_type3A_224 = arith.extui %and3A_223 : i1 to i32
      %cond3A_225 = arith.constant 0 : i32
      %cond3A_226 = arith.cmpi ne, %convert_element_type3A_224, %cond3A_225 : i32
      scf.if %cond3A_226 {
        %dma_wait3A_227 = arith.constant 0 : i32
        %dma_wait3A_228 = tpu.memref_slice %arg8[%add3A_202, %dma_wait3A_227] : memref<80x128xi32, #tpu.memory_space<vmem>> -> memref<1x128xi32, #tpu.memory_space<vmem>>
        %dma_wait3A_229 = tpu.memref_squeeze %dma_wait3A_228 : memref<1x128xi32, #tpu.memory_space<vmem>> -> memref<128xi32, #tpu.memory_space<vmem>>
        %dma_wait3A_230 = arith.constant 0 : i32
        %dma_wait3A_231 = arith.constant 0 : i32
        %dma_wait3A_232 = tpu.memref_slice %arg14[%dma_wait3A_230, %dma_wait3A_231] : memref<10240x64xf32, #tpu.memory_space<vmem_shared>> -> memref<10240x64xf32, #tpu.memory_space<vmem_shared>>
        tpu.wait_indirect_dma semaphore(%arg22 : memref<!tpu.dma_semaphore, #tpu.memory_space<semaphore_mem>>) src(%arg11 : memref<128x64xf32, #tpu.memory_space<vmem>>) dst(%dma_wait3A_232 : memref<10240x64xf32, #tpu.memory_space<vmem_shared>>)
        %dma_start3A_233 = arith.constant 0 : i32
        %dma_start3A_234 = tpu.memref_slice %arg7[%add3A_218, %dma_start3A_233] : memref<80x128xi32, #tpu.memory_space<vmem>> -> memref<1x128xi32, #tpu.memory_space<vmem>>
        %dma_start3A_235 = tpu.memref_squeeze %dma_start3A_234 : memref<1x128xi32, #tpu.memory_space<vmem>> -> memref<128xi32, #tpu.memory_space<vmem>>
        %dma_start3A_236 = arith.constant 0 : i32
        %dma_start3A_237 = arith.constant 0 : i32
        %dma_start3A_238 = tpu.memref_slice %arg2[%dma_start3A_236, %dma_start3A_237] : memref<20000x64xf32, #tpu.memory_space<hbm>> -> memref<20000x64xf32, #tpu.memory_space<hbm>>
        tpu.enqueue_indirect_dma source(%dma_start3A_238 : memref<20000x64xf32, #tpu.memory_space<hbm>>) target(%arg11 : memref<128x64xf32, #tpu.memory_space<vmem>>) offsets(%dma_start3A_235 : memref<128xi32, #tpu.memory_space<vmem>>) semaphore(%arg17 : memref<!tpu.dma_semaphore, #tpu.memory_space<semaphore_mem>>)
      } else {
      }
    }
    %scan3A_51 = arith.constant 16 : i32
    %dma_wait3A = arith.constant 0 : i32
    %dma_wait3A_52 = arith.constant 0 : i32
    %dma_wait3A_53 = tpu.memref_slice %arg8[%dma_wait3A, %dma_wait3A_52] : memref<80x128xi32, #tpu.memory_space<vmem>> -> memref<1x128xi32, #tpu.memory_space<vmem>>
    %dma_wait3A_54 = tpu.memref_squeeze %dma_wait3A_53 : memref<1x128xi32, #tpu.memory_space<vmem>> -> memref<128xi32, #tpu.memory_space<vmem>>
    %dma_wait3A_55 = arith.constant 0 : i32
    %dma_wait3A_56 = arith.constant 0 : i32
    %dma_wait3A_57 = tpu.memref_slice %arg14[%dma_wait3A_55, %dma_wait3A_56] : memref<10240x64xf32, #tpu.memory_space<vmem_shared>> -> memref<10240x64xf32, #tpu.memory_space<vmem_shared>>
    tpu.wait_indirect_dma semaphore(%arg20 : memref<!tpu.dma_semaphore, #tpu.memory_space<semaphore_mem>>) src(%arg9 : memref<128x64xf32, #tpu.memory_space<vmem>>) dst(%dma_wait3A_57 : memref<10240x64xf32, #tpu.memory_space<vmem_shared>>)
    %dma_wait3A_58 = arith.constant 0 : i32
    %dma_wait3A_59 = arith.constant 0 : i32
    %dma_wait3A_60 = tpu.memref_slice %arg8[%dma_wait3A_58, %dma_wait3A_59] : memref<80x128xi32, #tpu.memory_space<vmem>> -> memref<1x128xi32, #tpu.memory_space<vmem>>
    %dma_wait3A_61 = tpu.memref_squeeze %dma_wait3A_60 : memref<1x128xi32, #tpu.memory_space<vmem>> -> memref<128xi32, #tpu.memory_space<vmem>>
    %dma_wait3A_62 = arith.constant 0 : i32
    %dma_wait3A_63 = arith.constant 0 : i32
    %dma_wait3A_64 = tpu.memref_slice %arg14[%dma_wait3A_62, %dma_wait3A_63] : memref<10240x64xf32, #tpu.memory_space<vmem_shared>> -> memref<10240x64xf32, #tpu.memory_space<vmem_shared>>
    tpu.wait_indirect_dma semaphore(%arg21 : memref<!tpu.dma_semaphore, #tpu.memory_space<semaphore_mem>>) src(%arg10 : memref<128x64xf32, #tpu.memory_space<vmem>>) dst(%dma_wait3A_64 : memref<10240x64xf32, #tpu.memory_space<vmem_shared>>)
    %dma_wait3A_65 = arith.constant 0 : i32
    %dma_wait3A_66 = arith.constant 0 : i32
    %dma_wait3A_67 = tpu.memref_slice %arg8[%dma_wait3A_65, %dma_wait3A_66] : memref<80x128xi32, #tpu.memory_space<vmem>> -> memref<1x128xi32, #tpu.memory_space<vmem>>
    %dma_wait3A_68 = tpu.memref_squeeze %dma_wait3A_67 : memref<1x128xi32, #tpu.memory_space<vmem>> -> memref<128xi32, #tpu.memory_space<vmem>>
    %dma_wait3A_69 = arith.constant 0 : i32
    %dma_wait3A_70 = arith.constant 0 : i32
    %dma_wait3A_71 = tpu.memref_slice %arg14[%dma_wait3A_69, %dma_wait3A_70] : memref<10240x64xf32, #tpu.memory_space<vmem_shared>> -> memref<10240x64xf32, #tpu.memory_space<vmem_shared>>
    tpu.wait_indirect_dma semaphore(%arg22 : memref<!tpu.dma_semaphore, #tpu.memory_space<semaphore_mem>>) src(%arg11 : memref<128x64xf32, #tpu.memory_space<vmem>>) dst(%dma_wait3A_71 : memref<10240x64xf32, #tpu.memory_space<vmem_shared>>)
    %dma_wait3A_72 = arith.constant 0 : i32
    %dma_wait3A_73 = arith.constant 0 : i32
    %dma_wait3A_74 = tpu.memref_slice %arg8[%dma_wait3A_72, %dma_wait3A_73] : memref<80x128xi32, #tpu.memory_space<vmem>> -> memref<1x128xi32, #tpu.memory_space<vmem>>
    %dma_wait3A_75 = tpu.memref_squeeze %dma_wait3A_74 : memref<1x128xi32, #tpu.memory_space<vmem>> -> memref<128xi32, #tpu.memory_space<vmem>>
    %dma_wait3A_76 = arith.constant 0 : i32
    %dma_wait3A_77 = arith.constant 0 : i32
    %dma_wait3A_78 = tpu.memref_slice %arg14[%dma_wait3A_76, %dma_wait3A_77] : memref<10240x64xf32, #tpu.memory_space<vmem_shared>> -> memref<10240x64xf32, #tpu.memory_space<vmem_shared>>
    tpu.wait_indirect_dma semaphore(%arg23 : memref<!tpu.dma_semaphore, #tpu.memory_space<semaphore_mem>>) src(%arg12 : memref<128x64xf32, #tpu.memory_space<vmem>>) dst(%dma_wait3A_78 : memref<10240x64xf32, #tpu.memory_space<vmem_shared>>)
    %dma_wait3A_79 = arith.constant 0 : i32
    %dma_wait3A_80 = arith.constant 0 : i32
    %dma_wait3A_81 = tpu.memref_slice %arg8[%dma_wait3A_79, %dma_wait3A_80] : memref<80x128xi32, #tpu.memory_space<vmem>> -> memref<1x128xi32, #tpu.memory_space<vmem>>
    %dma_wait3A_82 = tpu.memref_squeeze %dma_wait3A_81 : memref<1x128xi32, #tpu.memory_space<vmem>> -> memref<128xi32, #tpu.memory_space<vmem>>
    %dma_wait3A_83 = arith.constant 0 : i32
    %dma_wait3A_84 = arith.constant 0 : i32
    %dma_wait3A_85 = tpu.memref_slice %arg14[%dma_wait3A_83, %dma_wait3A_84] : memref<10240x64xf32, #tpu.memory_space<vmem_shared>> -> memref<10240x64xf32, #tpu.memory_space<vmem_shared>>
    tpu.wait_indirect_dma semaphore(%arg24 : memref<!tpu.dma_semaphore, #tpu.memory_space<semaphore_mem>>) src(%arg13 : memref<128x64xf32, #tpu.memory_space<vmem>>) dst(%dma_wait3A_85 : memref<10240x64xf32, #tpu.memory_space<vmem_shared>>)
    %barrier3A_86 = arith.constant 0 : index
    tpu.barrier barrier_id(%barrier3A_86)
    %scan3A_87 = arith.constant 0 : i32
    %scan3A_88 = arith.constant 0 : i32
    %scan3A_89 = arith.constant 5 : i32
    %scan3A_90 = arith.addi %scan3A_88, %scan3A_89 : i32
    %scan3A_91 = arith.constant 1 : i32
    scf.for %scan3A_93 = %scan3A_88 to %scan3A_90 step %scan3A_91  : i32 {
      %mul3A_94 = arith.constant 128 : i32
      %mul3A_95 = arith.muli %scan3A_93, %mul3A_94 : i32
      %add3A = arith.addi %mul3A_0, %mul3A_95 : i32
      "tpu.region"() ({
        %run_scoped3A = tpu.sem_alloc : memref<!tpu.dma_semaphore, #tpu.memory_space<semaphore_mem>>
        %dma_start3A_98 = arith.constant 0 : i32
        %dma_start3A_99 = tpu.memref_slice %arg14[%add3A, %dma_start3A_98] : memref<10240x64xf32, #tpu.memory_space<vmem_shared>> -> memref<128x64xf32, #tpu.memory_space<vmem_shared>>
        %dma_start3A_100 = arith.constant 0 : i32
        %dma_start3A_101 = tpu.memref_slice %arg14[%add3A, %dma_start3A_100] : memref<10240x64xf32, #tpu.memory_space<vmem_shared>> -> memref<128x64xf32, #tpu.memory_space<vmem_shared>>
        tpu.enqueue_dma source(%dma_start3A_101 : memref<128x64xf32, #tpu.memory_space<vmem_shared>>) target(%arg9 : memref<128x64xf32, #tpu.memory_space<vmem>>) target_semaphore(%run_scoped3A : memref<!tpu.dma_semaphore, #tpu.memory_space<semaphore_mem>>)
        %dma_wait3A_102 = arith.constant 0 : i32
        %dma_wait3A_103 = tpu.memref_slice %arg14[%add3A, %dma_wait3A_102] : memref<10240x64xf32, #tpu.memory_space<vmem_shared>> -> memref<128x64xf32, #tpu.memory_space<vmem_shared>>
        %dma_wait3A_104 = arith.constant 0 : i32
        %dma_wait3A_105 = tpu.memref_slice %arg14[%add3A, %dma_wait3A_104] : memref<10240x64xf32, #tpu.memory_space<vmem_shared>> -> memref<128x64xf32, #tpu.memory_space<vmem_shared>>
        tpu.wait_dma2 semaphore(%run_scoped3A : memref<!tpu.dma_semaphore, #tpu.memory_space<semaphore_mem>>) src(%dma_wait3A_105 : memref<128x64xf32, #tpu.memory_space<vmem_shared>>) dst(%arg9 : memref<128x64xf32, #tpu.memory_space<vmem>>)
        tpu.yield
      }) : () -> ()
      %mul3A_96 = arith.constant 64 : i32
      %mul3A_97 = arith.muli %arg0, %mul3A_96 : i32
      "tpu.region"() ({
        %run_scoped3A = tpu.sem_alloc : memref<!tpu.dma_semaphore, #tpu.memory_space<semaphore_mem>>
        %dma_start3A_98 = tpu.memref_slice %arg6[%add3A, %mul3A_97] : memref<10240x128xf32, #tpu.memory_space<hbm>> -> memref<128x64xf32, #tpu.memory_space<hbm>>
        %dma_start3A_99 = tpu.memref_slice %arg6[%add3A, %mul3A_97] : memref<10240x128xf32, #tpu.memory_space<hbm>> -> memref<128x64xf32, #tpu.memory_space<hbm>>
        tpu.enqueue_dma source(%arg9 : memref<128x64xf32, #tpu.memory_space<vmem>>) target(%dma_start3A_99 : memref<128x64xf32, #tpu.memory_space<hbm>>) target_semaphore(%run_scoped3A : memref<!tpu.dma_semaphore, #tpu.memory_space<semaphore_mem>>)
        %dma_wait3A_100 = tpu.memref_slice %arg6[%add3A, %mul3A_97] : memref<10240x128xf32, #tpu.memory_space<hbm>> -> memref<128x64xf32, #tpu.memory_space<hbm>>
        %dma_wait3A_101 = tpu.memref_slice %arg6[%add3A, %mul3A_97] : memref<10240x128xf32, #tpu.memory_space<hbm>> -> memref<128x64xf32, #tpu.memory_space<hbm>>
        tpu.wait_dma2 semaphore(%run_scoped3A : memref<!tpu.dma_semaphore, #tpu.memory_space<semaphore_mem>>) src(%arg9 : memref<128x64xf32, #tpu.memory_space<vmem>>) dst(%dma_wait3A_101 : memref<128x64xf32, #tpu.memory_space<hbm>>)
        tpu.yield
      }) : () -> ()
    }
    %scan3A_92 = arith.constant 5 : i32
    return
  }
}

#map = affine_map<(d0, d1) -> (0, 0)>
#map1 = affine_map<(d0, d1) -> (0, 0, 0, 0)>
#map2 = affine_map<(d0, d1) -> (0, 0, 0)>
module attributes {stable_mosaic.version = 14 : i64} {
  func.func @_sc_scatter2(%arg0: i32, %arg1: i32, %arg2: memref<10240x16xf32, #tpu.memory_space<hbm>>, %arg3: memref<2x16x40x128xi32, #tpu.memory_space<hbm>>, %arg4: memref<2x16x40x128xi32, #tpu.memory_space<hbm>>, %arg5: memref<128x16xf32, #tpu.memory_space<hbm>>, %arg6: memref<2x10240x16xf32, #tpu.memory_space<hbm>>, %arg7: memref<40x128xi32, #tpu.memory_space<vmem>>, %arg8: memref<40x128xi32, #tpu.memory_space<vmem>>, %arg9: memref<128x16xf32, #tpu.memory_space<vmem>>, %arg10: memref<128x16xf32, #tpu.memory_space<vmem>>, %arg11: memref<128x16xf32, #tpu.memory_space<vmem>>, %arg12: memref<128x16xf32, #tpu.memory_space<vmem>>, %arg13: memref<128x16xf32, #tpu.memory_space<vmem>>, %arg14: memref<128x16xf32, #tpu.memory_space<vmem>>, %arg15: memref<10240x16xf32, #tpu.memory_space<vmem_shared>>, %arg16: memref<!tpu.dma_semaphore, #tpu.memory_space<semaphore_mem>>, %arg17: memref<!tpu.dma_semaphore, #tpu.memory_space<semaphore_mem>>, %arg18: memref<!tpu.dma_semaphore, #tpu.memory_space<semaphore_mem>>, %arg19: memref<!tpu.dma_semaphore, #tpu.memory_space<semaphore_mem>>, %arg20: memref<!tpu.dma_semaphore, #tpu.memory_space<semaphore_mem>>, %arg21: memref<!tpu.dma_semaphore, #tpu.memory_space<semaphore_mem>>, %arg22: memref<!tpu.dma_semaphore, #tpu.memory_space<semaphore_mem>>, %arg23: memref<!tpu.dma_semaphore, #tpu.memory_space<semaphore_mem>>, %arg24: memref<!tpu.dma_semaphore, #tpu.memory_space<semaphore_mem>>, %arg25: memref<!tpu.dma_semaphore, #tpu.memory_space<semaphore_mem>>) attributes {dimension_semantics = [#tpu.dimension_semantics<core_parallel>, #tpu.dimension_semantics<subcore_parallel>], iteration_bounds = array<i64: 2, 16>, scalar_prefetch = 0 : i64, scratch_operands = 19 : i64, tpu.core_type = #tpu.core_type<sc_vector_subcore>, window_params = [{transform_indices = #map}, {transform_indices = #map1}, {transform_indices = #map1}, {transform_indices = #map}, {transform_indices = #map2}]} {
    "tpu.region"() ({
      %run_scoped3A = tpu.sem_alloc : memref<!tpu.dma_semaphore, #tpu.memory_space<semaphore_mem>>
      tpu.enqueue_dma source(%arg5 : memref<128x16xf32, #tpu.memory_space<hbm>>) target(%arg14 : memref<128x16xf32, #tpu.memory_space<vmem>>) target_semaphore(%run_scoped3A : memref<!tpu.dma_semaphore, #tpu.memory_space<semaphore_mem>>)
      tpu.wait_dma2 semaphore(%run_scoped3A : memref<!tpu.dma_semaphore, #tpu.memory_space<semaphore_mem>>) src(%arg5 : memref<128x16xf32, #tpu.memory_space<hbm>>) dst(%arg14 : memref<128x16xf32, #tpu.memory_space<vmem>>)
      tpu.yield
    }) : () -> ()
    "tpu.region"() ({
      %run_scoped3A = tpu.sem_alloc : memref<!tpu.dma_semaphore, #tpu.memory_space<semaphore_mem>>
      %dma_start3A_93 = arith.constant 0 : i32
      %dma_start3A_94 = arith.constant 0 : i32
      %dma_start3A_95 = tpu.memref_slice %arg3[%arg0, %arg1, %dma_start3A_93, %dma_start3A_94] : memref<2x16x40x128xi32, #tpu.memory_space<hbm>> -> memref<1x1x40x128xi32, #tpu.memory_space<hbm>>
      %dma_start3A_96 = tpu.memref_squeeze %dma_start3A_95 : memref<1x1x40x128xi32, #tpu.memory_space<hbm>> -> memref<40x128xi32, #tpu.memory_space<hbm>>
      %dma_start3A_97 = arith.constant 0 : i32
      %dma_start3A_98 = arith.constant 0 : i32
      %dma_start3A_99 = tpu.memref_slice %arg3[%arg0, %arg1, %dma_start3A_97, %dma_start3A_98] : memref<2x16x40x128xi32, #tpu.memory_space<hbm>> -> memref<1x1x40x128xi32, #tpu.memory_space<hbm>>
      %dma_start3A_100 = tpu.memref_squeeze %dma_start3A_99 : memref<1x1x40x128xi32, #tpu.memory_space<hbm>> -> memref<40x128xi32, #tpu.memory_space<hbm>>
      tpu.enqueue_dma source(%dma_start3A_100 : memref<40x128xi32, #tpu.memory_space<hbm>>) target(%arg7 : memref<40x128xi32, #tpu.memory_space<vmem>>) target_semaphore(%run_scoped3A : memref<!tpu.dma_semaphore, #tpu.memory_space<semaphore_mem>>)
      %dma_wait3A_101 = arith.constant 0 : i32
      %dma_wait3A_102 = arith.constant 0 : i32
      %dma_wait3A_103 = tpu.memref_slice %arg3[%arg0, %arg1, %dma_wait3A_101, %dma_wait3A_102] : memref<2x16x40x128xi32, #tpu.memory_space<hbm>> -> memref<1x1x40x128xi32, #tpu.memory_space<hbm>>
      %dma_wait3A_104 = tpu.memref_squeeze %dma_wait3A_103 : memref<1x1x40x128xi32, #tpu.memory_space<hbm>> -> memref<40x128xi32, #tpu.memory_space<hbm>>
      %dma_wait3A_105 = arith.constant 0 : i32
      %dma_wait3A_106 = arith.constant 0 : i32
      %dma_wait3A_107 = tpu.memref_slice %arg3[%arg0, %arg1, %dma_wait3A_105, %dma_wait3A_106] : memref<2x16x40x128xi32, #tpu.memory_space<hbm>> -> memref<1x1x40x128xi32, #tpu.memory_space<hbm>>
      %dma_wait3A_108 = tpu.memref_squeeze %dma_wait3A_107 : memref<1x1x40x128xi32, #tpu.memory_space<hbm>> -> memref<40x128xi32, #tpu.memory_space<hbm>>
      tpu.wait_dma2 semaphore(%run_scoped3A : memref<!tpu.dma_semaphore, #tpu.memory_space<semaphore_mem>>) src(%dma_wait3A_108 : memref<40x128xi32, #tpu.memory_space<hbm>>) dst(%arg7 : memref<40x128xi32, #tpu.memory_space<vmem>>)
      tpu.yield
    }) : () -> ()
    "tpu.region"() ({
      %run_scoped3A = tpu.sem_alloc : memref<!tpu.dma_semaphore, #tpu.memory_space<semaphore_mem>>
      %dma_start3A_93 = arith.constant 0 : i32
      %dma_start3A_94 = arith.constant 0 : i32
      %dma_start3A_95 = tpu.memref_slice %arg4[%arg0, %arg1, %dma_start3A_93, %dma_start3A_94] : memref<2x16x40x128xi32, #tpu.memory_space<hbm>> -> memref<1x1x40x128xi32, #tpu.memory_space<hbm>>
      %dma_start3A_96 = tpu.memref_squeeze %dma_start3A_95 : memref<1x1x40x128xi32, #tpu.memory_space<hbm>> -> memref<40x128xi32, #tpu.memory_space<hbm>>
      %dma_start3A_97 = arith.constant 0 : i32
      %dma_start3A_98 = arith.constant 0 : i32
      %dma_start3A_99 = tpu.memref_slice %arg4[%arg0, %arg1, %dma_start3A_97, %dma_start3A_98] : memref<2x16x40x128xi32, #tpu.memory_space<hbm>> -> memref<1x1x40x128xi32, #tpu.memory_space<hbm>>
      %dma_start3A_100 = tpu.memref_squeeze %dma_start3A_99 : memref<1x1x40x128xi32, #tpu.memory_space<hbm>> -> memref<40x128xi32, #tpu.memory_space<hbm>>
      tpu.enqueue_dma source(%dma_start3A_100 : memref<40x128xi32, #tpu.memory_space<hbm>>) target(%arg8 : memref<40x128xi32, #tpu.memory_space<vmem>>) target_semaphore(%run_scoped3A : memref<!tpu.dma_semaphore, #tpu.memory_space<semaphore_mem>>)
      %dma_wait3A_101 = arith.constant 0 : i32
      %dma_wait3A_102 = arith.constant 0 : i32
      %dma_wait3A_103 = tpu.memref_slice %arg4[%arg0, %arg1, %dma_wait3A_101, %dma_wait3A_102] : memref<2x16x40x128xi32, #tpu.memory_space<hbm>> -> memref<1x1x40x128xi32, #tpu.memory_space<hbm>>
      %dma_wait3A_104 = tpu.memref_squeeze %dma_wait3A_103 : memref<1x1x40x128xi32, #tpu.memory_space<hbm>> -> memref<40x128xi32, #tpu.memory_space<hbm>>
      %dma_wait3A_105 = arith.constant 0 : i32
      %dma_wait3A_106 = arith.constant 0 : i32
      %dma_wait3A_107 = tpu.memref_slice %arg4[%arg0, %arg1, %dma_wait3A_105, %dma_wait3A_106] : memref<2x16x40x128xi32, #tpu.memory_space<hbm>> -> memref<1x1x40x128xi32, #tpu.memory_space<hbm>>
      %dma_wait3A_108 = tpu.memref_squeeze %dma_wait3A_107 : memref<1x1x40x128xi32, #tpu.memory_space<hbm>> -> memref<40x128xi32, #tpu.memory_space<hbm>>
      tpu.wait_dma2 semaphore(%run_scoped3A : memref<!tpu.dma_semaphore, #tpu.memory_space<semaphore_mem>>) src(%dma_wait3A_108 : memref<40x128xi32, #tpu.memory_space<hbm>>) dst(%arg8 : memref<40x128xi32, #tpu.memory_space<vmem>>)
      tpu.yield
    }) : () -> ()
    %mul3A = arith.constant 640 : i32
    %mul3A_0 = arith.muli %arg1, %mul3A : i32
    %scan3A = arith.constant 0 : i32
    %scan3A_1 = arith.constant 0 : i32
    %scan3A_2 = arith.constant 5 : i32
    %scan3A_3 = arith.addi %scan3A_1, %scan3A_2 : i32
    %scan3A_4 = arith.constant 1 : i32
    scf.for %scan3A_93 = %scan3A_1 to %scan3A_3 step %scan3A_4  : i32 {
      %mul3A_94 = arith.constant 128 : i32
      %mul3A_95 = arith.muli %scan3A_93, %mul3A_94 : i32
      %add3A = arith.addi %mul3A_0, %mul3A_95 : i32
      %dma_start3A_96 = arith.constant 0 : i32
      %dma_start3A_97 = tpu.memref_slice %arg15[%add3A, %dma_start3A_96] : memref<10240x16xf32, #tpu.memory_space<vmem_shared>> -> memref<128x16xf32, #tpu.memory_space<vmem_shared>>
      %dma_start3A_98 = arith.constant 0 : i32
      %dma_start3A_99 = tpu.memref_slice %arg15[%add3A, %dma_start3A_98] : memref<10240x16xf32, #tpu.memory_space<vmem_shared>> -> memref<128x16xf32, #tpu.memory_space<vmem_shared>>
      tpu.enqueue_dma source(%arg14 : memref<128x16xf32, #tpu.memory_space<vmem>>) target(%dma_start3A_99 : memref<128x16xf32, #tpu.memory_space<vmem_shared>>) target_semaphore(%arg21 : memref<!tpu.dma_semaphore, #tpu.memory_space<semaphore_mem>>)
    }
    %scan3A_5 = arith.constant 5 : i32
    %scan3A_6 = arith.constant 0 : i32
    %scan3A_7 = arith.constant 0 : i32
    %scan3A_8 = arith.constant 5 : i32
    %scan3A_9 = arith.addi %scan3A_7, %scan3A_8 : i32
    %scan3A_10 = arith.constant 1 : i32
    scf.for %scan3A_93 = %scan3A_7 to %scan3A_9 step %scan3A_10  : i32 {
      %dma_wait3A_94 = arith.constant 0 : i32
      %dma_wait3A_95 = tpu.memref_slice %arg15[%mul3A_0, %dma_wait3A_94] : memref<10240x16xf32, #tpu.memory_space<vmem_shared>> -> memref<128x16xf32, #tpu.memory_space<vmem_shared>>
      %dma_wait3A_96 = arith.constant 0 : i32
      %dma_wait3A_97 = tpu.memref_slice %arg15[%mul3A_0, %dma_wait3A_96] : memref<10240x16xf32, #tpu.memory_space<vmem_shared>> -> memref<128x16xf32, #tpu.memory_space<vmem_shared>>
      tpu.wait_dma2 semaphore(%arg21 : memref<!tpu.dma_semaphore, #tpu.memory_space<semaphore_mem>>) src(%arg14 : memref<128x16xf32, #tpu.memory_space<vmem>>) dst(%dma_wait3A_97 : memref<128x16xf32, #tpu.memory_space<vmem_shared>>)
    }
    %scan3A_11 = arith.constant 5 : i32
    %barrier3A = arith.constant 0 : index
    tpu.barrier barrier_id(%barrier3A)
    %dma_start3A = arith.constant 0 : i32
    %dma_start3A_12 = arith.constant 0 : i32
    %dma_start3A_13 = tpu.memref_slice %arg7[%dma_start3A, %dma_start3A_12] : memref<40x128xi32, #tpu.memory_space<vmem>> -> memref<1x128xi32, #tpu.memory_space<vmem>>
    %dma_start3A_14 = tpu.memref_squeeze %dma_start3A_13 : memref<1x128xi32, #tpu.memory_space<vmem>> -> memref<128xi32, #tpu.memory_space<vmem>>
    %dma_start3A_15 = arith.constant 0 : i32
    %dma_start3A_16 = arith.constant 0 : i32
    %dma_start3A_17 = tpu.memref_slice %arg2[%dma_start3A_15, %dma_start3A_16] : memref<10240x16xf32, #tpu.memory_space<hbm>> -> memref<10240x16xf32, #tpu.memory_space<hbm>>
    tpu.enqueue_indirect_dma source(%dma_start3A_17 : memref<10240x16xf32, #tpu.memory_space<hbm>>) target(%arg9 : memref<128x16xf32, #tpu.memory_space<vmem>>) offsets(%dma_start3A_14 : memref<128xi32, #tpu.memory_space<vmem>>) semaphore(%arg16 : memref<!tpu.dma_semaphore, #tpu.memory_space<semaphore_mem>>)
    %dma_start3A_18 = arith.constant 1 : i32
    %dma_start3A_19 = arith.constant 0 : i32
    %dma_start3A_20 = tpu.memref_slice %arg7[%dma_start3A_18, %dma_start3A_19] : memref<40x128xi32, #tpu.memory_space<vmem>> -> memref<1x128xi32, #tpu.memory_space<vmem>>
    %dma_start3A_21 = tpu.memref_squeeze %dma_start3A_20 : memref<1x128xi32, #tpu.memory_space<vmem>> -> memref<128xi32, #tpu.memory_space<vmem>>
    %dma_start3A_22 = arith.constant 0 : i32
    %dma_start3A_23 = arith.constant 0 : i32
    %dma_start3A_24 = tpu.memref_slice %arg2[%dma_start3A_22, %dma_start3A_23] : memref<10240x16xf32, #tpu.memory_space<hbm>> -> memref<10240x16xf32, #tpu.memory_space<hbm>>
    tpu.enqueue_indirect_dma source(%dma_start3A_24 : memref<10240x16xf32, #tpu.memory_space<hbm>>) target(%arg10 : memref<128x16xf32, #tpu.memory_space<vmem>>) offsets(%dma_start3A_21 : memref<128xi32, #tpu.memory_space<vmem>>) semaphore(%arg17 : memref<!tpu.dma_semaphore, #tpu.memory_space<semaphore_mem>>)
    %dma_start3A_25 = arith.constant 2 : i32
    %dma_start3A_26 = arith.constant 0 : i32
    %dma_start3A_27 = tpu.memref_slice %arg7[%dma_start3A_25, %dma_start3A_26] : memref<40x128xi32, #tpu.memory_space<vmem>> -> memref<1x128xi32, #tpu.memory_space<vmem>>
    %dma_start3A_28 = tpu.memref_squeeze %dma_start3A_27 : memref<1x128xi32, #tpu.memory_space<vmem>> -> memref<128xi32, #tpu.memory_space<vmem>>
    %dma_start3A_29 = arith.constant 0 : i32
    %dma_start3A_30 = arith.constant 0 : i32
    %dma_start3A_31 = tpu.memref_slice %arg2[%dma_start3A_29, %dma_start3A_30] : memref<10240x16xf32, #tpu.memory_space<hbm>> -> memref<10240x16xf32, #tpu.memory_space<hbm>>
    tpu.enqueue_indirect_dma source(%dma_start3A_31 : memref<10240x16xf32, #tpu.memory_space<hbm>>) target(%arg11 : memref<128x16xf32, #tpu.memory_space<vmem>>) offsets(%dma_start3A_28 : memref<128xi32, #tpu.memory_space<vmem>>) semaphore(%arg18 : memref<!tpu.dma_semaphore, #tpu.memory_space<semaphore_mem>>)
    %dma_start3A_32 = arith.constant 3 : i32
    %dma_start3A_33 = arith.constant 0 : i32
    %dma_start3A_34 = tpu.memref_slice %arg7[%dma_start3A_32, %dma_start3A_33] : memref<40x128xi32, #tpu.memory_space<vmem>> -> memref<1x128xi32, #tpu.memory_space<vmem>>
    %dma_start3A_35 = tpu.memref_squeeze %dma_start3A_34 : memref<1x128xi32, #tpu.memory_space<vmem>> -> memref<128xi32, #tpu.memory_space<vmem>>
    %dma_start3A_36 = arith.constant 0 : i32
    %dma_start3A_37 = arith.constant 0 : i32
    %dma_start3A_38 = tpu.memref_slice %arg2[%dma_start3A_36, %dma_start3A_37] : memref<10240x16xf32, #tpu.memory_space<hbm>> -> memref<10240x16xf32, #tpu.memory_space<hbm>>
    tpu.enqueue_indirect_dma source(%dma_start3A_38 : memref<10240x16xf32, #tpu.memory_space<hbm>>) target(%arg12 : memref<128x16xf32, #tpu.memory_space<vmem>>) offsets(%dma_start3A_35 : memref<128xi32, #tpu.memory_space<vmem>>) semaphore(%arg19 : memref<!tpu.dma_semaphore, #tpu.memory_space<semaphore_mem>>)
    %dma_start3A_39 = arith.constant 4 : i32
    %dma_start3A_40 = arith.constant 0 : i32
    %dma_start3A_41 = tpu.memref_slice %arg7[%dma_start3A_39, %dma_start3A_40] : memref<40x128xi32, #tpu.memory_space<vmem>> -> memref<1x128xi32, #tpu.memory_space<vmem>>
    %dma_start3A_42 = tpu.memref_squeeze %dma_start3A_41 : memref<1x128xi32, #tpu.memory_space<vmem>> -> memref<128xi32, #tpu.memory_space<vmem>>
    %dma_start3A_43 = arith.constant 0 : i32
    %dma_start3A_44 = arith.constant 0 : i32
    %dma_start3A_45 = tpu.memref_slice %arg2[%dma_start3A_43, %dma_start3A_44] : memref<10240x16xf32, #tpu.memory_space<hbm>> -> memref<10240x16xf32, #tpu.memory_space<hbm>>
    tpu.enqueue_indirect_dma source(%dma_start3A_45 : memref<10240x16xf32, #tpu.memory_space<hbm>>) target(%arg13 : memref<128x16xf32, #tpu.memory_space<vmem>>) offsets(%dma_start3A_42 : memref<128xi32, #tpu.memory_space<vmem>>) semaphore(%arg20 : memref<!tpu.dma_semaphore, #tpu.memory_space<semaphore_mem>>)
    %scan3A_46 = arith.constant 0 : i32
    %scan3A_47 = arith.constant 0 : i32
    %scan3A_48 = arith.constant 8 : i32
    %scan3A_49 = arith.addi %scan3A_47, %scan3A_48 : i32
    %scan3A_50 = arith.constant 1 : i32
    scf.for %scan3A_93 = %scan3A_47 to %scan3A_49 step %scan3A_50  : i32 {
      %mul3A_94 = arith.constant 5 : i32
      %mul3A_95 = arith.muli %scan3A_93, %mul3A_94 : i32
      %add3A = arith.constant 0 : i32
      %add3A_96 = arith.addi %mul3A_95, %add3A : i32
      %dma_wait3A_97 = arith.constant 0 : i32
      %dma_wait3A_98 = tpu.memref_slice %arg7[%add3A_96, %dma_wait3A_97] : memref<40x128xi32, #tpu.memory_space<vmem>> -> memref<1x128xi32, #tpu.memory_space<vmem>>
      %dma_wait3A_99 = tpu.memref_squeeze %dma_wait3A_98 : memref<1x128xi32, #tpu.memory_space<vmem>> -> memref<128xi32, #tpu.memory_space<vmem>>
      %dma_wait3A_100 = arith.constant 0 : i32
      %dma_wait3A_101 = arith.constant 0 : i32
      %dma_wait3A_102 = tpu.memref_slice %arg2[%dma_wait3A_100, %dma_wait3A_101] : memref<10240x16xf32, #tpu.memory_space<hbm>> -> memref<10240x16xf32, #tpu.memory_space<hbm>>
      tpu.wait_indirect_dma semaphore(%arg16 : memref<!tpu.dma_semaphore, #tpu.memory_space<semaphore_mem>>) src(%dma_wait3A_102 : memref<10240x16xf32, #tpu.memory_space<hbm>>) dst(%arg9 : memref<128x16xf32, #tpu.memory_space<vmem>>)
      %dma_start3A_103 = arith.constant 0 : i32
      %dma_start3A_104 = tpu.memref_slice %arg8[%add3A_96, %dma_start3A_103] : memref<40x128xi32, #tpu.memory_space<vmem>> -> memref<1x128xi32, #tpu.memory_space<vmem>>
      %dma_start3A_105 = tpu.memref_squeeze %dma_start3A_104 : memref<1x128xi32, #tpu.memory_space<vmem>> -> memref<128xi32, #tpu.memory_space<vmem>>
      %dma_start3A_106 = arith.constant 0 : i32
      %dma_start3A_107 = arith.constant 0 : i32
      %dma_start3A_108 = tpu.memref_slice %arg15[%dma_start3A_106, %dma_start3A_107] : memref<10240x16xf32, #tpu.memory_space<vmem_shared>> -> memref<10240x16xf32, #tpu.memory_space<vmem_shared>>
      tpu.enqueue_indirect_dma source(%arg9 : memref<128x16xf32, #tpu.memory_space<vmem>>) target(%dma_start3A_108 : memref<10240x16xf32, #tpu.memory_space<vmem_shared>>) offsets(%dma_start3A_105 : memref<128xi32, #tpu.memory_space<vmem>>) semaphore(%arg21 : memref<!tpu.dma_semaphore, #tpu.memory_space<semaphore_mem>>) {add = true}
      %sub3A = arith.constant 2 : i32
      %sub3A_109 = arith.subi %add3A_96, %sub3A : i32
      %add3A_110 = arith.constant 5 : i32
      %add3A_111 = arith.addi %sub3A_109, %add3A_110 : i32
      %ge3A = arith.constant 2 : i32
      %ge3A_112 = arith.cmpi sge, %add3A_96, %ge3A : i32
      %lt3A = arith.constant 40 : i32
      %lt3A_113 = arith.cmpi slt, %add3A_111, %lt3A : i32
      %and3A = arith.andi %ge3A_112, %lt3A_113 : i1
      %convert_element_type3A = arith.extui %and3A : i1 to i32
      %cond3A = arith.constant 0 : i32
      %cond3A_114 = arith.cmpi ne, %convert_element_type3A, %cond3A : i32
      scf.if %cond3A_114 {
        %dma_wait3A_227 = arith.constant 0 : i32
        %dma_wait3A_228 = tpu.memref_slice %arg8[%add3A_96, %dma_wait3A_227] : memref<40x128xi32, #tpu.memory_space<vmem>> -> memref<1x128xi32, #tpu.memory_space<vmem>>
        %dma_wait3A_229 = tpu.memref_squeeze %dma_wait3A_228 : memref<1x128xi32, #tpu.memory_space<vmem>> -> memref<128xi32, #tpu.memory_space<vmem>>
        %dma_wait3A_230 = arith.constant 0 : i32
        %dma_wait3A_231 = arith.constant 0 : i32
        %dma_wait3A_232 = tpu.memref_slice %arg15[%dma_wait3A_230, %dma_wait3A_231] : memref<10240x16xf32, #tpu.memory_space<vmem_shared>> -> memref<10240x16xf32, #tpu.memory_space<vmem_shared>>
        tpu.wait_indirect_dma semaphore(%arg24 : memref<!tpu.dma_semaphore, #tpu.memory_space<semaphore_mem>>) src(%arg12 : memref<128x16xf32, #tpu.memory_space<vmem>>) dst(%dma_wait3A_232 : memref<10240x16xf32, #tpu.memory_space<vmem_shared>>)
        %dma_start3A_233 = arith.constant 0 : i32
        %dma_start3A_234 = tpu.memref_slice %arg7[%add3A_111, %dma_start3A_233] : memref<40x128xi32, #tpu.memory_space<vmem>> -> memref<1x128xi32, #tpu.memory_space<vmem>>
        %dma_start3A_235 = tpu.memref_squeeze %dma_start3A_234 : memref<1x128xi32, #tpu.memory_space<vmem>> -> memref<128xi32, #tpu.memory_space<vmem>>
        %dma_start3A_236 = arith.constant 0 : i32
        %dma_start3A_237 = arith.constant 0 : i32
        %dma_start3A_238 = tpu.memref_slice %arg2[%dma_start3A_236, %dma_start3A_237] : memref<10240x16xf32, #tpu.memory_space<hbm>> -> memref<10240x16xf32, #tpu.memory_space<hbm>>
        tpu.enqueue_indirect_dma source(%dma_start3A_238 : memref<10240x16xf32, #tpu.memory_space<hbm>>) target(%arg12 : memref<128x16xf32, #tpu.memory_space<vmem>>) offsets(%dma_start3A_235 : memref<128xi32, #tpu.memory_space<vmem>>) semaphore(%arg19 : memref<!tpu.dma_semaphore, #tpu.memory_space<semaphore_mem>>)
      } else {
      }
      %mul3A_115 = arith.constant 5 : i32
      %mul3A_116 = arith.muli %scan3A_93, %mul3A_115 : i32
      %add3A_117 = arith.constant 1 : i32
      %add3A_118 = arith.addi %mul3A_116, %add3A_117 : i32
      %dma_wait3A_119 = arith.constant 0 : i32
      %dma_wait3A_120 = tpu.memref_slice %arg7[%add3A_118, %dma_wait3A_119] : memref<40x128xi32, #tpu.memory_space<vmem>> -> memref<1x128xi32, #tpu.memory_space<vmem>>
      %dma_wait3A_121 = tpu.memref_squeeze %dma_wait3A_120 : memref<1x128xi32, #tpu.memory_space<vmem>> -> memref<128xi32, #tpu.memory_space<vmem>>
      %dma_wait3A_122 = arith.constant 0 : i32
      %dma_wait3A_123 = arith.constant 0 : i32
      %dma_wait3A_124 = tpu.memref_slice %arg2[%dma_wait3A_122, %dma_wait3A_123] : memref<10240x16xf32, #tpu.memory_space<hbm>> -> memref<10240x16xf32, #tpu.memory_space<hbm>>
      tpu.wait_indirect_dma semaphore(%arg17 : memref<!tpu.dma_semaphore, #tpu.memory_space<semaphore_mem>>) src(%dma_wait3A_124 : memref<10240x16xf32, #tpu.memory_space<hbm>>) dst(%arg10 : memref<128x16xf32, #tpu.memory_space<vmem>>)
      %dma_start3A_125 = arith.constant 0 : i32
      %dma_start3A_126 = tpu.memref_slice %arg8[%add3A_118, %dma_start3A_125] : memref<40x128xi32, #tpu.memory_space<vmem>> -> memref<1x128xi32, #tpu.memory_space<vmem>>
      %dma_start3A_127 = tpu.memref_squeeze %dma_start3A_126 : memref<1x128xi32, #tpu.memory_space<vmem>> -> memref<128xi32, #tpu.memory_space<vmem>>
      %dma_start3A_128 = arith.constant 0 : i32
      %dma_start3A_129 = arith.constant 0 : i32
      %dma_start3A_130 = tpu.memref_slice %arg15[%dma_start3A_128, %dma_start3A_129] : memref<10240x16xf32, #tpu.memory_space<vmem_shared>> -> memref<10240x16xf32, #tpu.memory_space<vmem_shared>>
      tpu.enqueue_indirect_dma source(%arg10 : memref<128x16xf32, #tpu.memory_space<vmem>>) target(%dma_start3A_130 : memref<10240x16xf32, #tpu.memory_space<vmem_shared>>) offsets(%dma_start3A_127 : memref<128xi32, #tpu.memory_space<vmem>>) semaphore(%arg22 : memref<!tpu.dma_semaphore, #tpu.memory_space<semaphore_mem>>) {add = true}
      %sub3A_131 = arith.constant 2 : i32
      %sub3A_132 = arith.subi %add3A_118, %sub3A_131 : i32
      %add3A_133 = arith.constant 5 : i32
      %add3A_134 = arith.addi %sub3A_132, %add3A_133 : i32
      %ge3A_135 = arith.constant 2 : i32
      %ge3A_136 = arith.cmpi sge, %add3A_118, %ge3A_135 : i32
      %lt3A_137 = arith.constant 40 : i32
      %lt3A_138 = arith.cmpi slt, %add3A_134, %lt3A_137 : i32
      %and3A_139 = arith.andi %ge3A_136, %lt3A_138 : i1
      %convert_element_type3A_140 = arith.extui %and3A_139 : i1 to i32
      %cond3A_141 = arith.constant 0 : i32
      %cond3A_142 = arith.cmpi ne, %convert_element_type3A_140, %cond3A_141 : i32
      scf.if %cond3A_142 {
        %dma_wait3A_227 = arith.constant 0 : i32
        %dma_wait3A_228 = tpu.memref_slice %arg8[%add3A_118, %dma_wait3A_227] : memref<40x128xi32, #tpu.memory_space<vmem>> -> memref<1x128xi32, #tpu.memory_space<vmem>>
        %dma_wait3A_229 = tpu.memref_squeeze %dma_wait3A_228 : memref<1x128xi32, #tpu.memory_space<vmem>> -> memref<128xi32, #tpu.memory_space<vmem>>
        %dma_wait3A_230 = arith.constant 0 : i32
        %dma_wait3A_231 = arith.constant 0 : i32
        %dma_wait3A_232 = tpu.memref_slice %arg15[%dma_wait3A_230, %dma_wait3A_231] : memref<10240x16xf32, #tpu.memory_space<vmem_shared>> -> memref<10240x16xf32, #tpu.memory_space<vmem_shared>>
        tpu.wait_indirect_dma semaphore(%arg25 : memref<!tpu.dma_semaphore, #tpu.memory_space<semaphore_mem>>) src(%arg13 : memref<128x16xf32, #tpu.memory_space<vmem>>) dst(%dma_wait3A_232 : memref<10240x16xf32, #tpu.memory_space<vmem_shared>>)
        %dma_start3A_233 = arith.constant 0 : i32
        %dma_start3A_234 = tpu.memref_slice %arg7[%add3A_134, %dma_start3A_233] : memref<40x128xi32, #tpu.memory_space<vmem>> -> memref<1x128xi32, #tpu.memory_space<vmem>>
        %dma_start3A_235 = tpu.memref_squeeze %dma_start3A_234 : memref<1x128xi32, #tpu.memory_space<vmem>> -> memref<128xi32, #tpu.memory_space<vmem>>
        %dma_start3A_236 = arith.constant 0 : i32
        %dma_start3A_237 = arith.constant 0 : i32
        %dma_start3A_238 = tpu.memref_slice %arg2[%dma_start3A_236, %dma_start3A_237] : memref<10240x16xf32, #tpu.memory_space<hbm>> -> memref<10240x16xf32, #tpu.memory_space<hbm>>
        tpu.enqueue_indirect_dma source(%dma_start3A_238 : memref<10240x16xf32, #tpu.memory_space<hbm>>) target(%arg13 : memref<128x16xf32, #tpu.memory_space<vmem>>) offsets(%dma_start3A_235 : memref<128xi32, #tpu.memory_space<vmem>>) semaphore(%arg20 : memref<!tpu.dma_semaphore, #tpu.memory_space<semaphore_mem>>)
      } else {
      }
      %mul3A_143 = arith.constant 5 : i32
      %mul3A_144 = arith.muli %scan3A_93, %mul3A_143 : i32
      %add3A_145 = arith.constant 2 : i32
      %add3A_146 = arith.addi %mul3A_144, %add3A_145 : i32
      %dma_wait3A_147 = arith.constant 0 : i32
      %dma_wait3A_148 = tpu.memref_slice %arg7[%add3A_146, %dma_wait3A_147] : memref<40x128xi32, #tpu.memory_space<vmem>> -> memref<1x128xi32, #tpu.memory_space<vmem>>
      %dma_wait3A_149 = tpu.memref_squeeze %dma_wait3A_148 : memref<1x128xi32, #tpu.memory_space<vmem>> -> memref<128xi32, #tpu.memory_space<vmem>>
      %dma_wait3A_150 = arith.constant 0 : i32
      %dma_wait3A_151 = arith.constant 0 : i32
      %dma_wait3A_152 = tpu.memref_slice %arg2[%dma_wait3A_150, %dma_wait3A_151] : memref<10240x16xf32, #tpu.memory_space<hbm>> -> memref<10240x16xf32, #tpu.memory_space<hbm>>
      tpu.wait_indirect_dma semaphore(%arg18 : memref<!tpu.dma_semaphore, #tpu.memory_space<semaphore_mem>>) src(%dma_wait3A_152 : memref<10240x16xf32, #tpu.memory_space<hbm>>) dst(%arg11 : memref<128x16xf32, #tpu.memory_space<vmem>>)
      %dma_start3A_153 = arith.constant 0 : i32
      %dma_start3A_154 = tpu.memref_slice %arg8[%add3A_146, %dma_start3A_153] : memref<40x128xi32, #tpu.memory_space<vmem>> -> memref<1x128xi32, #tpu.memory_space<vmem>>
      %dma_start3A_155 = tpu.memref_squeeze %dma_start3A_154 : memref<1x128xi32, #tpu.memory_space<vmem>> -> memref<128xi32, #tpu.memory_space<vmem>>
      %dma_start3A_156 = arith.constant 0 : i32
      %dma_start3A_157 = arith.constant 0 : i32
      %dma_start3A_158 = tpu.memref_slice %arg15[%dma_start3A_156, %dma_start3A_157] : memref<10240x16xf32, #tpu.memory_space<vmem_shared>> -> memref<10240x16xf32, #tpu.memory_space<vmem_shared>>
      tpu.enqueue_indirect_dma source(%arg11 : memref<128x16xf32, #tpu.memory_space<vmem>>) target(%dma_start3A_158 : memref<10240x16xf32, #tpu.memory_space<vmem_shared>>) offsets(%dma_start3A_155 : memref<128xi32, #tpu.memory_space<vmem>>) semaphore(%arg23 : memref<!tpu.dma_semaphore, #tpu.memory_space<semaphore_mem>>) {add = true}
      %sub3A_159 = arith.constant 2 : i32
      %sub3A_160 = arith.subi %add3A_146, %sub3A_159 : i32
      %add3A_161 = arith.constant 5 : i32
      %add3A_162 = arith.addi %sub3A_160, %add3A_161 : i32
      %ge3A_163 = arith.constant 2 : i32
      %ge3A_164 = arith.cmpi sge, %add3A_146, %ge3A_163 : i32
      %lt3A_165 = arith.constant 40 : i32
      %lt3A_166 = arith.cmpi slt, %add3A_162, %lt3A_165 : i32
      %and3A_167 = arith.andi %ge3A_164, %lt3A_166 : i1
      %convert_element_type3A_168 = arith.extui %and3A_167 : i1 to i32
      %cond3A_169 = arith.constant 0 : i32
      %cond3A_170 = arith.cmpi ne, %convert_element_type3A_168, %cond3A_169 : i32
      scf.if %cond3A_170 {
        %dma_wait3A_227 = arith.constant 0 : i32
        %dma_wait3A_228 = tpu.memref_slice %arg8[%add3A_146, %dma_wait3A_227] : memref<40x128xi32, #tpu.memory_space<vmem>> -> memref<1x128xi32, #tpu.memory_space<vmem>>
        %dma_wait3A_229 = tpu.memref_squeeze %dma_wait3A_228 : memref<1x128xi32, #tpu.memory_space<vmem>> -> memref<128xi32, #tpu.memory_space<vmem>>
        %dma_wait3A_230 = arith.constant 0 : i32
        %dma_wait3A_231 = arith.constant 0 : i32
        %dma_wait3A_232 = tpu.memref_slice %arg15[%dma_wait3A_230, %dma_wait3A_231] : memref<10240x16xf32, #tpu.memory_space<vmem_shared>> -> memref<10240x16xf32, #tpu.memory_space<vmem_shared>>
        tpu.wait_indirect_dma semaphore(%arg21 : memref<!tpu.dma_semaphore, #tpu.memory_space<semaphore_mem>>) src(%arg9 : memref<128x16xf32, #tpu.memory_space<vmem>>) dst(%dma_wait3A_232 : memref<10240x16xf32, #tpu.memory_space<vmem_shared>>)
        %dma_start3A_233 = arith.constant 0 : i32
        %dma_start3A_234 = tpu.memref_slice %arg7[%add3A_162, %dma_start3A_233] : memref<40x128xi32, #tpu.memory_space<vmem>> -> memref<1x128xi32, #tpu.memory_space<vmem>>
        %dma_start3A_235 = tpu.memref_squeeze %dma_start3A_234 : memref<1x128xi32, #tpu.memory_space<vmem>> -> memref<128xi32, #tpu.memory_space<vmem>>
        %dma_start3A_236 = arith.constant 0 : i32
        %dma_start3A_237 = arith.constant 0 : i32
        %dma_start3A_238 = tpu.memref_slice %arg2[%dma_start3A_236, %dma_start3A_237] : memref<10240x16xf32, #tpu.memory_space<hbm>> -> memref<10240x16xf32, #tpu.memory_space<hbm>>
        tpu.enqueue_indirect_dma source(%dma_start3A_238 : memref<10240x16xf32, #tpu.memory_space<hbm>>) target(%arg9 : memref<128x16xf32, #tpu.memory_space<vmem>>) offsets(%dma_start3A_235 : memref<128xi32, #tpu.memory_space<vmem>>) semaphore(%arg16 : memref<!tpu.dma_semaphore, #tpu.memory_space<semaphore_mem>>)
      } else {
      }
      %mul3A_171 = arith.constant 5 : i32
      %mul3A_172 = arith.muli %scan3A_93, %mul3A_171 : i32
      %add3A_173 = arith.constant 3 : i32
      %add3A_174 = arith.addi %mul3A_172, %add3A_173 : i32
      %dma_wait3A_175 = arith.constant 0 : i32
      %dma_wait3A_176 = tpu.memref_slice %arg7[%add3A_174, %dma_wait3A_175] : memref<40x128xi32, #tpu.memory_space<vmem>> -> memref<1x128xi32, #tpu.memory_space<vmem>>
      %dma_wait3A_177 = tpu.memref_squeeze %dma_wait3A_176 : memref<1x128xi32, #tpu.memory_space<vmem>> -> memref<128xi32, #tpu.memory_space<vmem>>
      %dma_wait3A_178 = arith.constant 0 : i32
      %dma_wait3A_179 = arith.constant 0 : i32
      %dma_wait3A_180 = tpu.memref_slice %arg2[%dma_wait3A_178, %dma_wait3A_179] : memref<10240x16xf32, #tpu.memory_space<hbm>> -> memref<10240x16xf32, #tpu.memory_space<hbm>>
      tpu.wait_indirect_dma semaphore(%arg19 : memref<!tpu.dma_semaphore, #tpu.memory_space<semaphore_mem>>) src(%dma_wait3A_180 : memref<10240x16xf32, #tpu.memory_space<hbm>>) dst(%arg12 : memref<128x16xf32, #tpu.memory_space<vmem>>)
      %dma_start3A_181 = arith.constant 0 : i32
      %dma_start3A_182 = tpu.memref_slice %arg8[%add3A_174, %dma_start3A_181] : memref<40x128xi32, #tpu.memory_space<vmem>> -> memref<1x128xi32, #tpu.memory_space<vmem>>
      %dma_start3A_183 = tpu.memref_squeeze %dma_start3A_182 : memref<1x128xi32, #tpu.memory_space<vmem>> -> memref<128xi32, #tpu.memory_space<vmem>>
      %dma_start3A_184 = arith.constant 0 : i32
      %dma_start3A_185 = arith.constant 0 : i32
      %dma_start3A_186 = tpu.memref_slice %arg15[%dma_start3A_184, %dma_start3A_185] : memref<10240x16xf32, #tpu.memory_space<vmem_shared>> -> memref<10240x16xf32, #tpu.memory_space<vmem_shared>>
      tpu.enqueue_indirect_dma source(%arg12 : memref<128x16xf32, #tpu.memory_space<vmem>>) target(%dma_start3A_186 : memref<10240x16xf32, #tpu.memory_space<vmem_shared>>) offsets(%dma_start3A_183 : memref<128xi32, #tpu.memory_space<vmem>>) semaphore(%arg24 : memref<!tpu.dma_semaphore, #tpu.memory_space<semaphore_mem>>) {add = true}
      %sub3A_187 = arith.constant 2 : i32
      %sub3A_188 = arith.subi %add3A_174, %sub3A_187 : i32
      %add3A_189 = arith.constant 5 : i32
      %add3A_190 = arith.addi %sub3A_188, %add3A_189 : i32
      %ge3A_191 = arith.constant 2 : i32
      %ge3A_192 = arith.cmpi sge, %add3A_174, %ge3A_191 : i32
      %lt3A_193 = arith.constant 40 : i32
      %lt3A_194 = arith.cmpi slt, %add3A_190, %lt3A_193 : i32
      %and3A_195 = arith.andi %ge3A_192, %lt3A_194 : i1
      %convert_element_type3A_196 = arith.extui %and3A_195 : i1 to i32
      %cond3A_197 = arith.constant 0 : i32
      %cond3A_198 = arith.cmpi ne, %convert_element_type3A_196, %cond3A_197 : i32
      scf.if %cond3A_198 {
        %dma_wait3A_227 = arith.constant 0 : i32
        %dma_wait3A_228 = tpu.memref_slice %arg8[%add3A_174, %dma_wait3A_227] : memref<40x128xi32, #tpu.memory_space<vmem>> -> memref<1x128xi32, #tpu.memory_space<vmem>>
        %dma_wait3A_229 = tpu.memref_squeeze %dma_wait3A_228 : memref<1x128xi32, #tpu.memory_space<vmem>> -> memref<128xi32, #tpu.memory_space<vmem>>
        %dma_wait3A_230 = arith.constant 0 : i32
        %dma_wait3A_231 = arith.constant 0 : i32
        %dma_wait3A_232 = tpu.memref_slice %arg15[%dma_wait3A_230, %dma_wait3A_231] : memref<10240x16xf32, #tpu.memory_space<vmem_shared>> -> memref<10240x16xf32, #tpu.memory_space<vmem_shared>>
        tpu.wait_indirect_dma semaphore(%arg22 : memref<!tpu.dma_semaphore, #tpu.memory_space<semaphore_mem>>) src(%arg10 : memref<128x16xf32, #tpu.memory_space<vmem>>) dst(%dma_wait3A_232 : memref<10240x16xf32, #tpu.memory_space<vmem_shared>>)
        %dma_start3A_233 = arith.constant 0 : i32
        %dma_start3A_234 = tpu.memref_slice %arg7[%add3A_190, %dma_start3A_233] : memref<40x128xi32, #tpu.memory_space<vmem>> -> memref<1x128xi32, #tpu.memory_space<vmem>>
        %dma_start3A_235 = tpu.memref_squeeze %dma_start3A_234 : memref<1x128xi32, #tpu.memory_space<vmem>> -> memref<128xi32, #tpu.memory_space<vmem>>
        %dma_start3A_236 = arith.constant 0 : i32
        %dma_start3A_237 = arith.constant 0 : i32
        %dma_start3A_238 = tpu.memref_slice %arg2[%dma_start3A_236, %dma_start3A_237] : memref<10240x16xf32, #tpu.memory_space<hbm>> -> memref<10240x16xf32, #tpu.memory_space<hbm>>
        tpu.enqueue_indirect_dma source(%dma_start3A_238 : memref<10240x16xf32, #tpu.memory_space<hbm>>) target(%arg10 : memref<128x16xf32, #tpu.memory_space<vmem>>) offsets(%dma_start3A_235 : memref<128xi32, #tpu.memory_space<vmem>>) semaphore(%arg17 : memref<!tpu.dma_semaphore, #tpu.memory_space<semaphore_mem>>)
      } else {
      }
      %mul3A_199 = arith.constant 5 : i32
      %mul3A_200 = arith.muli %scan3A_93, %mul3A_199 : i32
      %add3A_201 = arith.constant 4 : i32
      %add3A_202 = arith.addi %mul3A_200, %add3A_201 : i32
      %dma_wait3A_203 = arith.constant 0 : i32
      %dma_wait3A_204 = tpu.memref_slice %arg7[%add3A_202, %dma_wait3A_203] : memref<40x128xi32, #tpu.memory_space<vmem>> -> memref<1x128xi32, #tpu.memory_space<vmem>>
      %dma_wait3A_205 = tpu.memref_squeeze %dma_wait3A_204 : memref<1x128xi32, #tpu.memory_space<vmem>> -> memref<128xi32, #tpu.memory_space<vmem>>
      %dma_wait3A_206 = arith.constant 0 : i32
      %dma_wait3A_207 = arith.constant 0 : i32
      %dma_wait3A_208 = tpu.memref_slice %arg2[%dma_wait3A_206, %dma_wait3A_207] : memref<10240x16xf32, #tpu.memory_space<hbm>> -> memref<10240x16xf32, #tpu.memory_space<hbm>>
      tpu.wait_indirect_dma semaphore(%arg20 : memref<!tpu.dma_semaphore, #tpu.memory_space<semaphore_mem>>) src(%dma_wait3A_208 : memref<10240x16xf32, #tpu.memory_space<hbm>>) dst(%arg13 : memref<128x16xf32, #tpu.memory_space<vmem>>)
      %dma_start3A_209 = arith.constant 0 : i32
      %dma_start3A_210 = tpu.memref_slice %arg8[%add3A_202, %dma_start3A_209] : memref<40x128xi32, #tpu.memory_space<vmem>> -> memref<1x128xi32, #tpu.memory_space<vmem>>
      %dma_start3A_211 = tpu.memref_squeeze %dma_start3A_210 : memref<1x128xi32, #tpu.memory_space<vmem>> -> memref<128xi32, #tpu.memory_space<vmem>>
      %dma_start3A_212 = arith.constant 0 : i32
      %dma_start3A_213 = arith.constant 0 : i32
      %dma_start3A_214 = tpu.memref_slice %arg15[%dma_start3A_212, %dma_start3A_213] : memref<10240x16xf32, #tpu.memory_space<vmem_shared>> -> memref<10240x16xf32, #tpu.memory_space<vmem_shared>>
      tpu.enqueue_indirect_dma source(%arg13 : memref<128x16xf32, #tpu.memory_space<vmem>>) target(%dma_start3A_214 : memref<10240x16xf32, #tpu.memory_space<vmem_shared>>) offsets(%dma_start3A_211 : memref<128xi32, #tpu.memory_space<vmem>>) semaphore(%arg25 : memref<!tpu.dma_semaphore, #tpu.memory_space<semaphore_mem>>) {add = true}
      %sub3A_215 = arith.constant 2 : i32
      %sub3A_216 = arith.subi %add3A_202, %sub3A_215 : i32
      %add3A_217 = arith.constant 5 : i32
      %add3A_218 = arith.addi %sub3A_216, %add3A_217 : i32
      %ge3A_219 = arith.constant 2 : i32
      %ge3A_220 = arith.cmpi sge, %add3A_202, %ge3A_219 : i32
      %lt3A_221 = arith.constant 40 : i32
      %lt3A_222 = arith.cmpi slt, %add3A_218, %lt3A_221 : i32
      %and3A_223 = arith.andi %ge3A_220, %lt3A_222 : i1
      %convert_element_type3A_224 = arith.extui %and3A_223 : i1 to i32
      %cond3A_225 = arith.constant 0 : i32
      %cond3A_226 = arith.cmpi ne, %convert_element_type3A_224, %cond3A_225 : i32
      scf.if %cond3A_226 {
        %dma_wait3A_227 = arith.constant 0 : i32
        %dma_wait3A_228 = tpu.memref_slice %arg8[%add3A_202, %dma_wait3A_227] : memref<40x128xi32, #tpu.memory_space<vmem>> -> memref<1x128xi32, #tpu.memory_space<vmem>>
        %dma_wait3A_229 = tpu.memref_squeeze %dma_wait3A_228 : memref<1x128xi32, #tpu.memory_space<vmem>> -> memref<128xi32, #tpu.memory_space<vmem>>
        %dma_wait3A_230 = arith.constant 0 : i32
        %dma_wait3A_231 = arith.constant 0 : i32
        %dma_wait3A_232 = tpu.memref_slice %arg15[%dma_wait3A_230, %dma_wait3A_231] : memref<10240x16xf32, #tpu.memory_space<vmem_shared>> -> memref<10240x16xf32, #tpu.memory_space<vmem_shared>>
        tpu.wait_indirect_dma semaphore(%arg23 : memref<!tpu.dma_semaphore, #tpu.memory_space<semaphore_mem>>) src(%arg11 : memref<128x16xf32, #tpu.memory_space<vmem>>) dst(%dma_wait3A_232 : memref<10240x16xf32, #tpu.memory_space<vmem_shared>>)
        %dma_start3A_233 = arith.constant 0 : i32
        %dma_start3A_234 = tpu.memref_slice %arg7[%add3A_218, %dma_start3A_233] : memref<40x128xi32, #tpu.memory_space<vmem>> -> memref<1x128xi32, #tpu.memory_space<vmem>>
        %dma_start3A_235 = tpu.memref_squeeze %dma_start3A_234 : memref<1x128xi32, #tpu.memory_space<vmem>> -> memref<128xi32, #tpu.memory_space<vmem>>
        %dma_start3A_236 = arith.constant 0 : i32
        %dma_start3A_237 = arith.constant 0 : i32
        %dma_start3A_238 = tpu.memref_slice %arg2[%dma_start3A_236, %dma_start3A_237] : memref<10240x16xf32, #tpu.memory_space<hbm>> -> memref<10240x16xf32, #tpu.memory_space<hbm>>
        tpu.enqueue_indirect_dma source(%dma_start3A_238 : memref<10240x16xf32, #tpu.memory_space<hbm>>) target(%arg11 : memref<128x16xf32, #tpu.memory_space<vmem>>) offsets(%dma_start3A_235 : memref<128xi32, #tpu.memory_space<vmem>>) semaphore(%arg18 : memref<!tpu.dma_semaphore, #tpu.memory_space<semaphore_mem>>)
      } else {
      }
    }
    %scan3A_51 = arith.constant 8 : i32
    %dma_wait3A = arith.constant 0 : i32
    %dma_wait3A_52 = arith.constant 0 : i32
    %dma_wait3A_53 = tpu.memref_slice %arg8[%dma_wait3A, %dma_wait3A_52] : memref<40x128xi32, #tpu.memory_space<vmem>> -> memref<1x128xi32, #tpu.memory_space<vmem>>
    %dma_wait3A_54 = tpu.memref_squeeze %dma_wait3A_53 : memref<1x128xi32, #tpu.memory_space<vmem>> -> memref<128xi32, #tpu.memory_space<vmem>>
    %dma_wait3A_55 = arith.constant 0 : i32
    %dma_wait3A_56 = arith.constant 0 : i32
    %dma_wait3A_57 = tpu.memref_slice %arg15[%dma_wait3A_55, %dma_wait3A_56] : memref<10240x16xf32, #tpu.memory_space<vmem_shared>> -> memref<10240x16xf32, #tpu.memory_space<vmem_shared>>
    tpu.wait_indirect_dma semaphore(%arg21 : memref<!tpu.dma_semaphore, #tpu.memory_space<semaphore_mem>>) src(%arg9 : memref<128x16xf32, #tpu.memory_space<vmem>>) dst(%dma_wait3A_57 : memref<10240x16xf32, #tpu.memory_space<vmem_shared>>)
    %dma_wait3A_58 = arith.constant 0 : i32
    %dma_wait3A_59 = arith.constant 0 : i32
    %dma_wait3A_60 = tpu.memref_slice %arg8[%dma_wait3A_58, %dma_wait3A_59] : memref<40x128xi32, #tpu.memory_space<vmem>> -> memref<1x128xi32, #tpu.memory_space<vmem>>
    %dma_wait3A_61 = tpu.memref_squeeze %dma_wait3A_60 : memref<1x128xi32, #tpu.memory_space<vmem>> -> memref<128xi32, #tpu.memory_space<vmem>>
    %dma_wait3A_62 = arith.constant 0 : i32
    %dma_wait3A_63 = arith.constant 0 : i32
    %dma_wait3A_64 = tpu.memref_slice %arg15[%dma_wait3A_62, %dma_wait3A_63] : memref<10240x16xf32, #tpu.memory_space<vmem_shared>> -> memref<10240x16xf32, #tpu.memory_space<vmem_shared>>
    tpu.wait_indirect_dma semaphore(%arg22 : memref<!tpu.dma_semaphore, #tpu.memory_space<semaphore_mem>>) src(%arg10 : memref<128x16xf32, #tpu.memory_space<vmem>>) dst(%dma_wait3A_64 : memref<10240x16xf32, #tpu.memory_space<vmem_shared>>)
    %dma_wait3A_65 = arith.constant 0 : i32
    %dma_wait3A_66 = arith.constant 0 : i32
    %dma_wait3A_67 = tpu.memref_slice %arg8[%dma_wait3A_65, %dma_wait3A_66] : memref<40x128xi32, #tpu.memory_space<vmem>> -> memref<1x128xi32, #tpu.memory_space<vmem>>
    %dma_wait3A_68 = tpu.memref_squeeze %dma_wait3A_67 : memref<1x128xi32, #tpu.memory_space<vmem>> -> memref<128xi32, #tpu.memory_space<vmem>>
    %dma_wait3A_69 = arith.constant 0 : i32
    %dma_wait3A_70 = arith.constant 0 : i32
    %dma_wait3A_71 = tpu.memref_slice %arg15[%dma_wait3A_69, %dma_wait3A_70] : memref<10240x16xf32, #tpu.memory_space<vmem_shared>> -> memref<10240x16xf32, #tpu.memory_space<vmem_shared>>
    tpu.wait_indirect_dma semaphore(%arg23 : memref<!tpu.dma_semaphore, #tpu.memory_space<semaphore_mem>>) src(%arg11 : memref<128x16xf32, #tpu.memory_space<vmem>>) dst(%dma_wait3A_71 : memref<10240x16xf32, #tpu.memory_space<vmem_shared>>)
    %dma_wait3A_72 = arith.constant 0 : i32
    %dma_wait3A_73 = arith.constant 0 : i32
    %dma_wait3A_74 = tpu.memref_slice %arg8[%dma_wait3A_72, %dma_wait3A_73] : memref<40x128xi32, #tpu.memory_space<vmem>> -> memref<1x128xi32, #tpu.memory_space<vmem>>
    %dma_wait3A_75 = tpu.memref_squeeze %dma_wait3A_74 : memref<1x128xi32, #tpu.memory_space<vmem>> -> memref<128xi32, #tpu.memory_space<vmem>>
    %dma_wait3A_76 = arith.constant 0 : i32
    %dma_wait3A_77 = arith.constant 0 : i32
    %dma_wait3A_78 = tpu.memref_slice %arg15[%dma_wait3A_76, %dma_wait3A_77] : memref<10240x16xf32, #tpu.memory_space<vmem_shared>> -> memref<10240x16xf32, #tpu.memory_space<vmem_shared>>
    tpu.wait_indirect_dma semaphore(%arg24 : memref<!tpu.dma_semaphore, #tpu.memory_space<semaphore_mem>>) src(%arg12 : memref<128x16xf32, #tpu.memory_space<vmem>>) dst(%dma_wait3A_78 : memref<10240x16xf32, #tpu.memory_space<vmem_shared>>)
    %dma_wait3A_79 = arith.constant 0 : i32
    %dma_wait3A_80 = arith.constant 0 : i32
    %dma_wait3A_81 = tpu.memref_slice %arg8[%dma_wait3A_79, %dma_wait3A_80] : memref<40x128xi32, #tpu.memory_space<vmem>> -> memref<1x128xi32, #tpu.memory_space<vmem>>
    %dma_wait3A_82 = tpu.memref_squeeze %dma_wait3A_81 : memref<1x128xi32, #tpu.memory_space<vmem>> -> memref<128xi32, #tpu.memory_space<vmem>>
    %dma_wait3A_83 = arith.constant 0 : i32
    %dma_wait3A_84 = arith.constant 0 : i32
    %dma_wait3A_85 = tpu.memref_slice %arg15[%dma_wait3A_83, %dma_wait3A_84] : memref<10240x16xf32, #tpu.memory_space<vmem_shared>> -> memref<10240x16xf32, #tpu.memory_space<vmem_shared>>
    tpu.wait_indirect_dma semaphore(%arg25 : memref<!tpu.dma_semaphore, #tpu.memory_space<semaphore_mem>>) src(%arg13 : memref<128x16xf32, #tpu.memory_space<vmem>>) dst(%dma_wait3A_85 : memref<10240x16xf32, #tpu.memory_space<vmem_shared>>)
    %barrier3A_86 = arith.constant 0 : index
    tpu.barrier barrier_id(%barrier3A_86)
    %scan3A_87 = arith.constant 0 : i32
    %scan3A_88 = arith.constant 0 : i32
    %scan3A_89 = arith.constant 5 : i32
    %scan3A_90 = arith.addi %scan3A_88, %scan3A_89 : i32
    %scan3A_91 = arith.constant 1 : i32
    scf.for %scan3A_93 = %scan3A_88 to %scan3A_90 step %scan3A_91  : i32 {
      %mul3A_94 = arith.constant 128 : i32
      %mul3A_95 = arith.muli %scan3A_93, %mul3A_94 : i32
      %add3A = arith.addi %mul3A_0, %mul3A_95 : i32
      "tpu.region"() ({
        %run_scoped3A = tpu.sem_alloc : memref<!tpu.dma_semaphore, #tpu.memory_space<semaphore_mem>>
        %dma_start3A_96 = arith.constant 0 : i32
        %dma_start3A_97 = tpu.memref_slice %arg15[%add3A, %dma_start3A_96] : memref<10240x16xf32, #tpu.memory_space<vmem_shared>> -> memref<128x16xf32, #tpu.memory_space<vmem_shared>>
        %dma_start3A_98 = arith.constant 0 : i32
        %dma_start3A_99 = tpu.memref_slice %arg15[%add3A, %dma_start3A_98] : memref<10240x16xf32, #tpu.memory_space<vmem_shared>> -> memref<128x16xf32, #tpu.memory_space<vmem_shared>>
        tpu.enqueue_dma source(%dma_start3A_99 : memref<128x16xf32, #tpu.memory_space<vmem_shared>>) target(%arg14 : memref<128x16xf32, #tpu.memory_space<vmem>>) target_semaphore(%run_scoped3A : memref<!tpu.dma_semaphore, #tpu.memory_space<semaphore_mem>>)
        %dma_wait3A_100 = arith.constant 0 : i32
        %dma_wait3A_101 = tpu.memref_slice %arg15[%add3A, %dma_wait3A_100] : memref<10240x16xf32, #tpu.memory_space<vmem_shared>> -> memref<128x16xf32, #tpu.memory_space<vmem_shared>>
        %dma_wait3A_102 = arith.constant 0 : i32
        %dma_wait3A_103 = tpu.memref_slice %arg15[%add3A, %dma_wait3A_102] : memref<10240x16xf32, #tpu.memory_space<vmem_shared>> -> memref<128x16xf32, #tpu.memory_space<vmem_shared>>
        tpu.wait_dma2 semaphore(%run_scoped3A : memref<!tpu.dma_semaphore, #tpu.memory_space<semaphore_mem>>) src(%dma_wait3A_103 : memref<128x16xf32, #tpu.memory_space<vmem_shared>>) dst(%arg14 : memref<128x16xf32, #tpu.memory_space<vmem>>)
        tpu.yield
      }) : () -> ()
      "tpu.region"() ({
        %run_scoped3A = tpu.sem_alloc : memref<!tpu.dma_semaphore, #tpu.memory_space<semaphore_mem>>
        %dma_start3A_96 = arith.constant 0 : i32
        %dma_start3A_97 = tpu.memref_slice %arg6[%arg0, %add3A, %dma_start3A_96] : memref<2x10240x16xf32, #tpu.memory_space<hbm>> -> memref<1x128x16xf32, #tpu.memory_space<hbm>>
        %dma_start3A_98 = tpu.memref_squeeze %dma_start3A_97 : memref<1x128x16xf32, #tpu.memory_space<hbm>> -> memref<128x16xf32, #tpu.memory_space<hbm>>
        %dma_start3A_99 = arith.constant 0 : i32
        %dma_start3A_100 = tpu.memref_slice %arg6[%arg0, %add3A, %dma_start3A_99] : memref<2x10240x16xf32, #tpu.memory_space<hbm>> -> memref<1x128x16xf32, #tpu.memory_space<hbm>>
        %dma_start3A_101 = tpu.memref_squeeze %dma_start3A_100 : memref<1x128x16xf32, #tpu.memory_space<hbm>> -> memref<128x16xf32, #tpu.memory_space<hbm>>
        tpu.enqueue_dma source(%arg14 : memref<128x16xf32, #tpu.memory_space<vmem>>) target(%dma_start3A_101 : memref<128x16xf32, #tpu.memory_space<hbm>>) target_semaphore(%run_scoped3A : memref<!tpu.dma_semaphore, #tpu.memory_space<semaphore_mem>>)
        %dma_wait3A_102 = arith.constant 0 : i32
        %dma_wait3A_103 = tpu.memref_slice %arg6[%arg0, %add3A, %dma_wait3A_102] : memref<2x10240x16xf32, #tpu.memory_space<hbm>> -> memref<1x128x16xf32, #tpu.memory_space<hbm>>
        %dma_wait3A_104 = tpu.memref_squeeze %dma_wait3A_103 : memref<1x128x16xf32, #tpu.memory_space<hbm>> -> memref<128x16xf32, #tpu.memory_space<hbm>>
        %dma_wait3A_105 = arith.constant 0 : i32
        %dma_wait3A_106 = tpu.memref_slice %arg6[%arg0, %add3A, %dma_wait3A_105] : memref<2x10240x16xf32, #tpu.memory_space<hbm>> -> memref<1x128x16xf32, #tpu.memory_space<hbm>>
        %dma_wait3A_107 = tpu.memref_squeeze %dma_wait3A_106 : memref<1x128x16xf32, #tpu.memory_space<hbm>> -> memref<128x16xf32, #tpu.memory_space<hbm>>
        tpu.wait_dma2 semaphore(%run_scoped3A : memref<!tpu.dma_semaphore, #tpu.memory_space<semaphore_mem>>) src(%arg14 : memref<128x16xf32, #tpu.memory_space<vmem>>) dst(%dma_wait3A_107 : memref<128x16xf32, #tpu.memory_space<hbm>>)
        tpu.yield
      }) : () -> ()
    }
    %scan3A_92 = arith.constant 5 : i32
    return
  }
}

module attributes {stable_mosaic.version = 14 : i64} {
  func.func @_mm1_body(%arg0: i32, %arg1: memref<2000x256xf32, #tpu.memory_space<vmem>>, %arg2: memref<256x128xf32, #tpu.memory_space<vmem>>, %arg3: memref<256x128xf32, #tpu.memory_space<vmem>>, %arg4: memref<2000x128xf32, #tpu.memory_space<vmem>>, %arg5: memref<2000x128xf32, #tpu.memory_space<vmem>>) attributes {dimension_semantics = [#tpu.dimension_semantics<arbitrary>], iteration_bounds = array<i64: 5>, scalar_prefetch = 0 : i64, scratch_operands = 0 : i64, tpu.core_type = #tpu.core_type<tc>, window_params = [{transform_indices = @transform_0, window_bounds = array<i64: 2000, 256>}, {pipeline_mode = #tpu.pipeline_mode<synchronous>, transform_indices = @transform_1, window_bounds = array<i64: 256, 128>}, {pipeline_mode = #tpu.pipeline_mode<synchronous>, transform_indices = @transform_2, window_bounds = array<i64: 256, 128>}, {transform_indices = @transform_3, window_bounds = array<i64: 2000, 128>}, {transform_indices = @transform_4, window_bounds = array<i64: 2000, 128>}]} {
    %get3A = arith.constant 0 : index
    %get3A_0 = arith.constant 0 : index
    %get3A_1 = vector.load %arg1[%get3A, %get3A_0] : memref<2000x256xf32, #tpu.memory_space<vmem>>, vector<2000x256xf32>
    %get3A_2 = arith.constant 0 : index
    %get3A_3 = arith.constant 0 : index
    %get3A_4 = vector.load %arg2[%get3A_2, %get3A_3] : memref<256x128xf32, #tpu.memory_space<vmem>>, vector<256x128xf32>
    %dot_general3A = arith.constant dense<0.000000e+00> : vector<2000x128xf32>
    %dot_general3A_5 = tpu.matmul %get3A_1, %get3A_4, %dot_general3A {dimension_numbers = #tpu.dot_dimension_numbers<[1], [0], [0], [1], [0, 0, 1, 1], [], []>, transpose_lhs_hint = false} : vector<2000x256xf32>, vector<256x128xf32>, vector<2000x128xf32> -> vector<2000x128xf32>
    %swap3A = arith.constant 0 : index
    %swap3A_6 = arith.constant 0 : index
    %swap3A_7 = vector.load %arg4[%swap3A, %swap3A_6] : memref<2000x128xf32, #tpu.memory_space<vmem>>, vector<2000x128xf32>
    tpu.vector_store %arg4[%swap3A, %swap3A_6], %dot_general3A_5 {strides = array<i32>} : memref<2000x128xf32, #tpu.memory_space<vmem>>, vector<2000x128xf32>,
    %get3A_8 = arith.constant 0 : index
    %get3A_9 = arith.constant 0 : index
    %get3A_10 = vector.load %arg3[%get3A_8, %get3A_9] : memref<256x128xf32, #tpu.memory_space<vmem>>, vector<256x128xf32>
    %dot_general3A_11 = arith.constant dense<0.000000e+00> : vector<2000x128xf32>
    %dot_general3A_12 = tpu.matmul %get3A_1, %get3A_10, %dot_general3A_11 {dimension_numbers = #tpu.dot_dimension_numbers<[1], [0], [0], [1], [0, 0, 1, 1], [], []>, transpose_lhs_hint = false} : vector<2000x256xf32>, vector<256x128xf32>, vector<2000x128xf32> -> vector<2000x128xf32>
    %swap3A_13 = arith.constant 0 : index
    %swap3A_14 = arith.constant 0 : index
    %swap3A_15 = vector.load %arg5[%swap3A_13, %swap3A_14] : memref<2000x128xf32, #tpu.memory_space<vmem>>, vector<2000x128xf32>
    tpu.vector_store %arg5[%swap3A_13, %swap3A_14], %dot_general3A_12 {strides = array<i32>} : memref<2000x128xf32, #tpu.memory_space<vmem>>, vector<2000x128xf32>,
    return
  }
  func.func @transform_0(%arg0: i32) -> (i32, i32) {
    %c0_i32 = arith.constant 0 : i32
    %c0_i32_0 = arith.constant 0 : i32
    return %arg0, %c0_i32 : i32, i32
  }
  func.func @transform_1(%arg0: i32) -> (i32, i32) {
    %c0_i32 = arith.constant 0 : i32
    %c0_i32_0 = arith.constant 0 : i32
    %c0_i32_1 = arith.constant 0 : i32
    return %c0_i32, %c0_i32_0 : i32, i32
  }
  func.func @transform_2(%arg0: i32) -> (i32, i32) {
    %c0_i32 = arith.constant 0 : i32
    %c0_i32_0 = arith.constant 0 : i32
    %c0_i32_1 = arith.constant 0 : i32
    return %c0_i32, %c0_i32_0 : i32, i32
  }
  func.func @transform_3(%arg0: i32) -> (i32, i32) {
    %c0_i32 = arith.constant 0 : i32
    %c0_i32_0 = arith.constant 0 : i32
    return %arg0, %c0_i32 : i32, i32
  }
  func.func @transform_4(%arg0: i32) -> (i32, i32) {
    %c0_i32 = arith.constant 0 : i32
    %c0_i32_0 = arith.constant 0 : i32
    return %arg0, %c0_i32 : i32, i32
  }
}

module attributes {stable_mosaic.version = 14 : i64} {
  func.func @_k3_body(%arg0: i32, %arg1: memref<10240x128xf32, #tpu.memory_space<vmem>>, %arg2: memref<2x1280x128xf32, #tpu.memory_space<vmem>>, %arg3: memref<10240x128xf32, #tpu.memory_space<vmem>>, %arg4: memref<1x1024xf32, #tpu.memory_space<vmem>>, %arg5: memref<1024x128xf32, #tpu.memory_space<vmem>>, %arg6: memref<128x8xf32, #tpu.memory_space<vmem>>, %arg7: memref<8x1024xf32, #tpu.memory_space<vmem>>, %arg8: memref<1280x128xf32, #tpu.memory_space<vmem>>) attributes {dimension_semantics = [#tpu.dimension_semantics<arbitrary>], iteration_bounds = array<i64: 1>, scalar_prefetch = 0 : i64, scratch_operands = 0 : i64, tpu.core_type = #tpu.core_type<tc>, window_params = [{pipeline_mode = #tpu.pipeline_mode<synchronous>, transform_indices = @transform_0, window_bounds = array<i64: 10240, 128>}, {pipeline_mode = #tpu.pipeline_mode<synchronous>, transform_indices = @transform_1, window_bounds = array<i64: 2, 1280, 128>}, {pipeline_mode = #tpu.pipeline_mode<synchronous>, transform_indices = @transform_2, window_bounds = array<i64: 10240, 128>}, {pipeline_mode = #tpu.pipeline_mode<synchronous>, transform_indices = @transform_3, window_bounds = array<i64: 1, 1024>}, {pipeline_mode = #tpu.pipeline_mode<synchronous>, transform_indices = @transform_4, window_bounds = array<i64: 1024, 128>}, {pipeline_mode = #tpu.pipeline_mode<synchronous>, transform_indices = @transform_5, window_bounds = array<i64: 128, 8>}, {pipeline_mode = #tpu.pipeline_mode<synchronous>, transform_indices = @transform_6, window_bounds = array<i64: 8, 1024>}, {pipeline_mode = #tpu.pipeline_mode<synchronous>, transform_indices = @transform_7, window_bounds = array<i64: 1280, 128>}]} {
    %get3A = arith.constant 0 : index
    %get3A_0 = arith.constant 0 : index
    %get3A_1 = vector.load %arg1[%get3A, %get3A_0] : memref<10240x128xf32, #tpu.memory_space<vmem>>, vector<10240x128xf32>
    %reshape3A = vector.shape_cast %get3A_1 : vector<10240x128xf32> to vector<1280x1024xf32>
    %get3A_2 = arith.constant 0 : index
    %get3A_3 = arith.constant 0 : index
    %get3A_4 = vector.load %arg3[%get3A_2, %get3A_3] : memref<10240x128xf32, #tpu.memory_space<vmem>>, vector<10240x128xf32>
    %reshape3A_5 = vector.shape_cast %get3A_4 : vector<10240x128xf32> to vector<1280x1024xf32>
    %get3A_6 = arith.constant 0 : index
    %get3A_7 = arith.constant 0 : index
    %get3A_8 = arith.constant 0 : index
    %get3A_9 = vector.load %arg2[%get3A_6, %get3A_7, %get3A_8] : memref<2x1280x128xf32, #tpu.memory_space<vmem>>, vector<1x1280x128xf32>
    %get3A_10 = vector.shape_cast %get3A_9 : vector<1x1280x128xf32> to vector<1280x128xf32>
    %get3A_11 = arith.constant 1 : index
    %get3A_12 = arith.constant 0 : index
    %get3A_13 = arith.constant 0 : index
    %get3A_14 = vector.load %arg2[%get3A_11, %get3A_12, %get3A_13] : memref<2x1280x128xf32, #tpu.memory_space<vmem>>, vector<1x1280x128xf32>
    %get3A_15 = vector.shape_cast %get3A_14 : vector<1x1280x128xf32> to vector<1280x128xf32>
    %add3A = arith.addf %get3A_10, %get3A_15 : vector<1280x128xf32>
    %get3A_16 = arith.constant 0 : index
    %get3A_17 = arith.constant 0 : index
    %get3A_18 = vector.load %arg6[%get3A_16, %get3A_17] : memref<128x8xf32, #tpu.memory_space<vmem>>, vector<128x8xf32>
    %dot_general3A = arith.constant dense<0.000000e+00> : vector<1280x8xf32>
    %dot_general3A_19 = tpu.matmul %add3A, %get3A_18, %dot_general3A {dimension_numbers = #tpu.dot_dimension_numbers<[1], [0], [0], [1], [0, 0, 1, 1], [], []>, transpose_lhs_hint = false} : vector<1280x128xf32>, vector<128x8xf32>, vector<1280x8xf32> -> vector<1280x8xf32>
    %max3A = arith.constant 1.000000e+00 : f32
    %max3A_20 = vector.broadcast %max3A : f32 to vector<1280x8xf32>
    %max3A_21 = arith.maximumf %dot_general3A_19, %max3A_20 : vector<1280x8xf32>
    %div3A = arith.constant 1.000000e+00 : f32
    %div3A_22 = vector.broadcast %div3A : f32 to vector<1280x8xf32>
    %div3A_23 = arith.divf %div3A_22, %max3A_21 : vector<1280x8xf32>
    %get3A_24 = arith.constant 0 : index
    %get3A_25 = arith.constant 0 : index
    %get3A_26 = vector.load %arg7[%get3A_24, %get3A_25] : memref<8x1024xf32, #tpu.memory_space<vmem>>, vector<8x1024xf32>
    %dot_general3A_27 = arith.constant dense<0.000000e+00> : vector<1280x1024xf32>
    %dot_general3A_28 = tpu.matmul %div3A_23, %get3A_26, %dot_general3A_27 {dimension_numbers = #tpu.dot_dimension_numbers<[1], [0], [0], [1], [0, 0, 1, 1], [], []>, transpose_lhs_hint = false} : vector<1280x8xf32>, vector<8x1024xf32>, vector<1280x1024xf32> -> vector<1280x1024xf32>
    %mul3A = arith.mulf %reshape3A, %dot_general3A_28 : vector<1280x1024xf32>
    %add3A_29 = arith.addf %mul3A, %reshape3A_5 : vector<1280x1024xf32>
    %get3A_30 = arith.constant 0 : index
    %get3A_31 = arith.constant 0 : index
    %get3A_32 = vector.load %arg4[%get3A_30, %get3A_31] : memref<1x1024xf32, #tpu.memory_space<vmem>>, vector<1x1024xf32>
    %add3A_33 = vector.broadcast %get3A_32 : vector<1x1024xf32> to vector<1280x1024xf32>
    %add3A_34 = arith.addf %add3A_29, %add3A_33 : vector<1280x1024xf32>
    %max3A_35 = arith.constant 0.000000e+00 : f32
    %max3A_36 = vector.broadcast %max3A_35 : f32 to vector<1280x1024xf32>
    %max3A_37 = arith.maximumf %add3A_34, %max3A_36 : vector<1280x1024xf32>
    %get3A_38 = arith.constant 0 : index
    %get3A_39 = arith.constant 0 : index
    %get3A_40 = vector.load %arg5[%get3A_38, %get3A_39] : memref<1024x128xf32, #tpu.memory_space<vmem>>, vector<1024x128xf32>
    %dot_general3A_41 = arith.constant dense<0.000000e+00> : vector<1280x128xf32>
    %dot_general3A_42 = tpu.matmul %max3A_37, %get3A_40, %dot_general3A_41 {dimension_numbers = #tpu.dot_dimension_numbers<[1], [0], [0], [1], [0, 0, 1, 1], [], []>, transpose_lhs_hint = false} : vector<1280x1024xf32>, vector<1024x128xf32>, vector<1280x128xf32> -> vector<1280x128xf32>
    %swap3A = arith.constant 0 : index
    %swap3A_43 = arith.constant 0 : index
    %swap3A_44 = vector.load %arg8[%swap3A, %swap3A_43] : memref<1280x128xf32, #tpu.memory_space<vmem>>, vector<1280x128xf32>
    tpu.vector_store %arg8[%swap3A, %swap3A_43], %dot_general3A_42 {strides = array<i32>} : memref<1280x128xf32, #tpu.memory_space<vmem>>, vector<1280x128xf32>,
    return
  }
  func.func @transform_0(%arg0: i32) -> (i32, i32) {
    %c0_i32 = arith.constant 0 : i32
    %c0_i32_0 = arith.constant 0 : i32
    %c0_i32_1 = arith.constant 0 : i32
    return %c0_i32, %c0_i32_0 : i32, i32
  }
  func.func @transform_1(%arg0: i32) -> (i32, i32, i32) {
    %c0_i32 = arith.constant 0 : i32
    %c0_i32_0 = arith.constant 0 : i32
    %c0_i32_1 = arith.constant 0 : i32
    %c0_i32_2 = arith.constant 0 : i32
    return %c0_i32, %c0_i32_0, %c0_i32_1 : i32, i32, i32
  }
  func.func @transform_2(%arg0: i32) -> (i32, i32) {
    %c0_i32 = arith.constant 0 : i32
    %c0_i32_0 = arith.constant 0 : i32
    %c0_i32_1 = arith.constant 0 : i32
    return %c0_i32, %c0_i32_0 : i32, i32
  }
  func.func @transform_3(%arg0: i32) -> (i32, i32) {
    %c0_i32 = arith.constant 0 : i32
    %c0_i32_0 = arith.constant 0 : i32
    %c0_i32_1 = arith.constant 0 : i32
    return %c0_i32, %c0_i32_0 : i32, i32
  }
  func.func @transform_4(%arg0: i32) -> (i32, i32) {
    %c0_i32 = arith.constant 0 : i32
    %c0_i32_0 = arith.constant 0 : i32
    %c0_i32_1 = arith.constant 0 : i32
    return %c0_i32, %c0_i32_0 : i32, i32
  }
  func.func @transform_5(%arg0: i32) -> (i32, i32) {
    %c0_i32 = arith.constant 0 : i32
    %c0_i32_0 = arith.constant 0 : i32
    %c0_i32_1 = arith.constant 0 : i32
    return %c0_i32, %c0_i32_0 : i32, i32
  }
  func.func @transform_6(%arg0: i32) -> (i32, i32) {
    %c0_i32 = arith.constant 0 : i32
    %c0_i32_0 = arith.constant 0 : i32
    %c0_i32_1 = arith.constant 0 : i32
    return %c0_i32, %c0_i32_0 : i32, i32
  }
  func.func @transform_7(%arg0: i32) -> (i32, i32) {
    %c0_i32 = arith.constant 0 : i32
    %c0_i32_0 = arith.constant 0 : i32
    %c0_i32_1 = arith.constant 0 : i32
    return %c0_i32, %c0_i32_0 : i32, i32
  }
}

module attributes {stable_mosaic.version = 14 : i64} {
  func.func @_k5_body(%arg0: i32, %arg1: memref<2x1280x128xf32, #tpu.memory_space<vmem>>, %arg2: memref<2x1280x128xf32, #tpu.memory_space<vmem>>, %arg3: memref<1280x128xf32, #tpu.memory_space<vmem>>, %arg4: memref<128x128xf32, #tpu.memory_space<vmem>>, %arg5: memref<1x128xf32, #tpu.memory_space<vmem>>, %arg6: memref<1280x128xf32, #tpu.memory_space<vmem>>) attributes {dimension_semantics = [#tpu.dimension_semantics<arbitrary>], iteration_bounds = array<i64: 1>, scalar_prefetch = 0 : i64, scratch_operands = 0 : i64, tpu.core_type = #tpu.core_type<tc>, window_params = [{pipeline_mode = #tpu.pipeline_mode<synchronous>, transform_indices = @transform_0, window_bounds = array<i64: 2, 1280, 128>}, {pipeline_mode = #tpu.pipeline_mode<synchronous>, transform_indices = @transform_1, window_bounds = array<i64: 2, 1280, 128>}, {pipeline_mode = #tpu.pipeline_mode<synchronous>, transform_indices = @transform_2, window_bounds = array<i64: 1280, 128>}, {pipeline_mode = #tpu.pipeline_mode<synchronous>, transform_indices = @transform_3, window_bounds = array<i64: 128, 128>}, {pipeline_mode = #tpu.pipeline_mode<synchronous>, transform_indices = @transform_4, window_bounds = array<i64: 1, 128>}, {pipeline_mode = #tpu.pipeline_mode<synchronous>, transform_indices = @transform_5, window_bounds = array<i64: 1280, 128>}]} {
    %get3A = arith.constant 0 : index
    %get3A_0 = arith.constant 0 : index
    %get3A_1 = arith.constant 0 : index
    %get3A_2 = vector.load %arg1[%get3A, %get3A_0, %get3A_1] : memref<2x1280x128xf32, #tpu.memory_space<vmem>>, vector<1x1280x128xf32>
    %get3A_3 = vector.shape_cast %get3A_2 : vector<1x1280x128xf32> to vector<1280x128xf32>
    %get3A_4 = arith.constant 1 : index
    %get3A_5 = arith.constant 0 : index
    %get3A_6 = arith.constant 0 : index
    %get3A_7 = vector.load %arg1[%get3A_4, %get3A_5, %get3A_6] : memref<2x1280x128xf32, #tpu.memory_space<vmem>>, vector<1x1280x128xf32>
    %get3A_8 = vector.shape_cast %get3A_7 : vector<1x1280x128xf32> to vector<1280x128xf32>
    %add3A = arith.addf %get3A_3, %get3A_8 : vector<1280x128xf32>
    %get3A_9 = arith.constant 0 : index
    %get3A_10 = arith.constant 0 : index
    %get3A_11 = arith.constant 0 : index
    %get3A_12 = vector.load %arg2[%get3A_9, %get3A_10, %get3A_11] : memref<2x1280x128xf32, #tpu.memory_space<vmem>>, vector<1x1280x128xf32>
    %get3A_13 = vector.shape_cast %get3A_12 : vector<1x1280x128xf32> to vector<1280x128xf32>
    %get3A_14 = arith.constant 1 : index
    %get3A_15 = arith.constant 0 : index
    %get3A_16 = arith.constant 0 : index
    %get3A_17 = vector.load %arg2[%get3A_14, %get3A_15, %get3A_16] : memref<2x1280x128xf32, #tpu.memory_space<vmem>>, vector<1x1280x128xf32>
    %get3A_18 = vector.shape_cast %get3A_17 : vector<1x1280x128xf32> to vector<1280x128xf32>
    %add3A_19 = arith.addf %get3A_13, %get3A_18 : vector<1280x128xf32>
    %max3A = arith.constant 1.000000e+00 : f32
    %max3A_20 = vector.broadcast %max3A : f32 to vector<1280x128xf32>
    %max3A_21 = arith.maximumf %add3A_19, %max3A_20 : vector<1280x128xf32>
    %div3A = arith.constant 1.000000e+00 : f32
    %div3A_22 = vector.broadcast %div3A : f32 to vector<1280x128xf32>
    %div3A_23 = arith.divf %div3A_22, %max3A_21 : vector<1280x128xf32>
    %get3A_24 = arith.constant 0 : index
    %get3A_25 = arith.constant 0 : index
    %get3A_26 = vector.load %arg3[%get3A_24, %get3A_25] : memref<1280x128xf32, #tpu.memory_space<vmem>>, vector<1280x128xf32>
    %get3A_27 = arith.constant 0 : index
    %get3A_28 = arith.constant 0 : index
    %get3A_29 = vector.load %arg4[%get3A_27, %get3A_28] : memref<128x128xf32, #tpu.memory_space<vmem>>, vector<128x128xf32>
    %dot_general3A = arith.constant dense<0.000000e+00> : vector<1280x128xf32>
    %dot_general3A_30 = tpu.matmul %get3A_26, %get3A_29, %dot_general3A {dimension_numbers = #tpu.dot_dimension_numbers<[1], [0], [0], [1], [0, 0, 1, 1], [], []>, transpose_lhs_hint = false} : vector<1280x128xf32>, vector<128x128xf32>, vector<1280x128xf32> -> vector<1280x128xf32>
    %mul3A = arith.mulf %add3A, %div3A_23 : vector<1280x128xf32>
    %add3A_31 = arith.addf %mul3A, %dot_general3A_30 : vector<1280x128xf32>
    %get3A_32 = arith.constant 0 : index
    %get3A_33 = arith.constant 0 : index
    %get3A_34 = vector.load %arg5[%get3A_32, %get3A_33] : memref<1x128xf32, #tpu.memory_space<vmem>>, vector<1x128xf32>
    %add3A_35 = vector.broadcast %get3A_34 : vector<1x128xf32> to vector<1280x128xf32>
    %add3A_36 = arith.addf %add3A_31, %add3A_35 : vector<1280x128xf32>
    %swap3A = arith.constant 0 : index
    %swap3A_37 = arith.constant 0 : index
    %swap3A_38 = vector.load %arg6[%swap3A, %swap3A_37] : memref<1280x128xf32, #tpu.memory_space<vmem>>, vector<1280x128xf32>
    tpu.vector_store %arg6[%swap3A, %swap3A_37], %add3A_36 {strides = array<i32>} : memref<1280x128xf32, #tpu.memory_space<vmem>>, vector<1280x128xf32>,
    return
  }
  func.func @transform_0(%arg0: i32) -> (i32, i32, i32) {
    %c0_i32 = arith.constant 0 : i32
    %c0_i32_0 = arith.constant 0 : i32
    %c0_i32_1 = arith.constant 0 : i32
    %c0_i32_2 = arith.constant 0 : i32
    return %c0_i32, %c0_i32_0, %c0_i32_1 : i32, i32, i32
  }
  func.func @transform_1(%arg0: i32) -> (i32, i32, i32) {
    %c0_i32 = arith.constant 0 : i32
    %c0_i32_0 = arith.constant 0 : i32
    %c0_i32_1 = arith.constant 0 : i32
    %c0_i32_2 = arith.constant 0 : i32
    return %c0_i32, %c0_i32_0, %c0_i32_1 : i32, i32, i32
  }
  func.func @transform_2(%arg0: i32) -> (i32, i32) {
    %c0_i32 = arith.constant 0 : i32
    %c0_i32_0 = arith.constant 0 : i32
    %c0_i32_1 = arith.constant 0 : i32
    return %c0_i32, %c0_i32_0 : i32, i32
  }
  func.func @transform_3(%arg0: i32) -> (i32, i32) {
    %c0_i32 = arith.constant 0 : i32
    %c0_i32_0 = arith.constant 0 : i32
    %c0_i32_1 = arith.constant 0 : i32
    return %c0_i32, %c0_i32_0 : i32, i32
  }
  func.func @transform_4(%arg0: i32) -> (i32, i32) {
    %c0_i32 = arith.constant 0 : i32
    %c0_i32_0 = arith.constant 0 : i32
    %c0_i32_1 = arith.constant 0 : i32
    return %c0_i32, %c0_i32_0 : i32, i32
  }
  func.func @transform_5(%arg0: i32) -> (i32, i32) {
    %c0_i32 = arith.constant 0 : i32
    %c0_i32_0 = arith.constant 0 : i32
    %c0_i32_1 = arith.constant 0 : i32
    return %c0_i32, %c0_i32_0 : i32, i32
  }
}

</mosaic_0001>

<sc_bundles>
// kernel: kernel.11.cloned.1.call-start
scs
__scs_entry_jumppad:
0x0: {  	(pc) =	sbr.rel $0x88, $3  }
0x1: {  	(tag) =	ssettag $0x0;
	lr =	simm.s32 $0x1  }
0x2: {  	[smem:$0x3F99] =	sst lr;
	_ =	strace $0xD0000000  }
0x3: {  	_ = 	snop  }
0x4: {  	_ = 	snop  }
0x5: {  	_ = 	snop  }
0x6: {  	_ = 	snop  }
0x7: {  	_ = 	snop  }
__scs_overlays_trampoline_lowered:
0x8: {  	[smem:$0x3FA8] =	sst s0  }
0x9: {  	[smem:$0x3FA9] =	sst s1  }
0xa: {  	[smem:$0x3FAA] =	sst s2  }
0xb: {  	[smem:$0x3FAB] =	sst s3  }
0xc: {  	[smem:$0x3FAC] =	sst s4  }
0xd: {  	[smem:$0x3FAD] =	sst s5  }
0xe: {  	[smem:$0x3FAE] =	sst s6  }
0xf: {  	[smem:$0x3FAF] =	sst s7  }
0x10: {  	[smem:$0x3FB0] =	sst s8  }
0x11: {  	[smem:$0x3FB1] =	sst s9;
	s0 =	simm.s32 @!p0 $0x0  }
0x12: {  	s1 =	sld [smem:$0x3F97];
	s0 =	simm.s32 @p0 $0x1  }
0x13: {  	[smem:$0x3FB2] =	sst s0;
	s0 =	simm.s32 @!p1 $0x0  }
0x14: {  	s2 =	sld [smem:$0x3F96];
	s0 =	simm.s32 @p1 $0x1  }
0x15: {  	[smem:$0x3FB3] =	sst s0;
	s0 =	simm.s32 @!p2 $0x0  }
0x16: {  	s3 =	sld [smem:$0x3FDB];
	s0 =	simm.s32 @p2 $0x1  }
0x17: {  	s4 =	simm.s32 $0x1BF5;
	[smem:$0x3FB5] =	sst s0  }
0x18: {  	s0 =	sld [smem:$0x3F98];
	_ =	swait.ge [sflag:s4], $0x0  }
0x19: {  	s7 =	sld [smem:$0x3F99]  }
0x1a: {  	s8 =	sadd.s32 $0xFFFFE003, lr  }
0x1b: {  	s9 =	sadd.s32 $0xFFFFFEF7, lr;
	s5 =	simm.s32 $0xFFFFFFFF;
	p2 =	slt.u32 s8, $0xFFFFF086  }
0x1c: {  	p1 =	slt.u32 s9, $0xF7A;
	s5 =	simm.s32 @!p2 $0x0  }
0x1d: {  	s5 =	simm.s32 @p1 $0x1;
	p0 =	seq.s32 s7, s2  }
0x1e: {  	s7 =	smul.u32 @!p0 $0xF7A, s2;
	p2 =	seq.s32 @!p0 s5, $0x0  }
0x1f: {  	s9 =	smul.u32 $0xF7A, s1;
	s8 =	simm.s32 @!p0 $0x1BF5;
	p2 =	por !p2, p0  }
0x20: {  	[sflag:s8] =	ssyncset.s32 @!p0 $0xFFFFF086;
	s6 =	sadd.s32 @!p0 s3, s7;
	s7 =	simm.s32 @!p0 $0x108  }
0x21: {  	s3 =	sadd.s32 s3, s9;
	s6 =	sadd.s32 @!p0 $0x88, s6;
	s7 =	simm.s32 @p2 $0x1082  }
0x22: {  	[simem:s7], [sflag:s8] =	dma.local @!p0 [hbm:s6], $0xF7A  }
0x23: {  	s9 =	sor.u32 $0xD0000000, s2;
	s6 =	simm.s32 $0x108;
	_ =	swait.ge @!p0 [sflag:s8], $0x0  }
0x24: {  	s3 =	sadd.s32 $0x88, s3;
	s6 =	simm.s32 @!p1 $0x1082;
	[sflag:s4] =	ssyncset.s32 $0xFFFFF086  }
0x25: {  	[simem:s6], [sflag:s4] =	dma.local [hbm:s3], $0xF7A  }
0x26: {  	[smem:$0x3F99] =	sst s1;
	(tag) =	ssettag s2;
	_ =	strace s9  }
0x27: {  	s1 =	sld [smem:$0x3FA9]  }
0x28: {  	s2 =	sld [smem:$0x3FAA]  }
0x29: {  	s4 =	sld [smem:$0x3FAC]  }
0x2a: {  	p0 =	seq.s32 s5, $0x0;
	s5 =	sld [smem:$0x3FAD]  }
0x2b: {  	s6 =	sld [smem:$0x3FAE]  }
0x2c: {  	s7 =	sld [smem:$0x3FAF]  }
0x2d: {  	s3 =	simm.s32 $0x108;
	s8 =	sld [smem:$0x3FB0]  }
0x2e: {  	s3 =	simm.s32 @!p0 $0x1082;
	s9 =	sld [smem:$0x3FB1]  }
0x2f: {  	lr =	sadd.s32 s0, s3;
	s0 =	sld [smem:$0x3FA8]  }
0x30: {  	s3 =	sld [smem:$0x3FAB]  }
0x31: {  	[smem:$0x3FB4] =	sst s10  }
0x32: {  	s10 =	sld [smem:$0x3FB2];
	_ =	sdelay $0x3  }
0x33: {  	p0 =	seq.s32 s10, $0x1;
	s10 =	sld [smem:$0x3FB4];
	_ =	sdelay $0x3  }
0x34: {  	[smem:$0x3FB4] =	sst s10  }
0x35: {  	s10 =	sld [smem:$0x3FB3];
	_ =	sdelay $0x3  }
0x36: {  	p1 =	seq.s32 s10, $0x1;
	s10 =	sld [smem:$0x3FB4];
	_ =	sdelay $0x3  }
0x37: {  	[smem:$0x3FB4] =	sst s10  }
0x38: {  	s10 =	sld [smem:$0x3FB5]  }
0x39: {  	_ = 	snop;
	(pc) =	sbr.ind lr, $3  }
0x3a: {  	_ = 	snop  }
0x3b: {  	_ = 	snop  }
0x3c: {  	p2 =	seq.s32 s10, $0x1;
	s10 =	sld [smem:$0x3FB4]  }
0x3d: {  	_ =	shalt  }
0x3e: {  	_ =	shalt  }
0x3f: {  	_ =	shalt  }
0x40: {  	_ =	shalt  }
0x41: {  	_ =	shalt  }
0x42: {  	_ =	shalt  }
0x43: {  	_ =	shalt  }
0x44: {  	_ =	shalt  }
0x45: {  	_ =	shalt  }
0x46: {  	_ =	shalt  }
0x47: {  	_ =	shalt  }
0x48: {  	_ =	shalt  }
0x49: {  	_ =	shalt  }
0x4a: {  	_ =	shalt  }
0x4b: {  	_ =	shalt  }
0x4c: {  	_ =	shalt  }
0x4d: {  	_ =	shalt  }
0x4e: {  	_ =	shalt  }
0x4f: {  	_ =	shalt  }
0x50: {  	_ =	shalt  }
0x51: {  	_ =	shalt  }
0x52: {  	_ =	shalt  }
0x53: {  	_ =	shalt  }
0x54: {  	_ =	shalt  }
0x55: {  	_ =	shalt  }
0x56: {  	_ =	shalt  }
0x57: {  	_ =	shalt  }
0x58: {  	_ =	shalt  }
0x59: {  	_ =	shalt  }
0x5a: {  	_ =	shalt  }
0x5b: {  	_ =	shalt  }
0x5c: {  	_ =	shalt  }
0x5d: {  	_ =	shalt  }
0x5e: {  	_ =	shalt  }
0x5f: {  	_ =	shalt  }
0x60: {  	_ =	shalt  }
0x61: {  	_ =	shalt  }
0x62: {  	_ =	shalt  }
0x63: {  	_ =	shalt  }
0x64: {  	_ =	shalt  }
0x65: {  	_ =	shalt  }
0x66: {  	_ =	shalt  }
0x67: {  	_ =	shalt  }
0x68: {  	_ =	shalt  }
0x69: {  	_ =	shalt  }
0x6a: {  	_ =	shalt  }
0x6b: {  	_ =	shalt  }
0x6c: {  	_ =	shalt  }
0x6d: {  	_ =	shalt  }
0x6e: {  	_ =	shalt  }
0x6f: {  	_ =	shalt  }
0x70: {  	_ =	shalt  }
0x71: {  	_ =	shalt  }
0x72: {  	_ =	shalt  }
0x73: {  	_ =	shalt  }
0x74: {  	_ =	shalt  }
0x75: {  	_ =	shalt  }
0x76: {  	_ =	shalt  }
0x77: {  	_ =	shalt  }
0x78: {  	_ =	shalt  }
0x79: {  	_ =	shalt  }
0x7a: {  	_ =	shalt  }
0x7b: {  	_ =	shalt  }
0x7c: {  	_ =	shalt  }
0x7d: {  	_ =	shalt  }
0x7e: {  	_ =	shalt  }
0x7f: {  	_ =	shalt  }
0x80: {  	_ =	shalt  }
0x81: {  	_ =	shalt  }
0x82: {  	_ =	shalt  }
0x83: {  	_ =	shalt  }
0x84: {  	_ =	shalt  }
0x85: {  	_ =	shalt  }
0x86: {  	_ =	shalt  }
0x87: {  	_ =	shalt  }
.Lfunc_end0:
.L_simem_size_0:
called_computation.1_lowered:
.L_overlay_start_0:
0x88: {  	s2 =	sld [smem:$0x3FD9]  }
0x89: {  	s3 =	sld [smem:$0x3FFE];
	_ =	sdelay $0x1  }
0x8a: {  	s1 =	srdreg.scid  }
0x8b: {  	s0 =	sand.u32 $0x1, s1  }
0x8c: {  	s17 =	sshll.u32 s0, $0xA;
	s2 =	sadd.s32 s3, s2  }
0x8d: {  	s2 =	sadd.s32 s2, s17  }
0x8e: {  	[smem:$0x3FC0] =	sst s2  }
0x8f: {  	_ = 	snop  }
0x90: {  	s2 =	sld [smem:$0x3FD0];
	(tm) =	ssettm $0x1  }
0x91: {  	s18 =	sld [smem:$0x3FFB];
	_ =	sdelay $0x3  }
0x92: {  	_ =	strace s18  }
0x93: {  	s3 =	sld [smem:$0x3FFC];
	_ =	sdelay $0x3  }
0x94: {  	_ =	strace s3  }
0x95: {  	s3 =	sld [smem:$0x3FFD];
	_ =	sdelay $0x3  }
0x96: {  	_ =	strace s3  }
0x97: {  	_ =	strace $0x8FFFFFFF  }
0x98: {  	s19 =	sld [smem:$0x3FDB];
	_ =	sdelay $0x1  }
0x99: {  	s4 =	simm.s32 $_scs_section_size  }
0x9a: {  	s5 =	simm.s32 $_size__tile_overlayer_lowered;
	s6 =	simm.s32 $_tile_overlayer_lowered  }
0x9b: {  	s22 =	simm.s32 $0x1BFF;
	s21 =	sshll.u32 s6, $0x1;
	s3 =	sadd.s32 s4, s19  }
0x9c: {  	s7 =	simm.s32 $0x0;
	s20 =	sshll.u32 s5, $0x1;
	s5 =	sadd.s32 s21, s3  }
0x9d: {  	[timem:s7], [sflag:s22] =	dma.local [hbm:s5], s20  }
0x9e: {  	_ =	swait.ge [sflag:s22], s20  }
0x9f: {  	s4 =	ssub.s32 $0x0, s20;
	[sflag:s22] =	ssyncset.done $0x0  }
0xa0: {  	[sflag:s22] =	ssyncadd.s32 s4;
	_ =	sdelay $0x1  }
0xa1: {  	s23 =	simm.s32 $0x1B8B  }
0xa2: {  	_ =	swait.ge [sflag:s23], $0x1  }
0xa3: {  	[sflag:s23] =	ssyncset.done $0x0  }
0xa4: {  	s25 =	simm.s32 $0x1B8E;
	s24 =	sld [smem:$0x3FFE];
	[sflag:s23] =	ssyncadd.s32 $0xFFFFFFFF  }
0xa5: {  	s26 =	simm.s32 $execute0_lowered;
	[smem:$0x3FD2] =	sst s25  }
0xa6: {  	s5 =	sshll.u32 s26, $0x1;
	_ =	strace $0x80000046;
	[dreg:$0x1] =	wrdreg $0xFFFFFFFF  }
0xa7: {  	s28 =	simm.s32 $_size_execute0_lowered;
	s3 =	sadd.s32 s3, s5;
	[dreg:$0x0] =	wrdreg $0x0  }
0xa8: {  	s5 =	sshll.u32 s28, $0x1;
	[dreg:$0x2] =	wrdreg s3  }
0xa9: {  	[dreg:$0x3] =	wrdreg s5  }
0xaa: {  	[dreg:$0x4] =	wrdreg $0xC0  }
0xab: {  	_ =	task [dreg:s7], $0x5FFFF  }
0xac: {  	[dreg:$0x1] =	wrdreg $0xFFFFFFFF  }
0xad: {  	[dreg:$0x0] =	wrdreg $0x60  }
0xae: {  	[dreg:$0x2] =	wrdreg s24  }
0xaf: {  	[dreg:$0x3] =	wrdreg s2  }
0xb0: {  	[dreg:$0x4] =	wrdreg $0xF0000  }
0xb1: {  	[dreg:$0x5] =	wrdreg $0xA  }
0xb2: {  	_ =	task.clear_ibuf [dreg:s7], $0x6FFFF;
	_ =	strace $0x90000046  }
0xb3: {  	s29 =	simm.s32 $0xA;
	_ =	strace $0x80000048  }
0xb4: {  	_ =	swait.ge [sflag:s29], $0x1  }
0xb5: {  	[sflag:s29] =	ssyncadd.s32 $0xFFFFFFFF  }
0xb6: {  	_ =	strace $0x90000048  }
0xb7: {  	_ =	sfence  }
0xb8: {  	s30 =	sld [smem:$0x0];
	_ =	sdelay $0x2  }
0xb9: {  	s31 =	sshll.u32 s1, $0xD;
	s1 =	sshrl.u32 s1, $0x2  }
0xba: {  	s3 =	sand.u32 $0x4000, s31;
	s1 =	sadd.s32 s1, s30  }
0xbb: {  	s0 =	sor.u32 s3, s0;
	s1 =	sshll.u32 s1, $0x11  }
0xbc: {  	s0 =	sor.u32 s1, s0  }
0xbd: {  	s0 =	sadd.s32 $0x8F2B, s0  }
0xbe: {  	[sflag:s0] =	ssyncadd.remote.s32 $0x1  }
0xbf: {  	_ =	sfence.sel $0xFFFF  }
0xc0: {  	[dreg:$0x0] =	wrdreg $0xFFFFFFFF;
	(pc) =	sbr.abs _section_cstart, $3  }
0xc1: {  	[dreg:$0x1] =	wrdreg $0xFFFFFFFF  }
0xc2: {  	_ =	task.clear_ibuf [dreg:s7], $0x2FFFF;
	_ =	strace $0x9FFFFFFF  }
0xc3: {  	(tm) =	ssettm $0x7FFFFFFF  }
tec
execute0_lowered:
.L_overlay_start_1:
0x0: {  	(tag) =	ssettag $0x1  }
0x1: {  	s0 =	rddreg [dreg:$0x0]  }
0x2: {  	s1 =	srdreg.scid;
	s10 =	stileid.u32  }
0x3: {  	s3 =	rddreg [dreg:$0x2];
	s4 =	simm.s32 $0x0;
	s28 =	simm.s32 $0x80  }
0x4: {  	s29 =	simm.s32 $0x7000;
	s31 =	simm.s32 $0x9000;
	s2 =	smul.u32 $0x2800, s10  }
0x5: {  	s30 =	simm.s32 $0xD000;
	s1 =	sand.u32 $0x1, s1;
	s9 =	smul.u32 $0x28000, s10  }
0x6: {  	[smem:$0x7FF] =	sst s4;
	s11 =	smul.u32 $0x280, s10;
	s10 =	simm.s32 $0x5  }
0x7: {  	s5 =	smul.u32 $0x28000, s1;
	s8 =	sshll.u32 s1, $0x3;
	s1 =	ssub.s32 $0x2, s1  }
0x8: {  	_ =	strace $0x80000047;
	s7 =	sshrl.u32 s2, $0x3;
	s26 =	sshrl.u32 s1, $0x1  }
0x9: {  	s9 =	sshrl.u32 s9, $0x2;
	s15 =	sadd.s32 $0x80, s11;
	s17 =	sadd.s32 $0x100, s11  }
0xa: {  	s19 =	sadd.s32 $0x180, s11;
	s23 =	sadd.s32 $0x200, s11;
	s11 =	simm.s32 $0x8  }
0xb: {  	s5 =	sadd.s32 s2, s5;
	s7 =	sadd.s32 s7, s0;
	s1 =	ssub.s32 s1, s26  }
0xc: {  	s16 =	sshll.u32 s15, $0x6;
	s18 =	sshll.u32 s17, $0x6;
	s20 =	sshll.u32 s17, $0x4  }
0xd: {  	s21 =	sshll.u32 s19, $0x6;
	s24 =	sshll.u32 s19, $0x4;
	s25 =	sshll.u32 s23, $0x6  }
0xe: {  	s6 =	sshrl.u32 s5, $0x3;
	s5 =	sadd.s32 $0x15800, s0;
	s7 =	sadd.s32 $0x6800, s7  }
0xf: {  	s1 =	smax.u32 s1, $0x1;
	s22 =	sadd.s32 s21, s3;
	[dreg:$0x5] =	wrdreg s7  }
0x10: {  	s26 =	sadd.s32 s25, s3;
	s25 =	simm.s32 $0x2800;
	[dreg:$0x6] =	wrdreg s1  }
0x11: {  	s6 =	sadd.s32 s6, s0;
	s0 =	sadd.s32 s8, s0;
	[dreg:$0x10] =	wrdreg s22  }
0x12: {  	s8 =	sadd.s32 s9, s3;
	s1 =	sshll.u32 s15, $0x4;
	[dreg:$0x12] =	wrdreg s26  }
0x13: {  	s26 =	simm.s32 $0x6;
	s7 =	simm.s32 $0x4;
	s6 =	sadd.s32 $0xB800, s6  }
0x14: {  	s9 =	simm.s32 $0x7;
	s12 =	sadd.s32 $0x2000, s8;
	[dreg:$0x4] =	wrdreg s6  }
0x15: {  	s15 =	simm.s32 $0x0;
	s13 =	sadd.s32 $0x4000, s8;
	[dreg:$0x7] =	wrdreg s12  }
0x16: {  	s0 =	sadd.s32 $0x3CA00, s0;
	s14 =	sadd.s32 $0x6000, s8;
	[dreg:$0x8] =	wrdreg s13  }
0x17: {  	[dreg:$0x9] =	wrdreg s14;
	s6 =	sadd.s32 $0x8000, s8;
	s2 =	sadd.s32 s2, s0  }
0x18: {  	s1 =	sadd.s32 s1, s0;
	s12 =	simm.s32 $0x9;
	[dreg:$0xa] =	wrdreg s6  }
0x19: {  	s13 =	simm.s32 $0xA;
	s14 =	simm.s32 $0x40;
	[dreg:$0xb] =	wrdreg s2  }
0x1a: {  	s2 =	sadd.s32 s16, s3;
	[dreg:$0xd] =	wrdreg s1;
	s1 =	sadd.s32 s18, s3  }
.Ltmp0:
0x1b: {  	s6 =	simm.s32 $0x3;
	[dreg:$0xc] =	wrdreg s2;
	(pc) =	sbr.rel .LBB2_1-.Ltmp0, $4  }
0x1c: {  	[dreg:$0xe] =	wrdreg s1;
	s1 =	sadd.s32 s20, s0;
	s2 =	sadd.s32 s24, s0  }
0x1d: {  	s24 =	simm.s32 $0xB;
	[dreg:$0xf] =	wrdreg s1;
	s1 =	sshll.u32 s23, $0x4  }
0x1e: {  	[dreg:$0x11] =	wrdreg s2;
	s23 =	simm.s32 $0x5000;
	s2 =	simm.s32 $0x2  }
0x1f: {  	s22 =	sadd.s32 s1, s0;
	s0 =	simm.s32 $0xB000;
	s1 =	simm.s32 $0x1  }
.LBB2_4:
0x20: {  	_ =	swait.ge [sflag:s26], $0x2000  }
0x21: {  	[sflag:s26] =	ssyncset.done $0x0  }
0x22: {  	[sflag:s26] =	ssyncadd.s32 $0xFFFFE000  }
0x23: {  	_ =	swait.ge [sflag:s9], $0x2000  }
0x24: {  	[sflag:s9] =	ssyncset.done $0x0  }
0x25: {  	[sflag:s9] =	ssyncadd.s32 $0xFFFFE000  }
0x26: {  	_ =	swait.ge [sflag:s11], $0x2000  }
0x27: {  	[sflag:s11] =	ssyncset.done $0x0  }
0x28: {  	[sflag:s11] =	ssyncadd.s32 $0xFFFFE000  }
0x29: {  	_ =	swait.ge [sflag:s12], $0x2000  }
0x2a: {  	[sflag:s12] =	ssyncset.done $0x0  }
0x2b: {  	[sflag:s12] =	ssyncadd.s32 $0xFFFFE000  }
0x2c: {  	_ =	swait.ge [sflag:s13], $0x2000  }
0x2d: {  	[sflag:s13] =	ssyncset.done $0x0  }
0x2e: {  	[sflag:s13] =	ssyncadd.s32 $0xFFFFE000  }
0x2f: {  	[bflag:$0x0] =	sbarrier.arrive $0xFFFF  }
0x30: {  	[tilespmem:s23], [sflag:$0xB] =	stream.linear.gather [spmem:s8], $0x2000, $0x38;
	[tilespmem:$0x19000] =	vst v63  }
0x31: {  	_ =	swait.ge [sflag:s24], $0x2000  }
0x32: {  	[sflag:s24] =	ssyncset.done $0x0  }
0x33: {  	s16 =	rddreg [dreg:$0xb];
	[sflag:s24] =	ssyncadd.s32 $0xFFFFE000  }
0x34: {  	[hbm4b:s16+s14] =	stream.strided.scatter [tilespmem:s23], [sflag:$0xB], $0x2000, s28, s14, $0x38;
	[tilespmem:$0x19000] =	vst v63  }
0x35: {  	_ =	swait.ge [sflag:s24], $0x2000  }
0x36: {  	[sflag:s24] =	ssyncset.done $0x0  }
0x37: {  	s19 =	rddreg [dreg:$0xc];
	[sflag:s24] =	ssyncadd.s32 $0xFFFFE000  }
0x38: {  	[tilespmem:s23], [sflag:$0xB] =	stream.linear.gather [spmem:s19], $0x2000, $0x38;
	[tilespmem:$0x19000] =	vst v63  }
0x39: {  	_ =	swait.ge [sflag:s24], $0x2000  }
0x3a: {  	[sflag:s24] =	ssyncset.done $0x0  }
0x3b: {  	s20 =	rddreg [dreg:$0xd];
	[sflag:s24] =	ssyncadd.s32 $0xFFFFE000  }
0x3c: {  	[hbm4b:s20+s14] =	stream.strided.scatter [tilespmem:s23], [sflag:$0xB], $0x2000, s28, s14, $0x38;
	[tilespmem:$0x19000] =	vst v63  }
0x3d: {  	_ =	swait.ge [sflag:s24], $0x2000  }
0x3e: {  	[sflag:s24] =	ssyncset.done $0x0  }
0x3f: {  	s21 =	rddreg [dreg:$0xe];
	[sflag:s24] =	ssyncadd.s32 $0xFFFFE000  }
0x40: {  	[tilespmem:s23], [sflag:$0xB] =	stream.linear.gather [spmem:s21], $0x2000, $0x38;
	[tilespmem:$0x19000] =	vst v63  }
0x41: {  	_ =	swait.ge [sflag:s24], $0x2000  }
0x42: {  	[sflag:s24] =	ssyncset.done $0x0  }
0x43: {  	s17 =	rddreg [dreg:$0xf];
	[sflag:s24] =	ssyncadd.s32 $0xFFFFE000  }
0x44: {  	[hbm4b:s17+s14] =	stream.strided.scatter [tilespmem:s23], [sflag:$0xB], $0x2000, s28, s14, $0x38;
	[tilespmem:$0x19000] =	vst v63  }
0x45: {  	_ =	swait.ge [sflag:s24], $0x2000  }
0x46: {  	[sflag:s24] =	ssyncset.done $0x0  }
0x47: {  	s18 =	rddreg [dreg:$0x10];
	[sflag:s24] =	ssyncadd.s32 $0xFFFFE000  }
0x48: {  	[tilespmem:s23], [sflag:$0xB] =	stream.linear.gather [spmem:s18], $0x2000, $0x38;
	[tilespmem:$0x19000] =	vst v63  }
0x49: {  	_ =	swait.ge [sflag:s24], $0x2000  }
0x4a: {  	[sflag:s24] =	ssyncset.done $0x0  }
0x4b: {  	s19 =	rddreg [dreg:$0x11];
	[sflag:s24] =	ssyncadd.s32 $0xFFFFE000  }
0x4c: {  	[hbm4b:s19+s14] =	stream.strided.scatter [tilespmem:s23], [sflag:$0xB], $0x2000, s28, s14, $0x38;
	[tilespmem:$0x19000] =	vst v63  }
0x4d: {  	_ =	swait.ge [sflag:s24], $0x2000  }
0x4e: {  	[sflag:s24] =	ssyncset.done $0x0  }
0x4f: {  	s20 =	rddreg [dreg:$0x12];
	[sflag:s24] =	ssyncadd.s32 $0xFFFFE000  }
0x50: {  	[tilespmem:s23], [sflag:$0xB] =	stream.linear.gather [spmem:s20], $0x2000, $0x38;
	[tilespmem:$0x19000] =	vst v63  }
0x51: {  	_ =	swait.ge [sflag:s24], $0x2000  }
0x52: {  	[sflag:s24] =	ssyncset.done $0x0  }
0x53: {  	[sflag:s24] =	ssyncadd.s32 $0xFFFFE000  }
0x54: {  	[hbm4b:s22+s14] =	stream.strided.scatter [tilespmem:s23], [sflag:$0xB], $0x2000, s28, s14, $0x38;
	[tilespmem:$0x19000] =	vst v63  }
0x55: {  	_ =	swait.ge [sflag:s24], $0x2000  }
0x56: {  	s15 =	sadd.s32 $0x1, s15;
	s21 =	rddreg [dreg:$0x6]  }
0x57: {  	p0 =	sne.s32 s15, s21  }
.Ltmp1:
0x58: {  	_ = 	snop;
	(pc) =	sbr.rel @!p0 .LBB2_5-.Ltmp1, $3  }
0x59: {  	_ =	sdelay $0x1  }
0x5a: {  	[sflag:s24] =	ssyncset.done $0x0  }
0x5b: {  	[sflag:s24] =	ssyncadd.s32 $0xFFFFE000  }
.LBB2_1:
0x5c: {  	s16 =	rddreg [dreg:$0x1]  }
0x5d: {  	[tilespmem:s23], [sflag:$0xB] =	stream.linear.gather [hbm4b:s16+s4], $0x2000, $0x38;
	[tilespmem:$0x19000] =	vst v63  }
0x5e: {  	_ =	swait.ge [sflag:s24], $0x2000  }
0x5f: {  	[sflag:s24] =	ssyncset.done $0x0  }
0x60: {  	s21 =	rddreg [dreg:$0x4];
	[sflag:s24] =	ssyncadd.s32 $0xFFFFE000  }
0x61: {  	[tilespmem:s4], [sflag:$0xB] =	stream.linear.gather [hbm4b:s21+s4], $0x2800, $0x38;
	[tilespmem:$0x19000] =	vst v63  }
0x62: {  	_ =	swait.ge [sflag:s24], $0x2800  }
0x63: {  	[sflag:s24] =	ssyncset.done $0x0  }
0x64: {  	s17 =	rddreg [dreg:$0x5];
	[sflag:s24] =	ssyncadd.s32 $0xFFFFD800  }
0x65: {  	[tilespmem:s25], [sflag:$0xB] =	stream.linear.gather [hbm4b:s17+s4], $0x2800, $0x38;
	[tilespmem:$0x19000] =	vst v63  }
0x66: {  	_ =	swait.ge [sflag:s24], $0x2800  }
0x67: {  	[sflag:s24] =	ssyncset.done $0x0  }
0x68: {  	[sflag:s24] =	ssyncadd.s32 $0xFFFFD800  }
0x69: {  	[spmem:s8] =	stream.linear.scatter [tilespmem:s23], [sflag:$0x6], $0x2000, $0x38;
	[tilespmem:$0x19000] =	vst v63  }
0x6a: {  	s18 =	rddreg [dreg:$0x7]  }
0x6b: {  	[spmem:s18] =	stream.linear.scatter [tilespmem:s23], [sflag:$0x6], $0x2000, $0x38;
	[tilespmem:$0x19000] =	vst v63  }
0x6c: {  	s19 =	rddreg [dreg:$0x8]  }
0x6d: {  	[spmem:s19] =	stream.linear.scatter [tilespmem:s23], [sflag:$0x6], $0x2000, $0x38;
	[tilespmem:$0x19000] =	vst v63  }
0x6e: {  	s20 =	rddreg [dreg:$0x9]  }
0x6f: {  	[spmem:s20] =	stream.linear.scatter [tilespmem:s23], [sflag:$0x6], $0x2000, $0x38;
	[tilespmem:$0x19000] =	vst v63  }
0x70: {  	s21 =	rddreg [dreg:$0xa]  }
0x71: {  	[spmem:s21] =	stream.linear.scatter [tilespmem:s23], [sflag:$0x6], $0x2000, $0x38;
	[tilespmem:$0x19000] =	vst v63  }
0x72: {  	_ =	swait.ge [sflag:s26], $0x2000  }
0x73: {  	[sflag:s26] =	ssyncset.done $0x0  }
0x74: {  	[sflag:s26] =	ssyncadd.s32 $0xFFFFE000  }
0x75: {  	_ =	swait.ge [sflag:s26], $0x2000  }
0x76: {  	[sflag:s26] =	ssyncset.done $0x0  }
0x77: {  	[sflag:s26] =	ssyncadd.s32 $0xFFFFE000  }
0x78: {  	_ =	swait.ge [sflag:s26], $0x2000  }
0x79: {  	[sflag:s26] =	ssyncset.done $0x0  }
0x7a: {  	[sflag:s26] =	ssyncadd.s32 $0xFFFFE000  }
0x7b: {  	_ =	swait.ge [sflag:s26], $0x2000  }
0x7c: {  	[sflag:s26] =	ssyncset.done $0x0  }
0x7d: {  	[sflag:s26] =	ssyncadd.s32 $0xFFFFE000  }
0x7e: {  	_ =	swait.ge [sflag:s26], $0x2000  }
0x7f: {  	[sflag:s26] =	ssyncset.done $0x0  }
0x80: {  	[sflag:s26] =	ssyncadd.s32 $0xFFFFE000  }
0x81: {  	[bflag:$0x0] =	sbarrier.arrive $0xFFFF  }
0x82: {  	[tilespmem:s23], [sflag:$0x1] =	stream.indirect.gather [hbm4b:s5+s28], $0x40, s4, s28, $0xb8;
	[tilespmem:$0x19000] =	vst v63  }
0x83: {  	_ = 	snop  }
0x84: {  	[tilespmem:s29], [sflag:$0x2] =	stream.indirect.gather [hbm4b:s5+s28], $0x40, s28, s28, $0xb8;
	[tilespmem:$0x19000] =	vst v63  }
0x85: {  	s17 =	simm.s32 $0x100  }
0x86: {  	[tilespmem:s31], [sflag:$0x3] =	stream.indirect.gather [hbm4b:s5+s28], $0x40, s17, s28, $0xb8;
	[tilespmem:$0x19000] =	vst v63  }
0x87: {  	s18 =	simm.s32 $0x180  }
0x88: {  	[tilespmem:s0], [sflag:$0x4] =	stream.indirect.gather [hbm4b:s5+s28], $0x40, s18, s28, $0xb8;
	[tilespmem:$0x19000] =	vst v63  }
0x89: {  	s19 =	simm.s32 $0x200  }
0x8a: {  	[tilespmem:s30], [sflag:$0x5] =	stream.indirect.gather [hbm4b:s5+s28], $0x40, s19, s28, $0xb8;
	[tilespmem:$0x19000] =	vst v63  }
0x8b: {  	_ =	swait.ge [sflag:s1], $0x2000  }
0x8c: {  	[sflag:s1] =	ssyncset.done $0x0  }
0x8d: {  	[sflag:s1] =	ssyncadd.s32 $0xFFFFE000  }
0x8e: {  	[spmem:s3] =	stream.indirect.scatter.add.f32 [tilespmem:s23], [sflag:$0x6], $0x40, s25, s28, $0xb8;
	[tilespmem:$0x19000] =	vst v63  }
0x8f: {  	_ =	swait.ge [sflag:s2], $0x2000  }
0x90: {  	[sflag:s2] =	ssyncset.done $0x0  }
0x91: {  	s20 =	simm.s32 $0x2880;
	[sflag:s2] =	ssyncadd.s32 $0xFFFFE000  }
0x92: {  	[spmem:s3] =	stream.indirect.scatter.add.f32 [tilespmem:s29], [sflag:$0x7], $0x40, s20, s28, $0xb8;
	[tilespmem:$0x19000] =	vst v63  }
0x93: {  	_ =	swait.ge [sflag:s6], $0x2000  }
0x94: {  	[sflag:s6] =	ssyncset.done $0x0  }
0x95: {  	s21 =	simm.s32 $0x2900;
	[sflag:s6] =	ssyncadd.s32 $0xFFFFE000  }
0x96: {  	[spmem:s3] =	stream.indirect.scatter.add.f32 [tilespmem:s31], [sflag:$0x8], $0x40, s21, s28, $0xb8;
	[tilespmem:$0x19000] =	vst v63  }
0x97: {  	_ =	swait.ge [sflag:s26], $0x2000  }
0x98: {  	[sflag:s26] =	ssyncset.done $0x0  }
0x99: {  	s17 =	simm.s32 $0x280;
	[sflag:s26] =	ssyncadd.s32 $0xFFFFE000  }
0x9a: {  	[tilespmem:s23], [sflag:$0x1] =	stream.indirect.gather [hbm4b:s5+s28], $0x40, s17, s28, $0xb8;
	[tilespmem:$0x19000] =	vst v63  }
0x9b: {  	_ =	swait.ge [sflag:s7], $0x2000  }
0x9c: {  	[sflag:s7] =	ssyncset.done $0x0  }
0x9d: {  	s18 =	simm.s32 $0x2980;
	[sflag:s7] =	ssyncadd.s32 $0xFFFFE000  }
0x9e: {  	[spmem:s3] =	stream.indirect.scatter.add.f32 [tilespmem:s0], [sflag:$0x9], $0x40, s18, s28, $0xb8;
	[tilespmem:$0x19000] =	vst v63  }
0x9f: {  	_ =	swait.ge [sflag:s9], $0x2000  }
0xa0: {  	[sflag:s9] =	ssyncset.done $0x0  }
0xa1: {  	s19 =	simm.s32 $0x300;
	[sflag:s9] =	ssyncadd.s32 $0xFFFFE000  }
0xa2: {  	[tilespmem:s29], [sflag:$0x2] =	stream.indirect.gather [hbm4b:s5+s28], $0x40, s19, s28, $0xb8;
	[tilespmem:$0x19000] =	vst v63  }
0xa3: {  	_ =	swait.ge [sflag:s10], $0x2000  }
0xa4: {  	[sflag:s10] =	ssyncset.done $0x0  }
0xa5: {  	s20 =	simm.s32 $0x2A00;
	[sflag:s10] =	ssyncadd.s32 $0xFFFFE000  }
0xa6: {  	[spmem:s3] =	stream.indirect.scatter.add.f32 [tilespmem:s30], [sflag:$0xA], $0x40, s20, s28, $0xb8;
	[tilespmem:$0x19000] =	vst v63  }
0xa7: {  	_ =	swait.ge [sflag:s11], $0x2000  }
0xa8: {  	[sflag:s11] =	ssyncset.done $0x0  }
0xa9: {  	s16 =	simm.s32 $0x0;
	s21 =	simm.s32 $0x380;
	[sflag:s11] =	ssyncadd.s32 $0xFFFFE000  }
0xaa: {  	[tilespmem:s31], [sflag:$0x3] =	stream.indirect.gather [hbm4b:s5+s28], $0x40, s21, s28, $0xb8;
	[tilespmem:$0x19000] =	vst v63  }
.LBB2_2:
0xab: {  	_ =	swait.ge [sflag:s1], $0x2000  }
0xac: {  	s17 =	sshra.s32 s16, $0x2;
	[sflag:s1] =	ssyncset.done $0x0  }
0xad: {  	s18 =	sadd.s32 $0x2A80, s17;
	[sflag:s1] =	ssyncadd.s32 $0xFFFFE000  }
0xae: {  	[spmem:s3] =	stream.indirect.scatter.add.f32 [tilespmem:s23], [sflag:$0x6], $0x40, s18, s28, $0xb8;
	[tilespmem:$0x19000] =	vst v63  }
0xaf: {  	_ =	swait.ge [sflag:s12], $0x2000  }
0xb0: {  	[sflag:s12] =	ssyncset.done $0x0  }
0xb1: {  	s20 =	sadd.s32 $0x400, s17;
	[sflag:s12] =	ssyncadd.s32 $0xFFFFE000  }
0xb2: {  	[tilespmem:s0], [sflag:$0x4] =	stream.indirect.gather [hbm4b:s5+s28], $0x40, s20, s28, $0xb8;
	[tilespmem:$0x19000] =	vst v63  }
0xb3: {  	_ =	swait.ge [sflag:s2], $0x2000  }
0xb4: {  	[sflag:s2] =	ssyncset.done $0x0  }
0xb5: {  	s21 =	sadd.s32 $0x2B00, s17;
	[sflag:s2] =	ssyncadd.s32 $0xFFFFE000  }
0xb6: {  	[spmem:s3] =	stream.indirect.scatter.add.f32 [tilespmem:s29], [sflag:$0x7], $0x40, s21, s28, $0xb8;
	[tilespmem:$0x19000] =	vst v63  }
0xb7: {  	_ =	swait.ge [sflag:s13], $0x2000  }
0xb8: {  	[sflag:s13] =	ssyncset.done $0x0  }
0xb9: {  	s19 =	sadd.s32 $0x480, s17;
	[sflag:s13] =	ssyncadd.s32 $0xFFFFE000  }
0xba: {  	[tilespmem:s30], [sflag:$0x5] =	stream.indirect.gather [hbm4b:s5+s28], $0x40, s19, s28, $0xb8;
	[tilespmem:$0x19000] =	vst v63  }
0xbb: {  	_ =	swait.ge [sflag:s6], $0x2000  }
0xbc: {  	p0 =	seq.s32 s16, $0x8C00;
	[sflag:s6] =	ssyncset.done $0x0  }
0xbd: {  	s18 =	simm.s32 @p0 $0x4;
	s20 =	sadd.s32 $0x2B80, s17;
	[sflag:s6] =	ssyncadd.s32 $0xFFFFE000  }
0xbe: {  	[spmem:s3] =	stream.indirect.scatter.add.f32 [tilespmem:s31], [sflag:$0x8], $0x40, s20, s28, $0xb8;
	[tilespmem:$0x19000] =	vst v63  }
0xbf: {  	_ =	swait.ge @p0 [sflag:s18], $0x2000  }
0xc0: {  	s19 =	simm.s32 @p0 $0x4F00;
	[sflag:s18] =	ssyncset.done @p0 $0x0  }
0xc1: {  	s20 =	simm.s32 @p0 $0xB000;
	[sflag:s18] =	ssyncadd.s32 @p0 $0xFFFFE000;
	s18 =	simm.s32 @p0 $0x80  }
0xc2: {  	[spmem:s3] =	stream.indirect.scatter.add.f32 @p0 [tilespmem:s20], [sflag:$0x9], $0x40, s19, s18, $0xb8;
	[tilespmem:$0x19000] =	vst v63  }
0xc3: {  	s18 =	simm.s32 @!p0 $0x6  }
0xc4: {  	_ =	swait.ge @!p0 [sflag:s18], $0x2000  }
0xc5: {  	[sflag:s18] =	ssyncset.done @!p0 $0x0  }
0xc6: {  	[sflag:s18] =	ssyncadd.s32 @!p0 $0xFFFFE000;
	s18 =	sshra.s32 @!p0 s16, $0x2  }
0xc7: {  	s21 =	simm.s32 @!p0 $0x5000;
	s20 =	simm.s32 @!p0 $0x80;
	s19 =	sadd.s32 @!p0 $0x500, s18  }
0xc8: {  	[tilespmem:s21], [sflag:$0x1] =	stream.indirect.gather @!p0 [hbm4b:s5+s20], $0x40, s19, s20, $0xb8;
	[tilespmem:$0x19000] =	vst v63  }
0xc9: {  	s19 =	simm.s32 @!p0 $0x4  }
0xca: {  	_ =	swait.ge @!p0 [sflag:s19], $0x2000  }
0xcb: {  	[sflag:s19] =	ssyncset.done @!p0 $0x0  }
0xcc: {  	s21 =	simm.s32 @!p0 $0xB000;
	[sflag:s19] =	ssyncadd.s32 @!p0 $0xFFFFE000;
	s19 =	sadd.s32 @!p0 $0x2C00, s18  }
0xcd: {  	[spmem:s3] =	stream.indirect.scatter.add.f32 @!p0 [tilespmem:s21], [sflag:$0x9], $0x40, s19, s20, $0xb8;
	[tilespmem:$0x19000] =	vst v63  }
0xce: {  	s19 =	simm.s32 @!p0 $0x7  }
0xcf: {  	_ =	swait.ge @!p0 [sflag:s19], $0x2000  }
0xd0: {  	[sflag:s19] =	ssyncset.done @!p0 $0x0  }
0xd1: {  	s18 =	sadd.s32 @!p0 $0x580, s18;
	[sflag:s19] =	ssyncadd.s32 @!p0 $0xFFFFE000;
	s19 =	simm.s32 @!p0 $0x7000  }
0xd2: {  	[tilespmem:s19], [sflag:$0x2] =	stream.indirect.gather @!p0 [hbm4b:s5+s20], $0x40, s18, s20, $0xb8;
	[tilespmem:$0x19000] =	vst v63  }
.Ltmp2:
0xd3: {  	_ = 	snop;
	(pc) =	sbr.rel @p0 .LBB2_4-.Ltmp2, $4  }
0xd4: {  	_ =	swait.ge [sflag:s10], $0x2000  }
0xd5: {  	[sflag:s10] =	ssyncset.done $0x0  }
0xd6: {  	s21 =	sadd.s32 $0x2C80, s17;
	[sflag:s10] =	ssyncadd.s32 $0xFFFFE000  }
0xd7: {  	[spmem:s3] =	stream.indirect.scatter.add.f32 [tilespmem:s30], [sflag:$0xA], $0x40, s21, s28, $0xb8;
	[tilespmem:$0x19000] =	vst v63  }
.Ltmp3:
0xd8: {  	(pc) =	sbr.rel .LBB2_2-.Ltmp3, $4  }
0xd9: {  	_ =	swait.ge [sflag:s11], $0x2000  }
0xda: {  	[sflag:s11] =	ssyncset.done $0x0  }
0xdb: {  	s17 =	sadd.s32 $0x600, s17;
	s16 =	sadd.s32 $0xA00, s16;
	[sflag:s11] =	ssyncadd.s32 $0xFFFFE000  }
0xdc: {  	[tilespmem:s31], [sflag:$0x3] =	stream.indirect.gather [hbm4b:s5+s28], $0x40, s17, s28, $0xb8;
	[tilespmem:$0x19000] =	vst v63  }
.LBB2_5:
0xdd: {  	_ =	sfence.sel $0x180000  }
0xde: {  	[bflag:$0x0] =	sbarrier.arrive $0xFFFF  }
0xdf: {  	_ =	strace $0x90000047  }
0xe0: {  	s0 =	stileid.u32;
	[bflag:$0x2] =	sbarrier.arrive $0xFFFF  }
0xe1: {  	p0 =	sne.s32 s0, $0x0;
	s0 =	rddreg [dreg:$0x3]  }
0xe2: {  	s0 =	sadd.s32 @!p0 $0x100000, s0  }
0xe3: {  	[sflag:s0] =	ssyncadd.tile.s32 @!p0 $0x1;
	_ =	shalt  }
.Lfunc_end2:
_tile_overlayer_lowered:
.L_overlay_start_2:
0xe4: {  	(tag) =	ssettag $0x2  }
0xe5: {  	s0 =	rddreg [dreg:$0x0];
	s2 =	stileid.u32  }
0xe6: {  	s1 =	rddreg [dreg:$0x1];
	p0 =	sne.s32 s2, $0x0  }
0xe7: {  	s3 =	rddreg [dreg:$0x2];
	[bflag:$0x3] =	sbarrier.arrive $0xFFFF;
	s2 =	simm.s32 @!p0 $0x1C0B  }
0xe8: {  	[timem:s3], [sflag:s2] =	dma.local @!p0 [hbm:s0], s1  }
0xe9: {  	s0 =	simm.s32 @!p0 $0xB  }
0xea: {  	_ =	swait.ge @!p0 [sflag:s0], s1  }
0xeb: {  	s1 =	ssub.s32 @!p0 $0x0, s1;
	[sflag:s0] =	ssyncset.done @!p0 $0x0  }
0xec: {  	[sflag:s0] =	ssyncadd.s32 @!p0 s1  }
0xed: {  	[bflag:$0x3] =	sbarrier.arrive $0xFFFF  }
0xee: {  	_ =	shalt  }

// kernel: kernel.14.cloned.1.call-start
scs
__scs_entry_jumppad:
0x0: {  	(pc) =	sbr.rel $0x88, $3  }
0x1: {  	(tag) =	ssettag $0x0;
	lr =	simm.s32 $0x1  }
0x2: {  	[smem:$0x3F99] =	sst lr;
	_ =	strace $0xD0000000  }
0x3: {  	_ = 	snop  }
0x4: {  	_ = 	snop  }
0x5: {  	_ = 	snop  }
0x6: {  	_ = 	snop  }
0x7: {  	_ = 	snop  }
__scs_overlays_trampoline_lowered:
0x8: {  	[smem:$0x3FA8] =	sst s0  }
0x9: {  	[smem:$0x3FA9] =	sst s1  }
0xa: {  	[smem:$0x3FAA] =	sst s2  }
0xb: {  	[smem:$0x3FAB] =	sst s3  }
0xc: {  	[smem:$0x3FAC] =	sst s4  }
0xd: {  	[smem:$0x3FAD] =	sst s5  }
0xe: {  	[smem:$0x3FAE] =	sst s6  }
0xf: {  	[smem:$0x3FAF] =	sst s7  }
0x10: {  	[smem:$0x3FB0] =	sst s8  }
0x11: {  	[smem:$0x3FB1] =	sst s9;
	s0 =	simm.s32 @!p0 $0x0  }
0x12: {  	s1 =	sld [smem:$0x3F97];
	s0 =	simm.s32 @p0 $0x1  }
0x13: {  	[smem:$0x3FB2] =	sst s0;
	s0 =	simm.s32 @!p1 $0x0  }
0x14: {  	s2 =	sld [smem:$0x3F96];
	s0 =	simm.s32 @p1 $0x1  }
0x15: {  	[smem:$0x3FB3] =	sst s0;
	s0 =	simm.s32 @!p2 $0x0  }
0x16: {  	s3 =	sld [smem:$0x3FDB];
	s0 =	simm.s32 @p2 $0x1  }
0x17: {  	s4 =	simm.s32 $0x1BF5;
	[smem:$0x3FB5] =	sst s0  }
0x18: {  	s0 =	sld [smem:$0x3F98];
	_ =	swait.ge [sflag:s4], $0x0  }
0x19: {  	s7 =	sld [smem:$0x3F99]  }
0x1a: {  	s8 =	sadd.s32 $0xFFFFE003, lr  }
0x1b: {  	s9 =	sadd.s32 $0xFFFFFEF7, lr;
	s5 =	simm.s32 $0xFFFFFFFF;
	p2 =	slt.u32 s8, $0xFFFFF086  }
0x1c: {  	p1 =	slt.u32 s9, $0xF7A;
	s5 =	simm.s32 @!p2 $0x0  }
0x1d: {  	s5 =	simm.s32 @p1 $0x1;
	p0 =	seq.s32 s7, s2  }
0x1e: {  	s7 =	smul.u32 @!p0 $0xF7A, s2;
	p2 =	seq.s32 @!p0 s5, $0x0  }
0x1f: {  	s9 =	smul.u32 $0xF7A, s1;
	s8 =	simm.s32 @!p0 $0x1BF5;
	p2 =	por !p2, p0  }
0x20: {  	[sflag:s8] =	ssyncset.s32 @!p0 $0xFFFFF086;
	s6 =	sadd.s32 @!p0 s3, s7;
	s7 =	simm.s32 @!p0 $0x108  }
0x21: {  	s3 =	sadd.s32 s3, s9;
	s6 =	sadd.s32 @!p0 $0x88, s6;
	s7 =	simm.s32 @p2 $0x1082  }
0x22: {  	[simem:s7], [sflag:s8] =	dma.local @!p0 [hbm:s6], $0xF7A  }
0x23: {  	s9 =	sor.u32 $0xD0000000, s2;
	s6 =	simm.s32 $0x108;
	_ =	swait.ge @!p0 [sflag:s8], $0x0  }
0x24: {  	s3 =	sadd.s32 $0x88, s3;
	s6 =	simm.s32 @!p1 $0x1082;
	[sflag:s4] =	ssyncset.s32 $0xFFFFF086  }
0x25: {  	[simem:s6], [sflag:s4] =	dma.local [hbm:s3], $0xF7A  }
0x26: {  	[smem:$0x3F99] =	sst s1;
	(tag) =	ssettag s2;
	_ =	strace s9  }
0x27: {  	s1 =	sld [smem:$0x3FA9]  }
0x28: {  	s2 =	sld [smem:$0x3FAA]  }
0x29: {  	s4 =	sld [smem:$0x3FAC]  }
0x2a: {  	p0 =	seq.s32 s5, $0x0;
	s5 =	sld [smem:$0x3FAD]  }
0x2b: {  	s6 =	sld [smem:$0x3FAE]  }
0x2c: {  	s7 =	sld [smem:$0x3FAF]  }
0x2d: {  	s3 =	simm.s32 $0x108;
	s8 =	sld [smem:$0x3FB0]  }
0x2e: {  	s3 =	simm.s32 @!p0 $0x1082;
	s9 =	sld [smem:$0x3FB1]  }
0x2f: {  	lr =	sadd.s32 s0, s3;
	s0 =	sld [smem:$0x3FA8]  }
0x30: {  	s3 =	sld [smem:$0x3FAB]  }
0x31: {  	[smem:$0x3FB4] =	sst s10  }
0x32: {  	s10 =	sld [smem:$0x3FB2];
	_ =	sdelay $0x3  }
0x33: {  	p0 =	seq.s32 s10, $0x1;
	s10 =	sld [smem:$0x3FB4];
	_ =	sdelay $0x3  }
0x34: {  	[smem:$0x3FB4] =	sst s10  }
0x35: {  	s10 =	sld [smem:$0x3FB3];
	_ =	sdelay $0x3  }
0x36: {  	p1 =	seq.s32 s10, $0x1;
	s10 =	sld [smem:$0x3FB4];
	_ =	sdelay $0x3  }
0x37: {  	[smem:$0x3FB4] =	sst s10  }
0x38: {  	s10 =	sld [smem:$0x3FB5]  }
0x39: {  	_ = 	snop;
	(pc) =	sbr.ind lr, $3  }
0x3a: {  	_ = 	snop  }
0x3b: {  	_ = 	snop  }
0x3c: {  	p2 =	seq.s32 s10, $0x1;
	s10 =	sld [smem:$0x3FB4]  }
0x3d: {  	_ =	shalt  }
0x3e: {  	_ =	shalt  }
0x3f: {  	_ =	shalt  }
0x40: {  	_ =	shalt  }
0x41: {  	_ =	shalt  }
0x42: {  	_ =	shalt  }
0x43: {  	_ =	shalt  }
0x44: {  	_ =	shalt  }
0x45: {  	_ =	shalt  }
0x46: {  	_ =	shalt  }
0x47: {  	_ =	shalt  }
0x48: {  	_ =	shalt  }
0x49: {  	_ =	shalt  }
0x4a: {  	_ =	shalt  }
0x4b: {  	_ =	shalt  }
0x4c: {  	_ =	shalt  }
0x4d: {  	_ =	shalt  }
0x4e: {  	_ =	shalt  }
0x4f: {  	_ =	shalt  }
0x50: {  	_ =	shalt  }
0x51: {  	_ =	shalt  }
0x52: {  	_ =	shalt  }
0x53: {  	_ =	shalt  }
0x54: {  	_ =	shalt  }
0x55: {  	_ =	shalt  }
0x56: {  	_ =	shalt  }
0x57: {  	_ =	shalt  }
0x58: {  	_ =	shalt  }
0x59: {  	_ =	shalt  }
0x5a: {  	_ =	shalt  }
0x5b: {  	_ =	shalt  }
0x5c: {  	_ =	shalt  }
0x5d: {  	_ =	shalt  }
0x5e: {  	_ =	shalt  }
0x5f: {  	_ =	shalt  }
0x60: {  	_ =	shalt  }
0x61: {  	_ =	shalt  }
0x62: {  	_ =	shalt  }
0x63: {  	_ =	shalt  }
0x64: {  	_ =	shalt  }
0x65: {  	_ =	shalt  }
0x66: {  	_ =	shalt  }
0x67: {  	_ =	shalt  }
0x68: {  	_ =	shalt  }
0x69: {  	_ =	shalt  }
0x6a: {  	_ =	shalt  }
0x6b: {  	_ =	shalt  }
0x6c: {  	_ =	shalt  }
0x6d: {  	_ =	shalt  }
0x6e: {  	_ =	shalt  }
0x6f: {  	_ =	shalt  }
0x70: {  	_ =	shalt  }
0x71: {  	_ =	shalt  }
0x72: {  	_ =	shalt  }
0x73: {  	_ =	shalt  }
0x74: {  	_ =	shalt  }
0x75: {  	_ =	shalt  }
0x76: {  	_ =	shalt  }
0x77: {  	_ =	shalt  }
0x78: {  	_ =	shalt  }
0x79: {  	_ =	shalt  }
0x7a: {  	_ =	shalt  }
0x7b: {  	_ =	shalt  }
0x7c: {  	_ =	shalt  }
0x7d: {  	_ =	shalt  }
0x7e: {  	_ =	shalt  }
0x7f: {  	_ =	shalt  }
0x80: {  	_ =	shalt  }
0x81: {  	_ =	shalt  }
0x82: {  	_ =	shalt  }
0x83: {  	_ =	shalt  }
0x84: {  	_ =	shalt  }
0x85: {  	_ =	shalt  }
0x86: {  	_ =	shalt  }
0x87: {  	_ =	shalt  }
.Lfunc_end0:
.L_simem_size_0:
called_computation.2_lowered:
.L_overlay_start_0:
0x88: {  	s2 =	sld [smem:$0x3FD9]  }
0x89: {  	s3 =	sld [smem:$0x3FFE];
	_ =	sdelay $0x1  }
0x8a: {  	s1 =	srdreg.scid  }
0x8b: {  	s0 =	sand.u32 $0x1, s1  }
0x8c: {  	s16 =	sshll.u32 s0, $0xA;
	s2 =	sadd.s32 s3, s2  }
0x8d: {  	s2 =	sadd.s32 s2, s16  }
0x8e: {  	[smem:$0x3FC0] =	sst s2  }
0x8f: {  	_ = 	snop  }
0x90: {  	(tm) =	ssettm $0x1  }
0x91: {  	s17 =	sld [smem:$0x3FFB];
	_ =	sdelay $0x3  }
0x92: {  	_ =	strace s17  }
0x93: {  	s2 =	sld [smem:$0x3FFC];
	_ =	sdelay $0x3  }
0x94: {  	_ =	strace s2  }
0x95: {  	s2 =	sld [smem:$0x3FFD];
	_ =	sdelay $0x3  }
0x96: {  	_ =	strace s2  }
0x97: {  	_ =	strace $0x8FFFFFFF  }
0x98: {  	s18 =	sld [smem:$0x3FDB];
	_ =	sdelay $0x1  }
0x99: {  	s19 =	simm.s32 $_scs_section_size  }
0x9a: {  	s4 =	simm.s32 $_size__tile_overlayer_lowered;
	s5 =	simm.s32 $_tile_overlayer_lowered  }
0x9b: {  	s22 =	simm.s32 $0x1BFF;
	s21 =	sshll.u32 s5, $0x1;
	s2 =	sadd.s32 s19, s18  }
0x9c: {  	s6 =	simm.s32 $0x0;
	s20 =	sshll.u32 s4, $0x1;
	s4 =	sadd.s32 s21, s2  }
0x9d: {  	[timem:s6], [sflag:s22] =	dma.local [hbm:s4], s20  }
0x9e: {  	_ =	swait.ge [sflag:s22], s20  }
0x9f: {  	s3 =	ssub.s32 $0x0, s20;
	[sflag:s22] =	ssyncset.done $0x0  }
0xa0: {  	[sflag:s22] =	ssyncadd.s32 s3;
	_ =	sdelay $0x1  }
0xa1: {  	s23 =	simm.s32 $0x1B8B  }
0xa2: {  	_ =	swait.ge [sflag:s23], $0x1  }
0xa3: {  	[sflag:s23] =	ssyncset.done $0x0  }
0xa4: {  	s25 =	simm.s32 $0x1B8E;
	s24 =	sld [smem:$0x3FFE];
	[sflag:s23] =	ssyncadd.s32 $0xFFFFFFFF  }
0xa5: {  	s26 =	simm.s32 $execute0_lowered;
	[smem:$0x3FD2] =	sst s25  }
0xa6: {  	s4 =	sshll.u32 s26, $0x1;
	_ =	strace $0x8000004C;
	[dreg:$0x1] =	wrdreg $0xFFFFFFFF  }
0xa7: {  	s28 =	simm.s32 $_size_execute0_lowered;
	s2 =	sadd.s32 s2, s4;
	[dreg:$0x0] =	wrdreg $0x0  }
0xa8: {  	s4 =	sshll.u32 s28, $0x1;
	[dreg:$0x2] =	wrdreg s2  }
0xa9: {  	[dreg:$0x3] =	wrdreg s4  }
0xaa: {  	[dreg:$0x4] =	wrdreg $0xC0  }
0xab: {  	_ =	task [dreg:s6], $0x5FFFF  }
0xac: {  	[dreg:$0x1] =	wrdreg $0xFFFFFFFF  }
0xad: {  	[dreg:$0x0] =	wrdreg $0x60  }
0xae: {  	[dreg:$0x2] =	wrdreg s24  }
0xaf: {  	[dreg:$0x3] =	wrdreg $0x58000  }
0xb0: {  	[dreg:$0x4] =	wrdreg $0x9  }
0xb1: {  	_ =	task.clear_ibuf [dreg:s6], $0x5FFFF;
	_ =	strace $0x9000004C  }
0xb2: {  	s29 =	simm.s32 $0x9;
	_ =	strace $0x8000004E  }
0xb3: {  	_ =	swait.ge [sflag:s29], $0x1  }
0xb4: {  	[sflag:s29] =	ssyncadd.s32 $0xFFFFFFFF  }
0xb5: {  	_ =	strace $0x9000004E  }
0xb6: {  	_ =	sfence  }
0xb7: {  	s30 =	sld [smem:$0x0];
	_ =	sdelay $0x2  }
0xb8: {  	s31 =	sshll.u32 s1, $0xD;
	s1 =	sshrl.u32 s1, $0x2  }
0xb9: {  	s3 =	sand.u32 $0x4000, s31;
	s1 =	sadd.s32 s1, s30  }
0xba: {  	s0 =	sor.u32 s3, s0;
	s1 =	sshll.u32 s1, $0x11  }
0xbb: {  	s0 =	sor.u32 s1, s0  }
0xbc: {  	s0 =	sadd.s32 $0x8F2B, s0  }
0xbd: {  	[sflag:s0] =	ssyncadd.remote.s32 $0x1  }
0xbe: {  	_ =	sfence.sel $0xFFFF  }
0xbf: {  	[dreg:$0x0] =	wrdreg $0xFFFFFFFF;
	(pc) =	sbr.abs _section_cstart, $3  }
0xc0: {  	[dreg:$0x1] =	wrdreg $0xFFFFFFFF  }
0xc1: {  	_ =	task.clear_ibuf [dreg:s6], $0x2FFFF;
	_ =	strace $0x9FFFFFFF  }
0xc2: {  	(tm) =	ssettm $0x7FFFFFFF  }
0xc3: {  	_ =	shalt  }
tec
execute0_lowered:
.L_overlay_start_1:
0x0: {  	(tag) =	ssettag $0x1  }
0x1: {  	s0 =	srdreg.scid  }
0x2: {  	s1 =	rddreg [dreg:$0x0];
	s9 =	stileid.u32  }
0x3: {  	s2 =	rddreg [dreg:$0x1];
	s3 =	simm.s32 $0x0;
	s28 =	simm.s32 $0x6  }
0x4: {  	s29 =	simm.s32 $0x80;
	s30 =	simm.s32 $0x2800;
	s5 =	smul.u32 $0x1400, s9  }
0x5: {  	s31 =	simm.s32 $0x3000;
	s0 =	sand.u32 $0x1, s0;
	s8 =	smul.u32 $0xA000, s9  }
0x6: {  	[smem:$0x7FF] =	sst s3;
	s6 =	sadd.s32 $0x64A00, s1;
	s10 =	smul.u32 $0x2800, s9  }
0x7: {  	s9 =	simm.s32 $0x3;
	s4 =	smul.u32 $0x14000, s0;
	_ =	strace $0x8000004D  }
0x8: {  	[dreg:$0x3] =	wrdreg s6;
	s25 =	ssub.s32 $0x2, s0;
	s0 =	smul.u32 $0x28000, s0  }
0x9: {  	s7 =	sshrl.u32 s25, $0x1;
	s11 =	sshrl.u32 s8, $0x2;
	s12 =	sadd.s32 s10, s2  }
0xa: {  	s18 =	sadd.s32 $0x800, s10;
	s21 =	sadd.s32 $0x1000, s10;
	s24 =	sadd.s32 $0x1800, s10  }
0xb: {  	s5 =	sadd.s32 s5, s4;
	s4 =	sadd.s32 $0xB800, s1;
	s6 =	ssub.s32 s25, s7  }
0xc: {  	s8 =	sadd.s32 s11, s2;
	[dreg:$0x6] =	wrdreg s12;
	s16 =	sadd.s32 s0, s10  }
0xd: {  	s20 =	sadd.s32 s0, s18;
	s22 =	sadd.s32 s21, s2;
	s23 =	sadd.s32 s0, s21  }
0xe: {  	s7 =	sadd.s32 $0x2000, s10;
	s25 =	sadd.s32 s0, s24;
	s10 =	simm.s32 $0x4  }
0xf: {  	s11 =	simm.s32 $0x7;
	s13 =	smax.u32 s6, $0x1;
	[dreg:$0xf] =	wrdreg s22  }
0x10: {  	s12 =	simm.s32 $0x5;
	s14 =	sadd.s32 $0x800, s8;
	[dreg:$0x7] =	wrdreg s13  }
0x11: {  	s5 =	sshrl.u32 s5, $0x3;
	s15 =	sadd.s32 $0x1000, s8;
	[dreg:$0x8] =	wrdreg s14  }
0x12: {  	s17 =	sadd.s32 $0x1800, s8;
	s19 =	sadd.s32 $0x2000, s8;
	[dreg:$0x9] =	wrdreg s15  }
0x13: {  	s6 =	sadd.s32 s18, s2;
	s0 =	sadd.s32 s0, s7;
	[dreg:$0xa] =	wrdreg s17  }
0x14: {  	s5 =	sadd.s32 s5, s1;
	s1 =	sadd.s32 $0x10800, s1;
	[dreg:$0xb] =	wrdreg s19  }
0x15: {  	[dreg:$0xd] =	wrdreg s6;
	s6 =	sadd.s32 s24, s2;
	s0 =	sshrl.u32 s0, $0x3  }
0x16: {  	s24 =	simm.s32 $0x5000;
	s13 =	simm.s32 $0x8;
	s14 =	simm.s32 $0x9  }
0x17: {  	s26 =	sadd.s32 $0x1800, s5;
	s5 =	sadd.s32 $0x6800, s5;
	[dreg:$0x11] =	wrdreg s6  }
0x18: {  	s15 =	simm.s32 $0xA;
	[dreg:$0x5] =	wrdreg s5;
	s5 =	sshrl.u32 s16, $0x3  }
0x19: {  	s6 =	simm.s32 $0x1;
	[dreg:$0x4] =	wrdreg s26;
	s5 =	sadd.s32 s1, s5  }
0x1a: {  	s26 =	sadd.s32 s7, s2;
	[dreg:$0xc] =	wrdreg s5;
	s5 =	sshrl.u32 s20, $0x3  }
0x1b: {  	s7 =	simm.s32 $0x2;
	s16 =	simm.s32 $0x0;
	s5 =	sadd.s32 s1, s5  }
.Ltmp0:
0x1c: {  	[dreg:$0xe] =	wrdreg s5;
	s5 =	sshrl.u32 s23, $0x3;
	(pc) =	sbr.rel .LBB2_1-.Ltmp0, $4  }
0x1d: {  	[dreg:$0x13] =	wrdreg s26;
	s26 =	simm.s32 $0x1400;
	s5 =	sadd.s32 s1, s5  }
0x1e: {  	s23 =	sadd.s32 s1, s0;
	[dreg:$0x10] =	wrdreg s5;
	s5 =	sshrl.u32 s25, $0x3  }
0x1f: {  	s0 =	simm.s32 $0x3800;
	s25 =	simm.s32 $0xB;
	s5 =	sadd.s32 s1, s5  }
0x20: {  	s1 =	simm.s32 $0x4000;
	[dreg:$0x12] =	wrdreg s5;
	s5 =	simm.s32 $0x4800  }
.LBB2_4:
0x21: {  	_ =	swait.ge [sflag:s28], $0x800  }
0x22: {  	[sflag:s28] =	ssyncset.done $0x0  }
0x23: {  	[sflag:s28] =	ssyncadd.s32 $0xFFFFF800  }
0x24: {  	_ =	swait.ge [sflag:s11], $0x800  }
0x25: {  	[sflag:s11] =	ssyncset.done $0x0  }
0x26: {  	[sflag:s11] =	ssyncadd.s32 $0xFFFFF800  }
0x27: {  	_ =	swait.ge [sflag:s13], $0x800  }
0x28: {  	[sflag:s13] =	ssyncset.done $0x0  }
0x29: {  	[sflag:s13] =	ssyncadd.s32 $0xFFFFF800  }
0x2a: {  	_ =	swait.ge [sflag:s14], $0x800  }
0x2b: {  	[sflag:s14] =	ssyncset.done $0x0  }
0x2c: {  	[sflag:s14] =	ssyncadd.s32 $0xFFFFF800  }
0x2d: {  	_ =	swait.ge [sflag:s15], $0x800  }
0x2e: {  	[sflag:s15] =	ssyncset.done $0x0  }
0x2f: {  	[sflag:s15] =	ssyncadd.s32 $0xFFFFF800  }
0x30: {  	[bflag:$0x0] =	sbarrier.arrive $0xFFFF  }
0x31: {  	s17 =	rddreg [dreg:$0x6]  }
0x32: {  	[tilespmem:s24], [sflag:$0xB] =	stream.linear.gather [spmem:s17], $0x800, $0x38;
	[tilespmem:$0x8000] =	vst v63  }
0x33: {  	_ =	swait.ge [sflag:s25], $0x800  }
0x34: {  	[sflag:s25] =	ssyncset.done $0x0  }
0x35: {  	s19 =	rddreg [dreg:$0xc];
	[sflag:s25] =	ssyncadd.s32 $0xFFFFF800  }
0x36: {  	[hbm4b:s19+s3] =	stream.linear.scatter [tilespmem:s24], [sflag:$0xB], $0x800, $0x38;
	[tilespmem:$0x8000] =	vst v63  }
0x37: {  	_ =	swait.ge [sflag:s25], $0x800  }
0x38: {  	[sflag:s25] =	ssyncset.done $0x0  }
0x39: {  	s20 =	rddreg [dreg:$0xd];
	[sflag:s25] =	ssyncadd.s32 $0xFFFFF800  }
0x3a: {  	[tilespmem:s24], [sflag:$0xB] =	stream.linear.gather [spmem:s20], $0x800, $0x38;
	[tilespmem:$0x8000] =	vst v63  }
0x3b: {  	_ =	swait.ge [sflag:s25], $0x800  }
0x3c: {  	[sflag:s25] =	ssyncset.done $0x0  }
0x3d: {  	s21 =	rddreg [dreg:$0xe];
	[sflag:s25] =	ssyncadd.s32 $0xFFFFF800  }
0x3e: {  	[hbm4b:s21+s3] =	stream.linear.scatter [tilespmem:s24], [sflag:$0xB], $0x800, $0x38;
	[tilespmem:$0x8000] =	vst v63  }
0x3f: {  	_ =	swait.ge [sflag:s25], $0x800  }
0x40: {  	[sflag:s25] =	ssyncset.done $0x0  }
0x41: {  	s22 =	rddreg [dreg:$0xf];
	[sflag:s25] =	ssyncadd.s32 $0xFFFFF800  }
0x42: {  	[tilespmem:s24], [sflag:$0xB] =	stream.linear.gather [spmem:s22], $0x800, $0x38;
	[tilespmem:$0x8000] =	vst v63  }
0x43: {  	_ =	swait.ge [sflag:s25], $0x800  }
0x44: {  	[sflag:s25] =	ssyncset.done $0x0  }
0x45: {  	s18 =	rddreg [dreg:$0x10];
	[sflag:s25] =	ssyncadd.s32 $0xFFFFF800  }
0x46: {  	[hbm4b:s18+s3] =	stream.linear.scatter [tilespmem:s24], [sflag:$0xB], $0x800, $0x38;
	[tilespmem:$0x8000] =	vst v63  }
0x47: {  	_ =	swait.ge [sflag:s25], $0x800  }
0x48: {  	[sflag:s25] =	ssyncset.done $0x0  }
0x49: {  	s19 =	rddreg [dreg:$0x11];
	[sflag:s25] =	ssyncadd.s32 $0xFFFFF800  }
0x4a: {  	[tilespmem:s24], [sflag:$0xB] =	stream.linear.gather [spmem:s19], $0x800, $0x38;
	[tilespmem:$0x8000] =	vst v63  }
0x4b: {  	_ =	swait.ge [sflag:s25], $0x800  }
0x4c: {  	[sflag:s25] =	ssyncset.done $0x0  }
0x4d: {  	s20 =	rddreg [dreg:$0x12];
	[sflag:s25] =	ssyncadd.s32 $0xFFFFF800  }
0x4e: {  	[hbm4b:s20+s3] =	stream.linear.scatter [tilespmem:s24], [sflag:$0xB], $0x800, $0x38;
	[tilespmem:$0x8000] =	vst v63  }
0x4f: {  	_ =	swait.ge [sflag:s25], $0x800  }
0x50: {  	[sflag:s25] =	ssyncset.done $0x0  }
0x51: {  	s21 =	rddreg [dreg:$0x13];
	[sflag:s25] =	ssyncadd.s32 $0xFFFFF800  }
0x52: {  	[tilespmem:s24], [sflag:$0xB] =	stream.linear.gather [spmem:s21], $0x800, $0x38;
	[tilespmem:$0x8000] =	vst v63  }
0x53: {  	_ =	swait.ge [sflag:s25], $0x800  }
0x54: {  	[sflag:s25] =	ssyncset.done $0x0  }
0x55: {  	[sflag:s25] =	ssyncadd.s32 $0xFFFFF800  }
0x56: {  	[hbm4b:s23+s3] =	stream.linear.scatter [tilespmem:s24], [sflag:$0xB], $0x800, $0x38;
	[tilespmem:$0x8000] =	vst v63  }
0x57: {  	_ =	swait.ge [sflag:s25], $0x800  }
0x58: {  	s16 =	sadd.s32 $0x1, s16;
	s22 =	rddreg [dreg:$0x7]  }
0x59: {  	p0 =	sne.s32 s16, s22  }
.Ltmp1:
0x5a: {  	_ = 	snop;
	(pc) =	sbr.rel @!p0 .LBB2_5-.Ltmp1, $3  }
0x5b: {  	_ =	sdelay $0x1  }
0x5c: {  	[sflag:s25] =	ssyncset.done $0x0  }
0x5d: {  	[sflag:s25] =	ssyncadd.s32 $0xFFFFF800  }
.LBB2_1:
0x5e: {  	s17 =	rddreg [dreg:$0x3]  }
0x5f: {  	[tilespmem:s24], [sflag:$0xB] =	stream.linear.gather [hbm4b:s17+s3], $0x800, $0x38;
	[tilespmem:$0x8000] =	vst v63  }
0x60: {  	_ =	swait.ge [sflag:s25], $0x800  }
0x61: {  	[sflag:s25] =	ssyncset.done $0x0  }
0x62: {  	s22 =	rddreg [dreg:$0x4];
	[sflag:s25] =	ssyncadd.s32 $0xFFFFF800  }
0x63: {  	[tilespmem:s3], [sflag:$0xB] =	stream.linear.gather [hbm4b:s22+s3], $0x1400, $0x38;
	[tilespmem:$0x8000] =	vst v63  }
0x64: {  	_ =	swait.ge [sflag:s25], $0x1400  }
0x65: {  	[sflag:s25] =	ssyncset.done $0x0  }
0x66: {  	s18 =	rddreg [dreg:$0x5];
	[sflag:s25] =	ssyncadd.s32 $0xFFFFEC00  }
0x67: {  	[tilespmem:s26], [sflag:$0xB] =	stream.linear.gather [hbm4b:s18+s3], $0x1400, $0x38;
	[tilespmem:$0x8000] =	vst v63  }
0x68: {  	_ =	swait.ge [sflag:s25], $0x1400  }
0x69: {  	[sflag:s25] =	ssyncset.done $0x0  }
0x6a: {  	[sflag:s25] =	ssyncadd.s32 $0xFFFFEC00  }
0x6b: {  	[spmem:s8] =	stream.linear.scatter [tilespmem:s24], [sflag:$0x6], $0x800, $0x38;
	[tilespmem:$0x8000] =	vst v63  }
0x6c: {  	s19 =	rddreg [dreg:$0x8]  }
0x6d: {  	[spmem:s19] =	stream.linear.scatter [tilespmem:s24], [sflag:$0x6], $0x800, $0x38;
	[tilespmem:$0x8000] =	vst v63  }
0x6e: {  	s20 =	rddreg [dreg:$0x9]  }
0x6f: {  	[spmem:s20] =	stream.linear.scatter [tilespmem:s24], [sflag:$0x6], $0x800, $0x38;
	[tilespmem:$0x8000] =	vst v63  }
0x70: {  	s21 =	rddreg [dreg:$0xa]  }
0x71: {  	[spmem:s21] =	stream.linear.scatter [tilespmem:s24], [sflag:$0x6], $0x800, $0x38;
	[tilespmem:$0x8000] =	vst v63  }
0x72: {  	s22 =	rddreg [dreg:$0xb]  }
0x73: {  	[spmem:s22] =	stream.linear.scatter [tilespmem:s24], [sflag:$0x6], $0x800, $0x38;
	[tilespmem:$0x8000] =	vst v63  }
0x74: {  	_ =	swait.ge [sflag:s28], $0x800  }
0x75: {  	[sflag:s28] =	ssyncset.done $0x0  }
0x76: {  	[sflag:s28] =	ssyncadd.s32 $0xFFFFF800  }
0x77: {  	_ =	swait.ge [sflag:s28], $0x800  }
0x78: {  	[sflag:s28] =	ssyncset.done $0x0  }
0x79: {  	[sflag:s28] =	ssyncadd.s32 $0xFFFFF800  }
0x7a: {  	_ =	swait.ge [sflag:s28], $0x800  }
0x7b: {  	[sflag:s28] =	ssyncset.done $0x0  }
0x7c: {  	[sflag:s28] =	ssyncadd.s32 $0xFFFFF800  }
0x7d: {  	_ =	swait.ge [sflag:s28], $0x800  }
0x7e: {  	[sflag:s28] =	ssyncset.done $0x0  }
0x7f: {  	[sflag:s28] =	ssyncadd.s32 $0xFFFFF800  }
0x80: {  	_ =	swait.ge [sflag:s28], $0x800  }
0x81: {  	[sflag:s28] =	ssyncset.done $0x0  }
0x82: {  	[sflag:s28] =	ssyncadd.s32 $0xFFFFF800  }
0x83: {  	[bflag:$0x0] =	sbarrier.arrive $0xFFFF  }
0x84: {  	[tilespmem:s30], [sflag:$0x1] =	stream.indirect.gather [hbm4b:s4+s29], $0x10, s3, s29, $0xb8;
	[tilespmem:$0x8000] =	vst v63  }
0x85: {  	_ = 	snop  }
0x86: {  	[tilespmem:s31], [sflag:$0x2] =	stream.indirect.gather [hbm4b:s4+s29], $0x10, s29, s29, $0xb8;
	[tilespmem:$0x8000] =	vst v63  }
0x87: {  	s18 =	simm.s32 $0x100  }
0x88: {  	[tilespmem:s0], [sflag:$0x3] =	stream.indirect.gather [hbm4b:s4+s29], $0x10, s18, s29, $0xb8;
	[tilespmem:$0x8000] =	vst v63  }
0x89: {  	s19 =	simm.s32 $0x180  }
0x8a: {  	[tilespmem:s1], [sflag:$0x4] =	stream.indirect.gather [hbm4b:s4+s29], $0x10, s19, s29, $0xb8;
	[tilespmem:$0x8000] =	vst v63  }
0x8b: {  	s20 =	simm.s32 $0x200  }
0x8c: {  	[tilespmem:s5], [sflag:$0x5] =	stream.indirect.gather [hbm4b:s4+s29], $0x10, s20, s29, $0xb8;
	[tilespmem:$0x8000] =	vst v63  }
0x8d: {  	_ =	swait.ge [sflag:s6], $0x800  }
0x8e: {  	[sflag:s6] =	ssyncset.done $0x0  }
0x8f: {  	[sflag:s6] =	ssyncadd.s32 $0xFFFFF800  }
0x90: {  	[spmem:s2] =	stream.indirect.scatter.add.f32 [tilespmem:s30], [sflag:$0x6], $0x10, s26, s29, $0xb8;
	[tilespmem:$0x8000] =	vst v63  }
0x91: {  	_ =	swait.ge [sflag:s7], $0x800  }
0x92: {  	[sflag:s7] =	ssyncset.done $0x0  }
0x93: {  	s21 =	simm.s32 $0x1480;
	[sflag:s7] =	ssyncadd.s32 $0xFFFFF800  }
0x94: {  	[spmem:s2] =	stream.indirect.scatter.add.f32 [tilespmem:s31], [sflag:$0x7], $0x10, s21, s29, $0xb8;
	[tilespmem:$0x8000] =	vst v63  }
0x95: {  	_ =	swait.ge [sflag:s9], $0x800  }
0x96: {  	[sflag:s9] =	ssyncset.done $0x0  }
0x97: {  	s22 =	simm.s32 $0x1500;
	[sflag:s9] =	ssyncadd.s32 $0xFFFFF800  }
0x98: {  	[spmem:s2] =	stream.indirect.scatter.add.f32 [tilespmem:s0], [sflag:$0x8], $0x10, s22, s29, $0xb8;
	[tilespmem:$0x8000] =	vst v63  }
0x99: {  	_ =	swait.ge [sflag:s28], $0x800  }
0x9a: {  	[sflag:s28] =	ssyncset.done $0x0  }
0x9b: {  	s18 =	simm.s32 $0x280;
	[sflag:s28] =	ssyncadd.s32 $0xFFFFF800  }
0x9c: {  	[tilespmem:s30], [sflag:$0x1] =	stream.indirect.gather [hbm4b:s4+s29], $0x10, s18, s29, $0xb8;
	[tilespmem:$0x8000] =	vst v63  }
0x9d: {  	_ =	swait.ge [sflag:s10], $0x800  }
0x9e: {  	[sflag:s10] =	ssyncset.done $0x0  }
0x9f: {  	s19 =	simm.s32 $0x1580;
	[sflag:s10] =	ssyncadd.s32 $0xFFFFF800  }
0xa0: {  	[spmem:s2] =	stream.indirect.scatter.add.f32 [tilespmem:s1], [sflag:$0x9], $0x10, s19, s29, $0xb8;
	[tilespmem:$0x8000] =	vst v63  }
0xa1: {  	_ =	swait.ge [sflag:s11], $0x800  }
0xa2: {  	[sflag:s11] =	ssyncset.done $0x0  }
0xa3: {  	s20 =	simm.s32 $0x300;
	[sflag:s11] =	ssyncadd.s32 $0xFFFFF800  }
0xa4: {  	[tilespmem:s31], [sflag:$0x2] =	stream.indirect.gather [hbm4b:s4+s29], $0x10, s20, s29, $0xb8;
	[tilespmem:$0x8000] =	vst v63  }
0xa5: {  	_ =	swait.ge [sflag:s12], $0x800  }
0xa6: {  	[sflag:s12] =	ssyncset.done $0x0  }
0xa7: {  	s21 =	simm.s32 $0x1600;
	[sflag:s12] =	ssyncadd.s32 $0xFFFFF800  }
0xa8: {  	[spmem:s2] =	stream.indirect.scatter.add.f32 [tilespmem:s5], [sflag:$0xA], $0x10, s21, s29, $0xb8;
	[tilespmem:$0x8000] =	vst v63  }
0xa9: {  	_ =	swait.ge [sflag:s13], $0x800  }
0xaa: {  	[sflag:s13] =	ssyncset.done $0x0  }
0xab: {  	s17 =	simm.s32 $0x0;
	s22 =	simm.s32 $0x380;
	[sflag:s13] =	ssyncadd.s32 $0xFFFFF800  }
0xac: {  	[tilespmem:s0], [sflag:$0x3] =	stream.indirect.gather [hbm4b:s4+s29], $0x10, s22, s29, $0xb8;
	[tilespmem:$0x8000] =	vst v63  }
.LBB2_2:
0xad: {  	_ =	swait.ge [sflag:s6], $0x800  }
0xae: {  	s18 =	sshra.s32 s17, $0x2;
	[sflag:s6] =	ssyncset.done $0x0  }
0xaf: {  	s19 =	sadd.s32 $0x1680, s18;
	[sflag:s6] =	ssyncadd.s32 $0xFFFFF800  }
0xb0: {  	[spmem:s2] =	stream.indirect.scatter.add.f32 [tilespmem:s30], [sflag:$0x6], $0x10, s19, s29, $0xb8;
	[tilespmem:$0x8000] =	vst v63  }
0xb1: {  	_ =	swait.ge [sflag:s14], $0x800  }
0xb2: {  	[sflag:s14] =	ssyncset.done $0x0  }
0xb3: {  	s21 =	sadd.s32 $0x400, s18;
	[sflag:s14] =	ssyncadd.s32 $0xFFFFF800  }
0xb4: {  	[tilespmem:s1], [sflag:$0x4] =	stream.indirect.gather [hbm4b:s4+s29], $0x10, s21, s29, $0xb8;
	[tilespmem:$0x8000] =	vst v63  }
0xb5: {  	_ =	swait.ge [sflag:s7], $0x800  }
0xb6: {  	[sflag:s7] =	ssyncset.done $0x0  }
0xb7: {  	s22 =	sadd.s32 $0x1700, s18;
	[sflag:s7] =	ssyncadd.s32 $0xFFFFF800  }
0xb8: {  	[spmem:s2] =	stream.indirect.scatter.add.f32 [tilespmem:s31], [sflag:$0x7], $0x10, s22, s29, $0xb8;
	[tilespmem:$0x8000] =	vst v63  }
0xb9: {  	_ =	swait.ge [sflag:s15], $0x800  }
0xba: {  	[sflag:s15] =	ssyncset.done $0x0  }
0xbb: {  	s20 =	sadd.s32 $0x480, s18;
	[sflag:s15] =	ssyncadd.s32 $0xFFFFF800  }
0xbc: {  	[tilespmem:s5], [sflag:$0x5] =	stream.indirect.gather [hbm4b:s4+s29], $0x10, s20, s29, $0xb8;
	[tilespmem:$0x8000] =	vst v63  }
0xbd: {  	_ =	swait.ge [sflag:s9], $0x800  }
0xbe: {  	p0 =	seq.s32 s17, $0x3C00;
	[sflag:s9] =	ssyncset.done $0x0  }
0xbf: {  	s19 =	simm.s32 @p0 $0x4;
	s21 =	sadd.s32 $0x1780, s18;
	[sflag:s9] =	ssyncadd.s32 $0xFFFFF800  }
0xc0: {  	[spmem:s2] =	stream.indirect.scatter.add.f32 [tilespmem:s0], [sflag:$0x8], $0x10, s21, s29, $0xb8;
	[tilespmem:$0x8000] =	vst v63  }
0xc1: {  	_ =	swait.ge @p0 [sflag:s19], $0x800  }
0xc2: {  	s20 =	simm.s32 @p0 $0x2700;
	[sflag:s19] =	ssyncset.done @p0 $0x0  }
0xc3: {  	s21 =	simm.s32 @p0 $0x4000;
	[sflag:s19] =	ssyncadd.s32 @p0 $0xFFFFF800;
	s19 =	simm.s32 @p0 $0x80  }
0xc4: {  	[spmem:s2] =	stream.indirect.scatter.add.f32 @p0 [tilespmem:s21], [sflag:$0x9], $0x10, s20, s19, $0xb8;
	[tilespmem:$0x8000] =	vst v63  }
0xc5: {  	s19 =	simm.s32 @!p0 $0x6  }
0xc6: {  	_ =	swait.ge @!p0 [sflag:s19], $0x800  }
0xc7: {  	[sflag:s19] =	ssyncset.done @!p0 $0x0  }
0xc8: {  	[sflag:s19] =	ssyncadd.s32 @!p0 $0xFFFFF800;
	s19 =	sshra.s32 @!p0 s17, $0x2  }
0xc9: {  	s22 =	simm.s32 @!p0 $0x2800;
	s21 =	simm.s32 @!p0 $0x80;
	s20 =	sadd.s32 @!p0 $0x500, s19  }
0xca: {  	[tilespmem:s22], [sflag:$0x1] =	stream.indirect.gather @!p0 [hbm4b:s4+s21], $0x10, s20, s21, $0xb8;
	[tilespmem:$0x8000] =	vst v63  }
0xcb: {  	s20 =	simm.s32 @!p0 $0x4  }
0xcc: {  	_ =	swait.ge @!p0 [sflag:s20], $0x800  }
0xcd: {  	[sflag:s20] =	ssyncset.done @!p0 $0x0  }
0xce: {  	s22 =	simm.s32 @!p0 $0x4000;
	[sflag:s20] =	ssyncadd.s32 @!p0 $0xFFFFF800;
	s20 =	sadd.s32 @!p0 $0x1800, s19  }
0xcf: {  	[spmem:s2] =	stream.indirect.scatter.add.f32 @!p0 [tilespmem:s22], [sflag:$0x9], $0x10, s20, s21, $0xb8;
	[tilespmem:$0x8000] =	vst v63  }
0xd0: {  	s20 =	simm.s32 @!p0 $0x7  }
0xd1: {  	_ =	swait.ge @!p0 [sflag:s20], $0x800  }
0xd2: {  	[sflag:s20] =	ssyncset.done @!p0 $0x0  }
0xd3: {  	s19 =	sadd.s32 @!p0 $0x580, s19;
	[sflag:s20] =	ssyncadd.s32 @!p0 $0xFFFFF800;
	s20 =	simm.s32 @!p0 $0x3000  }
0xd4: {  	[tilespmem:s20], [sflag:$0x2] =	stream.indirect.gather @!p0 [hbm4b:s4+s21], $0x10, s19, s21, $0xb8;
	[tilespmem:$0x8000] =	vst v63  }
.Ltmp2:
0xd5: {  	_ = 	snop;
	(pc) =	sbr.rel @p0 .LBB2_4-.Ltmp2, $4  }
0xd6: {  	_ =	swait.ge [sflag:s12], $0x800  }
0xd7: {  	[sflag:s12] =	ssyncset.done $0x0  }
0xd8: {  	s22 =	sadd.s32 $0x1880, s18;
	[sflag:s12] =	ssyncadd.s32 $0xFFFFF800  }
0xd9: {  	[spmem:s2] =	stream.indirect.scatter.add.f32 [tilespmem:s5], [sflag:$0xA], $0x10, s22, s29, $0xb8;
	[tilespmem:$0x8000] =	vst v63  }
.Ltmp3:
0xda: {  	(pc) =	sbr.rel .LBB2_2-.Ltmp3, $4  }
0xdb: {  	_ =	swait.ge [sflag:s13], $0x800  }
0xdc: {  	[sflag:s13] =	ssyncset.done $0x0  }
0xdd: {  	s18 =	sadd.s32 $0x600, s18;
	s17 =	sadd.s32 $0xA00, s17;
	[sflag:s13] =	ssyncadd.s32 $0xFFFFF800  }
0xde: {  	[tilespmem:s0], [sflag:$0x3] =	stream.indirect.gather [hbm4b:s4+s29], $0x10, s18, s29, $0xb8;
	[tilespmem:$0x8000] =	vst v63  }
.LBB2_5:
0xdf: {  	_ =	sfence.sel $0x180000  }
0xe0: {  	[bflag:$0x0] =	sbarrier.arrive $0xFFFF  }
0xe1: {  	_ =	strace $0x9000004D  }
0xe2: {  	s0 =	stileid.u32;
	[bflag:$0x2] =	sbarrier.arrive $0xFFFF  }
0xe3: {  	p0 =	sne.s32 s0, $0x0;
	s0 =	rddreg [dreg:$0x2]  }
0xe4: {  	s0 =	sadd.s32 @!p0 $0x100000, s0  }
0xe5: {  	[sflag:s0] =	ssyncadd.tile.s32 @!p0 $0x1;
	_ =	shalt  }
.Lfunc_end2:
_tile_overlayer_lowered:
.L_overlay_start_2:
0xe6: {  	(tag) =	ssettag $0x2  }
0xe7: {  	s0 =	rddreg [dreg:$0x0];
	s2 =	stileid.u32  }
0xe8: {  	s1 =	rddreg [dreg:$0x1];
	p0 =	sne.s32 s2, $0x0  }
0xe9: {  	s3 =	rddreg [dreg:$0x2];
	[bflag:$0x3] =	sbarrier.arrive $0xFFFF;
	s2 =	simm.s32 @!p0 $0x1C0B  }
0xea: {  	[timem:s3], [sflag:s2] =	dma.local @!p0 [hbm:s0], s1  }
0xeb: {  	s0 =	simm.s32 @!p0 $0xB  }
0xec: {  	_ =	swait.ge @!p0 [sflag:s0], s1  }
0xed: {  	s1 =	ssub.s32 @!p0 $0x0, s1;
	[sflag:s0] =	ssyncset.done @!p0 $0x0  }
0xee: {  	[sflag:s0] =	ssyncadd.s32 @!p0 s1  }
0xef: {  	[bflag:$0x3] =	sbarrier.arrive $0xFFFF  }
0xf0: {  	_ =	shalt  }

// kernel: kernel.8.cloned.1.call-start
scs
__scs_entry_jumppad:
0x0: {  	(pc) =	sbr.rel $0x88, $3  }
0x1: {  	(tag) =	ssettag $0x0;
	lr =	simm.s32 $0x1  }
0x2: {  	[smem:$0x3F99] =	sst lr;
	_ =	strace $0xD0000000  }
0x3: {  	_ = 	snop  }
0x4: {  	_ = 	snop  }
0x5: {  	_ = 	snop  }
0x6: {  	_ = 	snop  }
0x7: {  	_ = 	snop  }
__scs_overlays_trampoline_lowered:
0x8: {  	[smem:$0x3FA8] =	sst s0  }
0x9: {  	[smem:$0x3FA9] =	sst s1  }
0xa: {  	[smem:$0x3FAA] =	sst s2  }
0xb: {  	[smem:$0x3FAB] =	sst s3  }
0xc: {  	[smem:$0x3FAC] =	sst s4  }
0xd: {  	[smem:$0x3FAD] =	sst s5  }
0xe: {  	[smem:$0x3FAE] =	sst s6  }
0xf: {  	[smem:$0x3FAF] =	sst s7  }
0x10: {  	[smem:$0x3FB0] =	sst s8  }
0x11: {  	[smem:$0x3FB1] =	sst s9;
	s0 =	simm.s32 @!p0 $0x0  }
0x12: {  	s1 =	sld [smem:$0x3F97];
	s0 =	simm.s32 @p0 $0x1  }
0x13: {  	[smem:$0x3FB2] =	sst s0;
	s0 =	simm.s32 @!p1 $0x0  }
0x14: {  	s2 =	sld [smem:$0x3F96];
	s0 =	simm.s32 @p1 $0x1  }
0x15: {  	[smem:$0x3FB3] =	sst s0;
	s0 =	simm.s32 @!p2 $0x0  }
0x16: {  	s3 =	sld [smem:$0x3FDB];
	s0 =	simm.s32 @p2 $0x1  }
0x17: {  	s4 =	simm.s32 $0x1BF5;
	[smem:$0x3FB5] =	sst s0  }
0x18: {  	s0 =	sld [smem:$0x3F98];
	_ =	swait.ge [sflag:s4], $0x0  }
0x19: {  	s7 =	sld [smem:$0x3F99]  }
0x1a: {  	s8 =	sadd.s32 $0xFFFFE003, lr  }
0x1b: {  	s9 =	sadd.s32 $0xFFFFFEF7, lr;
	s5 =	simm.s32 $0xFFFFFFFF;
	p2 =	slt.u32 s8, $0xFFFFF086  }
0x1c: {  	p1 =	slt.u32 s9, $0xF7A;
	s5 =	simm.s32 @!p2 $0x0  }
0x1d: {  	s5 =	simm.s32 @p1 $0x1;
	p0 =	seq.s32 s7, s2  }
0x1e: {  	s7 =	smul.u32 @!p0 $0xF7A, s2;
	p2 =	seq.s32 @!p0 s5, $0x0  }
0x1f: {  	s9 =	smul.u32 $0xF7A, s1;
	s8 =	simm.s32 @!p0 $0x1BF5;
	p2 =	por !p2, p0  }
0x20: {  	[sflag:s8] =	ssyncset.s32 @!p0 $0xFFFFF086;
	s6 =	sadd.s32 @!p0 s3, s7;
	s7 =	simm.s32 @!p0 $0x108  }
0x21: {  	s3 =	sadd.s32 s3, s9;
	s6 =	sadd.s32 @!p0 $0x88, s6;
	s7 =	simm.s32 @p2 $0x1082  }
0x22: {  	[simem:s7], [sflag:s8] =	dma.local @!p0 [hbm:s6], $0xF7A  }
0x23: {  	s9 =	sor.u32 $0xD0000000, s2;
	s6 =	simm.s32 $0x108;
	_ =	swait.ge @!p0 [sflag:s8], $0x0  }
0x24: {  	s3 =	sadd.s32 $0x88, s3;
	s6 =	simm.s32 @!p1 $0x1082;
	[sflag:s4] =	ssyncset.s32 $0xFFFFF086  }
0x25: {  	[simem:s6], [sflag:s4] =	dma.local [hbm:s3], $0xF7A  }
0x26: {  	[smem:$0x3F99] =	sst s1;
	(tag) =	ssettag s2;
	_ =	strace s9  }
0x27: {  	s1 =	sld [smem:$0x3FA9]  }
0x28: {  	s2 =	sld [smem:$0x3FAA]  }
0x29: {  	s4 =	sld [smem:$0x3FAC]  }
0x2a: {  	p0 =	seq.s32 s5, $0x0;
	s5 =	sld [smem:$0x3FAD]  }
0x2b: {  	s6 =	sld [smem:$0x3FAE]  }
0x2c: {  	s7 =	sld [smem:$0x3FAF]  }
0x2d: {  	s3 =	simm.s32 $0x108;
	s8 =	sld [smem:$0x3FB0]  }
0x2e: {  	s3 =	simm.s32 @!p0 $0x1082;
	s9 =	sld [smem:$0x3FB1]  }
0x2f: {  	lr =	sadd.s32 s0, s3;
	s0 =	sld [smem:$0x3FA8]  }
0x30: {  	s3 =	sld [smem:$0x3FAB]  }
0x31: {  	[smem:$0x3FB4] =	sst s10  }
0x32: {  	s10 =	sld [smem:$0x3FB2];
	_ =	sdelay $0x3  }
0x33: {  	p0 =	seq.s32 s10, $0x1;
	s10 =	sld [smem:$0x3FB4];
	_ =	sdelay $0x3  }
0x34: {  	[smem:$0x3FB4] =	sst s10  }
0x35: {  	s10 =	sld [smem:$0x3FB3];
	_ =	sdelay $0x3  }
0x36: {  	p1 =	seq.s32 s10, $0x1;
	s10 =	sld [smem:$0x3FB4];
	_ =	sdelay $0x3  }
0x37: {  	[smem:$0x3FB4] =	sst s10  }
0x38: {  	s10 =	sld [smem:$0x3FB5]  }
0x39: {  	_ = 	snop;
	(pc) =	sbr.ind lr, $3  }
0x3a: {  	_ = 	snop  }
0x3b: {  	_ = 	snop  }
0x3c: {  	p2 =	seq.s32 s10, $0x1;
	s10 =	sld [smem:$0x3FB4]  }
0x3d: {  	_ =	shalt  }
0x3e: {  	_ =	shalt  }
0x3f: {  	_ =	shalt  }
0x40: {  	_ =	shalt  }
0x41: {  	_ =	shalt  }
0x42: {  	_ =	shalt  }
0x43: {  	_ =	shalt  }
0x44: {  	_ =	shalt  }
0x45: {  	_ =	shalt  }
0x46: {  	_ =	shalt  }
0x47: {  	_ =	shalt  }
0x48: {  	_ =	shalt  }
0x49: {  	_ =	shalt  }
0x4a: {  	_ =	shalt  }
0x4b: {  	_ =	shalt  }
0x4c: {  	_ =	shalt  }
0x4d: {  	_ =	shalt  }
0x4e: {  	_ =	shalt  }
0x4f: {  	_ =	shalt  }
0x50: {  	_ =	shalt  }
0x51: {  	_ =	shalt  }
0x52: {  	_ =	shalt  }
0x53: {  	_ =	shalt  }
0x54: {  	_ =	shalt  }
0x55: {  	_ =	shalt  }
0x56: {  	_ =	shalt  }
0x57: {  	_ =	shalt  }
0x58: {  	_ =	shalt  }
0x59: {  	_ =	shalt  }
0x5a: {  	_ =	shalt  }
0x5b: {  	_ =	shalt  }
0x5c: {  	_ =	shalt  }
0x5d: {  	_ =	shalt  }
0x5e: {  	_ =	shalt  }
0x5f: {  	_ =	shalt  }
0x60: {  	_ =	shalt  }
0x61: {  	_ =	shalt  }
0x62: {  	_ =	shalt  }
0x63: {  	_ =	shalt  }
0x64: {  	_ =	shalt  }
0x65: {  	_ =	shalt  }
0x66: {  	_ =	shalt  }
0x67: {  	_ =	shalt  }
0x68: {  	_ =	shalt  }
0x69: {  	_ =	shalt  }
0x6a: {  	_ =	shalt  }
0x6b: {  	_ =	shalt  }
0x6c: {  	_ =	shalt  }
0x6d: {  	_ =	shalt  }
0x6e: {  	_ =	shalt  }
0x6f: {  	_ =	shalt  }
0x70: {  	_ =	shalt  }
0x71: {  	_ =	shalt  }
0x72: {  	_ =	shalt  }
0x73: {  	_ =	shalt  }
0x74: {  	_ =	shalt  }
0x75: {  	_ =	shalt  }
0x76: {  	_ =	shalt  }
0x77: {  	_ =	shalt  }
0x78: {  	_ =	shalt  }
0x79: {  	_ =	shalt  }
0x7a: {  	_ =	shalt  }
0x7b: {  	_ =	shalt  }
0x7c: {  	_ =	shalt  }
0x7d: {  	_ =	shalt  }
0x7e: {  	_ =	shalt  }
0x7f: {  	_ =	shalt  }
0x80: {  	_ =	shalt  }
0x81: {  	_ =	shalt  }
0x82: {  	_ =	shalt  }
0x83: {  	_ =	shalt  }
0x84: {  	_ =	shalt  }
0x85: {  	_ =	shalt  }
0x86: {  	_ =	shalt  }
0x87: {  	_ =	shalt  }
.Lfunc_end0:
.L_simem_size_0:
called_computation_lowered:
.L_overlay_start_0:
0x88: {  	s2 =	sld [smem:$0x3FD9]  }
0x89: {  	s3 =	sld [smem:$0x3FFE];
	_ =	sdelay $0x1  }
0x8a: {  	s1 =	srdreg.scid  }
0x8b: {  	s0 =	sand.u32 $0x1, s1  }
0x8c: {  	s17 =	sshll.u32 s0, $0xA;
	s2 =	sadd.s32 s3, s2  }
0x8d: {  	s2 =	sadd.s32 s2, s17  }
0x8e: {  	[smem:$0x3FC0] =	sst s2  }
0x8f: {  	_ = 	snop  }
0x90: {  	(tm) =	ssettm $0x1  }
0x91: {  	s18 =	sld [smem:$0x3FFB];
	_ =	sdelay $0x3  }
0x92: {  	_ =	strace s18  }
0x93: {  	s2 =	sld [smem:$0x3FFC];
	_ =	sdelay $0x3  }
0x94: {  	_ =	strace s2  }
0x95: {  	s2 =	sld [smem:$0x3FFD];
	_ =	sdelay $0x3  }
0x96: {  	_ =	strace s2  }
0x97: {  	_ =	strace $0x8FFFFFFF  }
0x98: {  	s19 =	sld [smem:$0x3FDB];
	_ =	sdelay $0x1  }
0x99: {  	s20 =	simm.s32 $_scs_section_size  }
0x9a: {  	s4 =	simm.s32 $_size__tile_overlayer_lowered;
	s5 =	simm.s32 $_tile_overlayer_lowered  }
0x9b: {  	s6 =	simm.s32 $0x1BFF;
	s21 =	sshll.u32 s5, $0x1;
	s3 =	sadd.s32 s20, s19  }
0x9c: {  	s22 =	simm.s32 $0x0;
	s4 =	sshll.u32 s4, $0x1;
	s5 =	sadd.s32 s21, s3  }
0x9d: {  	[timem:s22], [sflag:s6] =	dma.local [hbm:s5], s4  }
0x9e: {  	_ =	swait.ge [sflag:s6], s4  }
0x9f: {  	s4 =	ssub.s32 $0x0, s4;
	[sflag:s6] =	ssyncset.done $0x0  }
0xa0: {  	[sflag:s6] =	ssyncadd.s32 s4;
	_ =	sdelay $0x1  }
0xa1: {  	s23 =	simm.s32 $0x1B8B  }
0xa2: {  	_ =	swait.ge [sflag:s23], $0x1  }
0xa3: {  	[sflag:s23] =	ssyncset.done $0x0  }
0xa4: {  	[sflag:s23] =	ssyncadd.s32 $0xFFFFFFFF  }
0xa5: {  	s4 =	sld [smem:$0x0]  }
0xa6: {  	s5 =	sand.u32 $0xFFFFFFFE, s1  }
0xa7: {  	p0 =	sne.s32 s1, s5  }
0xa8: {  	s5 =	sshll.u32 @p0 s5, $0xE  }
0xa9: {  	s5 =	sadd.s32 @p0 $0x11B8D, s5;
	s6 =	sshll.u32 @p0 s4, $0x11  }
0xaa: {  	s5 =	sor.u32 @p0 s6, s5  }
0xab: {  	[sflag:s5] =	ssyncadd.remote.s32 @p0 $0x1;
	_ =	sdelay $0x1  }
0xac: {  	s5 =	simm.s32 @p0 $0x1B8D  }
0xad: {  	_ =	swait.eq @p0 [sflag:s5], $0x1  }
0xae: {  	[sflag:s5] =	ssyncadd.s32 @p0 $0xFFFFFFFF  }
0xaf: {  	s6 =	sshll.u32 @!p0 s1, $0xE  }
0xb0: {  	s6 =	sor.u32 @!p0 $0x4000, s6;
	s5 =	simm.s32 @!p0 $0x1B8D  }
0xb1: {  	s4 =	sshll.u32 @!p0 s4, $0x11;
	s6 =	sadd.s32 @!p0 $0x11B8D, s6;
	_ =	swait.eq @!p0 [sflag:s5], $0x1  }
0xb2: {  	s4 =	sor.u32 @!p0 s4, s6;
	[sflag:s5] =	ssyncadd.s32 @!p0 $0xFFFFFFFF  }
0xb3: {  	s25 =	simm.s32 $0x1B8E;
	s24 =	sld [smem:$0x3FFE];
	[sflag:s4] =	ssyncadd.remote.s32 @!p0 $0x1  }
0xb4: {  	s26 =	simm.s32 $execute0_lowered;
	[smem:$0x3FD2] =	sst s25  }
0xb5: {  	s5 =	sshll.u32 s26, $0x1;
	_ =	strace $0x80000049;
	[dreg:$0x1] =	wrdreg $0xFFFFFFFF  }
0xb6: {  	s28 =	simm.s32 $_size_execute0_lowered;
	s3 =	sadd.s32 s3, s5;
	[dreg:$0x0] =	wrdreg $0x0  }
0xb7: {  	s5 =	sshll.u32 s28, $0x1;
	[dreg:$0x2] =	wrdreg s3  }
0xb8: {  	[dreg:$0x3] =	wrdreg s5  }
0xb9: {  	[dreg:$0x4] =	wrdreg $0xC0  }
0xba: {  	_ =	task [dreg:s22], $0x5FFFF  }
0xbb: {  	[dreg:$0x1] =	wrdreg $0xFFFFFFFF  }
0xbc: {  	[dreg:$0x0] =	wrdreg $0x60  }
0xbd: {  	[dreg:$0x2] =	wrdreg s24  }
0xbe: {  	[dreg:$0x3] =	wrdreg $0x24000  }
0xbf: {  	[dreg:$0x4] =	wrdreg $0x9  }
0xc0: {  	_ =	task.clear_ibuf [dreg:s22], $0x5FFFF;
	_ =	strace $0x90000049  }
0xc1: {  	s29 =	simm.s32 $0x9;
	_ =	strace $0x8000004B  }
0xc2: {  	_ =	swait.ge [sflag:s29], $0x1  }
0xc3: {  	[sflag:s29] =	ssyncadd.s32 $0xFFFFFFFF  }
0xc4: {  	_ =	strace $0x9000004B  }
0xc5: {  	_ =	sfence  }
0xc6: {  	s30 =	sld [smem:$0x0];
	_ =	sdelay $0x2  }
0xc7: {  	s31 =	sshll.u32 s1, $0xD;
	s1 =	sshrl.u32 s1, $0x2  }
0xc8: {  	s4 =	sand.u32 $0x4000, s31;
	s1 =	sadd.s32 s1, s30  }
0xc9: {  	s0 =	sor.u32 s4, s0;
	s1 =	sshll.u32 s1, $0x11  }
0xca: {  	s0 =	sor.u32 s1, s0  }
0xcb: {  	s0 =	sadd.s32 $0x8F2B, s0  }
0xcc: {  	[sflag:s0] =	ssyncadd.remote.s32 $0x1  }
0xcd: {  	_ =	sfence.sel $0xFFFF  }
0xce: {  	[dreg:$0x0] =	wrdreg $0xFFFFFFFF;
	(pc) =	sbr.abs _section_cstart, $3  }
0xcf: {  	[dreg:$0x1] =	wrdreg $0xFFFFFFFF  }
0xd0: {  	_ =	task.clear_ibuf [dreg:s22], $0x2FFFF;
	_ =	strace $0x9FFFFFFF  }
0xd1: {  	(tm) =	ssettm $0x7FFFFFFF  }
tec
execute0_lowered:
.L_overlay_start_1:
0x0: {  	(tag) =	ssettag $0x1  }
0x1: {  	s0 =	srdreg.scid  }
0x2: {  	s9 =	stileid.u32;
	s6 =	rddreg [dreg:$0x0]  }
0x3: {  	s2 =	rddreg [dreg:$0x1];
	s3 =	simm.s32 $0x0;
	s28 =	simm.s32 $0x80  }
0x4: {  	s29 =	simm.s32 $0x1280;
	s30 =	simm.s32 $0x1300;
	s4 =	smul.u32 $0x1400, s9  }
0x5: {  	s31 =	simm.s32 $0x1380;
	s0 =	sand.u32 $0x1, s0;
	s8 =	smul.u32 $0xA000, s9  }
0x6: {  	[smem:$0x7FF] =	sst s3;
	s5 =	sadd.s32 $0x64A00, s6;
	s19 =	smul.u32 $0x2800, s9  }
0x7: {  	s22 =	sadd.s32 $0x64E00, s6;
	s1 =	smul.u32 $0x14000, s0;
	s7 =	ssub.s32 $0x2, s0  }
0x8: {  	_ =	strace $0x8000004A;
	s0 =	smul.u32 $0x28000, s0;
	s18 =	sshrl.u32 s7, $0x1  }
0x9: {  	s21 =	sshrl.u32 s8, $0x2;
	s8 =	sadd.s32 s19, s2;
	s15 =	sadd.s32 $0x800, s19  }
0xa: {  	s17 =	sadd.s32 $0x1000, s19;
	s1 =	sadd.s32 s4, s1;
	s4 =	sadd.s32 $0x64C00, s6  }
0xb: {  	s20 =	ssub.s32 s7, s18;
	s7 =	sadd.s32 s21, s2;
	s23 =	sadd.s32 s0, s19  }
0xc: {  	s16 =	sadd.s32 s0, s15;
	s15 =	sadd.s32 s15, s2;
	s25 =	sadd.s32 s0, s17  }
0xd: {  	s17 =	sadd.s32 s17, s2;
	s21 =	sadd.s32 $0x2000, s19;
	s1 =	sshrl.u32 s1, $0x3  }
0xe: {  	s9 =	smax.u32 s20, $0x1;
	s10 =	sadd.s32 $0x800, s7;
	s11 =	sadd.s32 $0x1000, s7  }
0xf: {  	s12 =	sadd.s32 $0x1800, s7;
	s13 =	sadd.s32 $0x2000, s7;
	s24 =	sshrl.u32 s16, $0x3  }
0x10: {  	s20 =	sadd.s32 $0x1800, s19;
	s1 =	sadd.s32 s1, s6;
	s16 =	sadd.s32 s22, s24  }
0x11: {  	s26 =	sadd.s32 s0, s20;
	s19 =	sadd.s32 s20, s2;
	s0 =	sadd.s32 s0, s21  }
0x12: {  	s21 =	sadd.s32 s21, s2;
	s24 =	simm.s32 $0x2;
	s6 =	sadd.s32 $0x6800, s1  }
0x13: {  	s1 =	sshrl.u32 s23, $0x3;
	s0 =	sshrl.u32 s0, $0x3;
	s23 =	simm.s32 $0x1C00  }
0x14: {  	s14 =	sadd.s32 s22, s1;
	s1 =	sshrl.u32 s25, $0x3;
	s25 =	simm.s32 $0x1400  }
0x15: {  	s18 =	sadd.s32 s22, s1;
	s1 =	sshrl.u32 s26, $0x3;
	s26 =	simm.s32 $0x1  }
0x16: {  	s20 =	sadd.s32 s22, s1;
	s22 =	sadd.s32 s22, s0;
	s1 =	simm.s32 $0x0  }
.LBB2_1:
0x17: {  	[tilespmem:s23], [sflag:$0x2] =	stream.linear.gather [hbm4b:s5+s3], $0x800, $0x38;
	[tilespmem:$0x4C00] =	vst v63  }
0x18: {  	_ =	swait.ge [sflag:s24], $0x800  }
0x19: {  	[sflag:s24] =	ssyncset.done $0x0  }
0x1a: {  	[sflag:s24] =	ssyncadd.s32 $0xFFFFF800  }
0x1b: {  	[tilespmem:s25], [sflag:$0x2] =	stream.linear.gather [hbm4b:s4+s3], $0x800, $0x38;
	[tilespmem:$0x4C00] =	vst v63  }
0x1c: {  	_ =	swait.ge [sflag:s24], $0x800  }
0x1d: {  	[sflag:s24] =	ssyncset.done $0x0  }
0x1e: {  	[sflag:s24] =	ssyncadd.s32 $0xFFFFF800  }
0x1f: {  	[tilespmem:s3], [sflag:$0x2] =	stream.linear.gather [hbm4b:s6+s3], $0x1400, $0x38;
	[tilespmem:$0x4C00] =	vst v63  }
0x20: {  	_ =	swait.ge [sflag:s24], $0x1400  }
0x21: {  	[sflag:s24] =	ssyncset.done $0x0  }
0x22: {  	[sflag:s24] =	ssyncadd.s32 $0xFFFFEC00  }
0x23: {  	[spmem:s7] =	stream.linear.scatter [tilespmem:s23], [sflag:$0x1], $0x800, $0x38;
	[tilespmem:$0x4C00] =	vst v63  }
0x24: {  	_ = 	snop  }
0x25: {  	[spmem:s10] =	stream.linear.scatter [tilespmem:s23], [sflag:$0x1], $0x800, $0x38;
	[tilespmem:$0x4C00] =	vst v63  }
0x26: {  	_ = 	snop  }
0x27: {  	[spmem:s11] =	stream.linear.scatter [tilespmem:s23], [sflag:$0x1], $0x800, $0x38;
	[tilespmem:$0x4C00] =	vst v63  }
0x28: {  	_ = 	snop  }
0x29: {  	[spmem:s12] =	stream.linear.scatter [tilespmem:s23], [sflag:$0x1], $0x800, $0x38;
	[tilespmem:$0x4C00] =	vst v63  }
0x2a: {  	_ = 	snop  }
0x2b: {  	[spmem:s13] =	stream.linear.scatter [tilespmem:s23], [sflag:$0x1], $0x800, $0x38;
	[tilespmem:$0x4C00] =	vst v63  }
0x2c: {  	_ =	swait.ge [sflag:s26], $0x800  }
0x2d: {  	[sflag:s26] =	ssyncset.done $0x0  }
0x2e: {  	[sflag:s26] =	ssyncadd.s32 $0xFFFFF800  }
0x2f: {  	_ =	swait.ge [sflag:s26], $0x800  }
0x30: {  	[sflag:s26] =	ssyncset.done $0x0  }
0x31: {  	[sflag:s26] =	ssyncadd.s32 $0xFFFFF800  }
0x32: {  	_ =	swait.ge [sflag:s26], $0x800  }
0x33: {  	[sflag:s26] =	ssyncset.done $0x0  }
0x34: {  	[sflag:s26] =	ssyncadd.s32 $0xFFFFF800  }
0x35: {  	_ =	swait.ge [sflag:s26], $0x800  }
0x36: {  	[sflag:s26] =	ssyncset.done $0x0  }
0x37: {  	[sflag:s26] =	ssyncadd.s32 $0xFFFFF800  }
0x38: {  	_ =	swait.ge [sflag:s26], $0x800  }
0x39: {  	[sflag:s26] =	ssyncset.done $0x0  }
0x3a: {  	[sflag:s26] =	ssyncadd.s32 $0xFFFFF800  }
0x3b: {  	[bflag:$0x0] =	sbarrier.arrive $0xFFFF  }
0x3c: {  	[spmem:s2] =	stream.indirect.scatter.add.f32 [tilespmem:s25], [sflag:$0x1], $0x10, s3, s28, $0xb8;
	[tilespmem:$0x4C00] =	vst v63  }
0x3d: {  	_ = 	snop  }
0x3e: {  	[spmem:s2] =	stream.indirect.scatter.add.f32 [tilespmem:s25], [sflag:$0x1], $0x10, s28, s28, $0xb8;
	[tilespmem:$0x4C00] =	vst v63  }
0x3f: {  	s0 =	simm.s32 $0x100  }
0x40: {  	[spmem:s2] =	stream.indirect.scatter.add.f32 [tilespmem:s25], [sflag:$0x1], $0x10, s0, s28, $0xb8;
	[tilespmem:$0x4C00] =	vst v63  }
0x41: {  	s0 =	simm.s32 $0x180  }
0x42: {  	[spmem:s2] =	stream.indirect.scatter.add.f32 [tilespmem:s25], [sflag:$0x1], $0x10, s0, s28, $0xb8;
	[tilespmem:$0x4C00] =	vst v63  }
0x43: {  	s0 =	simm.s32 $0x200  }
0x44: {  	[spmem:s2] =	stream.indirect.scatter.add.f32 [tilespmem:s25], [sflag:$0x1], $0x10, s0, s28, $0xb8;
	[tilespmem:$0x4C00] =	vst v63  }
0x45: {  	s0 =	simm.s32 $0x280  }
0x46: {  	[spmem:s2] =	stream.indirect.scatter.add.f32 [tilespmem:s25], [sflag:$0x1], $0x10, s0, s28, $0xb8;
	[tilespmem:$0x4C00] =	vst v63  }
0x47: {  	s0 =	simm.s32 $0x300  }
0x48: {  	[spmem:s2] =	stream.indirect.scatter.add.f32 [tilespmem:s25], [sflag:$0x1], $0x10, s0, s28, $0xb8;
	[tilespmem:$0x4C00] =	vst v63  }
0x49: {  	s0 =	simm.s32 $0x380  }
0x4a: {  	[spmem:s2] =	stream.indirect.scatter.add.f32 [tilespmem:s25], [sflag:$0x1], $0x10, s0, s28, $0xb8;
	[tilespmem:$0x4C00] =	vst v63  }
0x4b: {  	s0 =	simm.s32 $0x400  }
0x4c: {  	[spmem:s2] =	stream.indirect.scatter.add.f32 [tilespmem:s25], [sflag:$0x1], $0x10, s0, s28, $0xb8;
	[tilespmem:$0x4C00] =	vst v63  }
0x4d: {  	s0 =	simm.s32 $0x480  }
0x4e: {  	[spmem:s2] =	stream.indirect.scatter.add.f32 [tilespmem:s25], [sflag:$0x1], $0x10, s0, s28, $0xb8;
	[tilespmem:$0x4C00] =	vst v63  }
0x4f: {  	s0 =	simm.s32 $0x500  }
0x50: {  	[spmem:s2] =	stream.indirect.scatter.add.f32 [tilespmem:s25], [sflag:$0x1], $0x10, s0, s28, $0xb8;
	[tilespmem:$0x4C00] =	vst v63  }
0x51: {  	s0 =	simm.s32 $0x580  }
0x52: {  	[spmem:s2] =	stream.indirect.scatter.add.f32 [tilespmem:s25], [sflag:$0x1], $0x10, s0, s28, $0xb8;
	[tilespmem:$0x4C00] =	vst v63  }
0x53: {  	s0 =	simm.s32 $0x600  }
0x54: {  	[spmem:s2] =	stream.indirect.scatter.add.f32 [tilespmem:s25], [sflag:$0x1], $0x10, s0, s28, $0xb8;
	[tilespmem:$0x4C00] =	vst v63  }
0x55: {  	s0 =	simm.s32 $0x680  }
0x56: {  	[spmem:s2] =	stream.indirect.scatter.add.f32 [tilespmem:s25], [sflag:$0x1], $0x10, s0, s28, $0xb8;
	[tilespmem:$0x4C00] =	vst v63  }
0x57: {  	s0 =	simm.s32 $0x700  }
0x58: {  	[spmem:s2] =	stream.indirect.scatter.add.f32 [tilespmem:s25], [sflag:$0x1], $0x10, s0, s28, $0xb8;
	[tilespmem:$0x4C00] =	vst v63  }
0x59: {  	s0 =	simm.s32 $0x780  }
0x5a: {  	[spmem:s2] =	stream.indirect.scatter.add.f32 [tilespmem:s25], [sflag:$0x1], $0x10, s0, s28, $0xb8;
	[tilespmem:$0x4C00] =	vst v63  }
0x5b: {  	s0 =	simm.s32 $0x800  }
0x5c: {  	[spmem:s2] =	stream.indirect.scatter.add.f32 [tilespmem:s25], [sflag:$0x1], $0x10, s0, s28, $0xb8;
	[tilespmem:$0x4C00] =	vst v63  }
0x5d: {  	s0 =	simm.s32 $0x880  }
0x5e: {  	[spmem:s2] =	stream.indirect.scatter.add.f32 [tilespmem:s25], [sflag:$0x1], $0x10, s0, s28, $0xb8;
	[tilespmem:$0x4C00] =	vst v63  }
0x5f: {  	s0 =	simm.s32 $0x900  }
0x60: {  	[spmem:s2] =	stream.indirect.scatter.add.f32 [tilespmem:s25], [sflag:$0x1], $0x10, s0, s28, $0xb8;
	[tilespmem:$0x4C00] =	vst v63  }
0x61: {  	s0 =	simm.s32 $0x980  }
0x62: {  	[spmem:s2] =	stream.indirect.scatter.add.f32 [tilespmem:s25], [sflag:$0x1], $0x10, s0, s28, $0xb8;
	[tilespmem:$0x4C00] =	vst v63  }
0x63: {  	s0 =	simm.s32 $0xA00  }
0x64: {  	[spmem:s2] =	stream.indirect.scatter.add.f32 [tilespmem:s25], [sflag:$0x1], $0x10, s0, s28, $0xb8;
	[tilespmem:$0x4C00] =	vst v63  }
0x65: {  	s0 =	simm.s32 $0xA80  }
0x66: {  	[spmem:s2] =	stream.indirect.scatter.add.f32 [tilespmem:s25], [sflag:$0x1], $0x10, s0, s28, $0xb8;
	[tilespmem:$0x4C00] =	vst v63  }
0x67: {  	s0 =	simm.s32 $0xB00  }
0x68: {  	[spmem:s2] =	stream.indirect.scatter.add.f32 [tilespmem:s25], [sflag:$0x1], $0x10, s0, s28, $0xb8;
	[tilespmem:$0x4C00] =	vst v63  }
0x69: {  	s0 =	simm.s32 $0xB80  }
0x6a: {  	[spmem:s2] =	stream.indirect.scatter.add.f32 [tilespmem:s25], [sflag:$0x1], $0x10, s0, s28, $0xb8;
	[tilespmem:$0x4C00] =	vst v63  }
0x6b: {  	s0 =	simm.s32 $0xC00  }
0x6c: {  	[spmem:s2] =	stream.indirect.scatter.add.f32 [tilespmem:s25], [sflag:$0x1], $0x10, s0, s28, $0xb8;
	[tilespmem:$0x4C00] =	vst v63  }
0x6d: {  	s0 =	simm.s32 $0xC80  }
0x6e: {  	[spmem:s2] =	stream.indirect.scatter.add.f32 [tilespmem:s25], [sflag:$0x1], $0x10, s0, s28, $0xb8;
	[tilespmem:$0x4C00] =	vst v63  }
0x6f: {  	s0 =	simm.s32 $0xD00  }
0x70: {  	[spmem:s2] =	stream.indirect.scatter.add.f32 [tilespmem:s25], [sflag:$0x1], $0x10, s0, s28, $0xb8;
	[tilespmem:$0x4C00] =	vst v63  }
0x71: {  	s0 =	simm.s32 $0xD80  }
0x72: {  	[spmem:s2] =	stream.indirect.scatter.add.f32 [tilespmem:s25], [sflag:$0x1], $0x10, s0, s28, $0xb8;
	[tilespmem:$0x4C00] =	vst v63  }
0x73: {  	s0 =	simm.s32 $0xE00  }
0x74: {  	[spmem:s2] =	stream.indirect.scatter.add.f32 [tilespmem:s25], [sflag:$0x1], $0x10, s0, s28, $0xb8;
	[tilespmem:$0x4C00] =	vst v63  }
0x75: {  	s0 =	simm.s32 $0xE80  }
0x76: {  	[spmem:s2] =	stream.indirect.scatter.add.f32 [tilespmem:s25], [sflag:$0x1], $0x10, s0, s28, $0xb8;
	[tilespmem:$0x4C00] =	vst v63  }
0x77: {  	s0 =	simm.s32 $0xF00  }
0x78: {  	[spmem:s2] =	stream.indirect.scatter.add.f32 [tilespmem:s25], [sflag:$0x1], $0x10, s0, s28, $0xb8;
	[tilespmem:$0x4C00] =	vst v63  }
0x79: {  	s0 =	simm.s32 $0xF80  }
0x7a: {  	[spmem:s2] =	stream.indirect.scatter.add.f32 [tilespmem:s25], [sflag:$0x1], $0x10, s0, s28, $0xb8;
	[tilespmem:$0x4C00] =	vst v63  }
0x7b: {  	s0 =	simm.s32 $0x1000  }
0x7c: {  	[spmem:s2] =	stream.indirect.scatter.add.f32 [tilespmem:s25], [sflag:$0x1], $0x10, s0, s28, $0xb8;
	[tilespmem:$0x4C00] =	vst v63  }
0x7d: {  	s0 =	simm.s32 $0x1080  }
0x7e: {  	[spmem:s2] =	stream.indirect.scatter.add.f32 [tilespmem:s25], [sflag:$0x1], $0x10, s0, s28, $0xb8;
	[tilespmem:$0x4C00] =	vst v63  }
0x7f: {  	s0 =	simm.s32 $0x1100  }
0x80: {  	[spmem:s2] =	stream.indirect.scatter.add.f32 [tilespmem:s25], [sflag:$0x1], $0x10, s0, s28, $0xb8;
	[tilespmem:$0x4C00] =	vst v63  }
0x81: {  	s0 =	simm.s32 $0x1180  }
0x82: {  	[spmem:s2] =	stream.indirect.scatter.add.f32 [tilespmem:s25], [sflag:$0x1], $0x10, s0, s28, $0xb8;
	[tilespmem:$0x4C00] =	vst v63  }
0x83: {  	s0 =	simm.s32 $0x1200  }
0x84: {  	[spmem:s2] =	stream.indirect.scatter.add.f32 [tilespmem:s25], [sflag:$0x1], $0x10, s0, s28, $0xb8;
	[tilespmem:$0x4C00] =	vst v63  }
0x85: {  	_ = 	snop  }
0x86: {  	[spmem:s2] =	stream.indirect.scatter.add.f32 [tilespmem:s25], [sflag:$0x1], $0x10, s29, s28, $0xb8;
	[tilespmem:$0x4C00] =	vst v63  }
0x87: {  	_ = 	snop  }
0x88: {  	[spmem:s2] =	stream.indirect.scatter.add.f32 [tilespmem:s25], [sflag:$0x1], $0x10, s30, s28, $0xb8;
	[tilespmem:$0x4C00] =	vst v63  }
0x89: {  	_ = 	snop  }
0x8a: {  	[spmem:s2] =	stream.indirect.scatter.add.f32 [tilespmem:s25], [sflag:$0x1], $0x10, s31, s28, $0xb8;
	[tilespmem:$0x4C00] =	vst v63  }
0x8b: {  	_ =	swait.ge [sflag:s26], $0x800  }
0x8c: {  	s0 =	simm.s32 $0x27;
	[sflag:s26] =	ssyncset.done $0x0  }
.LBB2_2:
0x8d: {  	p0 =	sne.s32 s0, $0x1;
	s0 =	sadd.s32 $0xFFFFFFFF, s0;
	[sflag:s26] =	ssyncadd.s32 $0xFFFFF800  }
.Ltmp0:
0x8e: {  	(pc) =	sbr.rel @p0 .LBB2_2-.Ltmp0, $3  }
0x8f: {  	_ =	sdelay $0x1  }
0x90: {  	_ =	swait.ge [sflag:s26], $0x800  }
0x91: {  	[sflag:s26] =	ssyncset.done $0x0  }
0x92: {  	[sflag:s26] =	ssyncadd.s32 $0xFFFFF800  }
0x93: {  	[bflag:$0x0] =	sbarrier.arrive $0xFFFF  }
0x94: {  	[tilespmem:s23], [sflag:$0x2] =	stream.linear.gather [spmem:s8], $0x800, $0x38;
	[tilespmem:$0x4C00] =	vst v63  }
0x95: {  	_ =	swait.ge [sflag:s24], $0x800  }
0x96: {  	[sflag:s24] =	ssyncset.done $0x0  }
0x97: {  	[sflag:s24] =	ssyncadd.s32 $0xFFFFF800  }
0x98: {  	[hbm4b:s14+s3] =	stream.linear.scatter [tilespmem:s23], [sflag:$0x2], $0x800, $0x38;
	[tilespmem:$0x4C00] =	vst v63  }
0x99: {  	_ =	swait.ge [sflag:s24], $0x800  }
0x9a: {  	[sflag:s24] =	ssyncset.done $0x0  }
0x9b: {  	[sflag:s24] =	ssyncadd.s32 $0xFFFFF800  }
0x9c: {  	[tilespmem:s23], [sflag:$0x2] =	stream.linear.gather [spmem:s15], $0x800, $0x38;
	[tilespmem:$0x4C00] =	vst v63  }
0x9d: {  	_ =	swait.ge [sflag:s24], $0x800  }
0x9e: {  	[sflag:s24] =	ssyncset.done $0x0  }
0x9f: {  	[sflag:s24] =	ssyncadd.s32 $0xFFFFF800  }
0xa0: {  	[hbm4b:s16+s3] =	stream.linear.scatter [tilespmem:s23], [sflag:$0x2], $0x800, $0x38;
	[tilespmem:$0x4C00] =	vst v63  }
0xa1: {  	_ =	swait.ge [sflag:s24], $0x800  }
0xa2: {  	[sflag:s24] =	ssyncset.done $0x0  }
0xa3: {  	[sflag:s24] =	ssyncadd.s32 $0xFFFFF800  }
0xa4: {  	[tilespmem:s23], [sflag:$0x2] =	stream.linear.gather [spmem:s17], $0x800, $0x38;
	[tilespmem:$0x4C00] =	vst v63  }
0xa5: {  	_ =	swait.ge [sflag:s24], $0x800  }
0xa6: {  	[sflag:s24] =	ssyncset.done $0x0  }
0xa7: {  	[sflag:s24] =	ssyncadd.s32 $0xFFFFF800  }
0xa8: {  	[hbm4b:s18+s3] =	stream.linear.scatter [tilespmem:s23], [sflag:$0x2], $0x800, $0x38;
	[tilespmem:$0x4C00] =	vst v63  }
0xa9: {  	_ =	swait.ge [sflag:s24], $0x800  }
0xaa: {  	[sflag:s24] =	ssyncset.done $0x0  }
0xab: {  	[sflag:s24] =	ssyncadd.s32 $0xFFFFF800  }
0xac: {  	[tilespmem:s23], [sflag:$0x2] =	stream.linear.gather [spmem:s19], $0x800, $0x38;
	[tilespmem:$0x4C00] =	vst v63  }
0xad: {  	_ =	swait.ge [sflag:s24], $0x800  }
0xae: {  	[sflag:s24] =	ssyncset.done $0x0  }
0xaf: {  	[sflag:s24] =	ssyncadd.s32 $0xFFFFF800  }
0xb0: {  	[hbm4b:s20+s3] =	stream.linear.scatter [tilespmem:s23], [sflag:$0x2], $0x800, $0x38;
	[tilespmem:$0x4C00] =	vst v63  }
0xb1: {  	_ =	swait.ge [sflag:s24], $0x800  }
0xb2: {  	[sflag:s24] =	ssyncset.done $0x0  }
0xb3: {  	[sflag:s24] =	ssyncadd.s32 $0xFFFFF800  }
0xb4: {  	[tilespmem:s23], [sflag:$0x2] =	stream.linear.gather [spmem:s21], $0x800, $0x38;
	[tilespmem:$0x4C00] =	vst v63  }
0xb5: {  	s1 =	sadd.s32 $0x1, s1;
	_ =	swait.ge [sflag:s24], $0x800  }
0xb6: {  	p0 =	sne.s32 s1, s9;
	[sflag:s24] =	ssyncset.done $0x0  }
.Ltmp1:
0xb7: {  	[sflag:s24] =	ssyncadd.s32 $0xFFFFF800;
	(pc) =	sbr.rel @p0 .LBB2_1-.Ltmp1, $4  }
0xb8: {  	[hbm4b:s22+s3] =	stream.linear.scatter [tilespmem:s23], [sflag:$0x2], $0x800, $0x38;
	[tilespmem:$0x4C00] =	vst v63  }
0xb9: {  	_ =	swait.ge [sflag:s24], $0x800  }
0xba: {  	[sflag:s24] =	ssyncset.done $0x0  }
0xbb: {  	[sflag:s24] =	ssyncadd.s32 $0xFFFFF800  }
0xbc: {  	_ =	sfence.sel $0x180000  }
0xbd: {  	[bflag:$0x0] =	sbarrier.arrive $0xFFFF  }
0xbe: {  	_ =	strace $0x9000004A  }
0xbf: {  	s0 =	stileid.u32;
	[bflag:$0x2] =	sbarrier.arrive $0xFFFF  }
0xc0: {  	p0 =	sne.s32 s0, $0x0;
	s0 =	rddreg [dreg:$0x2]  }
0xc1: {  	s0 =	sadd.s32 @!p0 $0x100000, s0  }
0xc2: {  	[sflag:s0] =	ssyncadd.tile.s32 @!p0 $0x1;
	_ =	shalt  }
.Lfunc_end2:
_tile_overlayer_lowered:
.L_overlay_start_2:
0xc3: {  	(tag) =	ssettag $0x2  }
0xc4: {  	s0 =	rddreg [dreg:$0x0];
	s2 =	stileid.u32  }
0xc5: {  	s1 =	rddreg [dreg:$0x1];
	p0 =	sne.s32 s2, $0x0  }
0xc6: {  	s3 =	rddreg [dreg:$0x2];
	[bflag:$0x3] =	sbarrier.arrive $0xFFFF;
	s2 =	simm.s32 @!p0 $0x1C02  }
0xc7: {  	[timem:s3], [sflag:s2] =	dma.local @!p0 [hbm:s0], s1  }
0xc8: {  	s0 =	simm.s32 @!p0 $0x2  }
0xc9: {  	_ =	swait.ge @!p0 [sflag:s0], s1  }
0xca: {  	s1 =	ssub.s32 @!p0 $0x0, s1;
	[sflag:s0] =	ssyncset.done @!p0 $0x0  }
0xcb: {  	[sflag:s0] =	ssyncadd.s32 @!p0 s1  }
0xcc: {  	[bflag:$0x3] =	sbarrier.arrive $0xFFFF  }
0xcd: {  	_ =	shalt  }

</sc_bundles>
